<compile_context>
chip_gen: v7x
topology: tpu7x:2x2x1
jax: 0.10.2.dev20260603
libtpu: 0.0.44.dev20260713+nightly
codegen_flags: <defaults>
</compile_context>

<pallas_src>
import jax
import jax.numpy as jnp
from jax.experimental import pallas as pl
from jax.experimental.pallas import tpu as pltpu
from jax.experimental.pallas import tpu_sc as plsc

B, N, D = 16, 576, 256
K = 8192
T = B * N
M_TILE = 256
N_TILES = T // M_TILE
GATHER_WINDOW = 128


def _c2_body(cb_ref, c2_ref, cb2_ref):
    cb = cb_ref[...]
    c2_ref[...] = jnp.sum(cb * cb, axis=1).reshape(1, K)
    cb2_ref[...] = (cb + cb).astype(jnp.bfloat16)


LANE = 128
K_SPLIT = 4
KS = K // K_SPLIT


def _argmin_body(x_ref, cb2_ref, c2_ref, idx_ref):
    x = x_ref[...]
    x16 = x.astype(jnp.bfloat16)
    x2 = jnp.sum(x * x, axis=1, keepdims=True)
    c2 = c2_ref[...]
    lane = jax.lax.broadcasted_iota(jnp.int32, (M_TILE, LANE), 1)

    acc_v = None
    for s in range(K_SPLIT):
        xc2 = jax.lax.dot_general(
            x16, cb2_ref[s * KS:(s + 1) * KS, :], (((1,), (1,)), ((), ())),
            preferred_element_type=jnp.float32)

        def block_dist(j):
            return (x2 - xc2[:, j * LANE:(j + 1) * LANE]) \
                + c2[:, (s * KS + j * LANE):(s * KS + (j + 1) * LANE)]

        j0 = s * (KS // LANE)
        for j in range(KS // LANE):
            d = block_dist(j)
            if acc_v is None:
                acc_v = d
                acc_b = jnp.zeros((M_TILE, LANE), jnp.int32)
            else:
                cmp = d < acc_v
                acc_v = jnp.minimum(acc_v, d)
                acc_b = jnp.where(cmp, jnp.int32(j0 + j), acc_b)

    mn = jnp.min(acc_v, axis=1, keepdims=True)
    kk = acc_b * LANE + lane
    idx = jnp.min(jnp.where(acc_v == mn, kk, jnp.int32(K)), axis=1)
    idx_ref[0, 0, :] = idx


def _codebook_prep(codebook):
    return pl.pallas_call(
        _c2_body,
        in_specs=[pl.BlockSpec((K, D), lambda: (0, 0))],
        out_specs=[pl.BlockSpec((1, K), lambda: (0, 0)),
                   pl.BlockSpec((K, D), lambda: (0, 0))],
        out_shape=[jax.ShapeDtypeStruct((1, K), jnp.float32),
                   jax.ShapeDtypeStruct((K, D), jnp.bfloat16)],
    )(codebook)


def _nearest_idx(x_flat, cb2, c2, tile0, tiles):
    out = pl.pallas_call(
        _argmin_body,
        grid=(tiles,),
        in_specs=[
            pl.BlockSpec((M_TILE, D), lambda i: (i + tile0, 0)),
            pl.BlockSpec((K, D), lambda i: (0, 0)),
            pl.BlockSpec((1, K), lambda i: (0, 0)),
        ],
        out_specs=pl.BlockSpec((1, 1, M_TILE), lambda i: (i, 0, 0)),
        out_shape=jax.ShapeDtypeStruct((tiles, 1, M_TILE), jnp.int32),
        compiler_params=pltpu.CompilerParams(
            dimension_semantics=("parallel",)),
    )(x_flat, cb2, c2)
    return out.reshape(tiles * M_TILE)


def _sc_mesh():
    return plsc.VectorSubcoreMesh(
        core_axis_name="core", subcore_axis_name="subcore")


def _sc_gather(codebook, idx):
    n = idx.shape[0]
    idx2 = idx.reshape(1, n)
    win = GATHER_WINDOW

    @pl.kernel(out_type=jax.ShapeDtypeStruct((n, D), codebook.dtype),
               mesh=_sc_mesh())
    def kern(cb_hbm, i_hbm, o_hbm):
        def body(i_vmem, o_vmem):
            pltpu.sync_copy(cb_hbm.at[i_vmem.at[0]], o_vmem)

        pltpu.emit_pipeline(
            body,
            grid=(n // win,),
            in_specs=[pl.BlockSpec((1, win),
                                   index_map=lambda i: (0, i))],
            out_specs=[pl.BlockSpec((win, D),
                                    index_map=lambda i: (i, 0))],
            core_axis_name=("core", "subcore"),
            dimension_semantics=(pltpu.PARALLEL,),
        )(i_hbm, o_hbm)

    return kern(codebook, idx2)


CHUNK_TILES = (18, 18)


def kernel(uncompressed, mask, codebook):
    x_flat = uncompressed.reshape(T, D)
    c2, cb2 = _codebook_prep(codebook)
    parts = []
    tile0 = 0
    for tiles in CHUNK_TILES:
        idx_c = _nearest_idx(x_flat, cb2, c2, tile0, tiles)
        parts.append(_sc_gather(codebook, idx_c))
        tile0 += tiles
    compressed = jnp.concatenate(parts, axis=0).reshape(B, N, D)
    return (compressed, uncompressed, mask, codebook)

# --- scband reference (transcript-rebuilt; emitter-appended) ---
"""Pipeline reference for scband-codebook-compression-transform-28338194219608 (READ-ONLY COPY).

The authoritative reference and input builder live on the scoring server;
editing this copy changes nothing except your own understanding.
"""

import jax, jax.numpy as jnp
import numpy as np


def compress(x, codebook):
    # x: [B, N, D] channel vectors per spatial location; codebook: [K, D]
    # nearest-neighbor vector quantization over the channel dimension
    x2 = jnp.sum(x * x, axis=-1, keepdims=True)            # [B, N, 1]
    c2 = jnp.sum(codebook * codebook, axis=-1)             # [K]
    xc = jnp.einsum('bnd,kd->bnk', x, codebook)            # [B, N, K]
    dist = x2 - 2.0 * xc + c2[None, None, :]               # [B, N, K]
    idx = jnp.argmin(dist, axis=-1)                        # [B, N]
    return jnp.take(codebook, idx, axis=0)                 # [B, N, D] quantized


def setup_inputs(seed: int = 0) -> dict:
    key = jax.random.key(seed)
    k1, k2 = jax.random.split(key)
    uncompressed = jax.random.normal(k1, (16, 576, 256), dtype=jnp.float32)
    mask = jnp.ones((16, 576), dtype=bool)
    codebook = jax.random.normal(k2, (8192, 256), dtype=jnp.float32)
    return {"uncompressed": uncompressed, "mask": mask, "codebook": codebook}


def reference(uncompressed, mask, codebook):
    compressed = compress(uncompressed, codebook)
    return (compressed, uncompressed, mask, codebook)

if __name__ == "__main__":
    import jax
    _d = setup_inputs()
    print(jax.jit(kernel)(*tuple(_d.values())))

</pallas_src>

<mosaic_0001>
#map = affine_map<(d0, d1) -> (0, 0)>
module attributes {stable_mosaic.version = 14 : i64} {
  func.func @kern(%arg0: i32, %arg1: i32, %arg2: memref<8192x256xf32, #tpu.memory_space<hbm>>, %arg3: memref<1x4608xi32, #tpu.memory_space<hbm>>, %arg4: memref<4608x256xf32, #tpu.memory_space<hbm>>) attributes {dimension_semantics = [#tpu.dimension_semantics<core_parallel>, #tpu.dimension_semantics<subcore_parallel>], iteration_bounds = array<i64: 2, 16>, scalar_prefetch = 0 : i64, scratch_operands = 0 : i64, tpu.core_type = #tpu.core_type<sc_vector_subcore>, window_params = [{transform_indices = #map}, {transform_indices = #map}, {transform_indices = #map}]} {
    %mul3A = arith.constant 1 : i32
    %mul3A_0 = arith.muli %arg1, %mul3A : i32
    %add3A = arith.constant 0 : i32
    %add3A_1 = arith.addi %add3A, %mul3A_0 : i32
    %mul3A_2 = arith.constant 16 : i32
    %mul3A_3 = arith.muli %arg0, %mul3A_2 : i32
    %add3A_4 = arith.addi %add3A_1, %mul3A_3 : i32
    %lt3A = arith.constant 4 : i32
    %lt3A_5 = arith.cmpi slt, %add3A_4, %lt3A : i32
    %jit3A = arith.constant 2 : i32
    %jit3A_6 = arith.constant 1 : i32
    %select_n3A = arith.select %lt3A_5, %jit3A, %jit3A_6 : i32
    %lt3A_7 = arith.constant 4 : i32
    %lt3A_8 = arith.cmpi slt, %add3A_4, %lt3A_7 : i32
    %mul3A_9 = arith.muli %add3A_4, %select_n3A : i32
    %mul3A_10 = arith.constant 1 : i32
    %mul3A_11 = arith.muli %add3A_4, %mul3A_10 : i32
    %add3A_12 = arith.constant 4 : i32
    %add3A_13 = arith.addi %mul3A_11, %add3A_12 : i32
    %select_n3A_14 = arith.select %lt3A_8, %mul3A_9, %add3A_13 : i32
    %mul3A_15 = arith.constant 1 : i32
    %mul3A_16 = arith.muli %mul3A_15, %select_n3A : i32
    "tpu.region"() ({
      %run_scoped3A = memref.alloca() : memref<2x1x128xi32, #tpu.memory_space<vmem>>
      %run_scoped3A_17 = tpu.sem_alloc : memref<2x!tpu.dma_semaphore, #tpu.memory_space<semaphore_mem>>
      %run_scoped3A_18 = memref.alloca() : memref<2x128x256xf32, #tpu.memory_space<vmem>>
      %run_scoped3A_19 = tpu.sem_alloc : memref<2x!tpu.dma_semaphore, #tpu.memory_space<semaphore_mem>>
      %gt3A = arith.constant 0 : i32
      %gt3A_20 = arith.cmpi sgt, %mul3A_16, %gt3A : i32
      %convert_element_type3A = arith.extui %gt3A_20 : i1 to i32
      %cond3A = arith.constant 0 : i32
      %cond3A_21 = arith.cmpi ne, %convert_element_type3A, %cond3A : i32
      scf.if %cond3A_21 {
        %mul3A_22 = arith.constant 1 : i32
        %mul3A_23 = arith.muli %mul3A_22, %select_n3A : i32
        %sub3A = arith.constant 1 : i32
        %sub3A_24 = arith.subi %mul3A_23, %sub3A : i32
        %eq3A = arith.constant 0 : i32
        %eq3A_25 = arith.cmpi eq, %sub3A_24, %eq3A : i32
        %add3A_26 = arith.constant 0 : i32
        %add3A_27 = arith.addi %add3A_26, %select_n3A_14 : i32
        %select_n3A_28 = arith.constant true
        %select_n3A_29 = arith.constant 0 : i32
        %select_n3A_30 = arith.constant -1 : i32
        %select_n3A_31 = arith.select %select_n3A_28, %select_n3A_30, %select_n3A_29 : i32
        %eq3A_32 = arith.constant -1 : i32
        %eq3A_33 = arith.cmpi eq, %select_n3A_31, %eq3A_32 : i32
        %sub3A_34 = arith.constant 1 : i32
        %sub3A_35 = arith.subi %select_n3A, %sub3A_34 : i32
        %select_n3A_36 = arith.select %eq3A_33, %sub3A_35, %select_n3A_31 : i32
        %add3A_37 = arith.addi %select_n3A_36, %select_n3A_14 : i32
        %select_n3A_38 = arith.constant true
        %select_n3A_39 = arith.constant 0 : i32
        %select_n3A_40 = arith.constant 1 : i32
        %select_n3A_41 = arith.select %select_n3A_38, %select_n3A_40, %select_n3A_39 : i32
        %eq3A_42 = arith.cmpi eq, %select_n3A_41, %select_n3A : i32
        %select_n3A_43 = arith.constant 0 : i32
        %select_n3A_44 = arith.select %eq3A_42, %select_n3A_43, %select_n3A_41 : i32
        %add3A_45 = arith.addi %select_n3A_44, %select_n3A_14 : i32
        %add3A_46 = arith.constant 1 : i32
        %add3A_47 = arith.addi %select_n3A_44, %add3A_46 : i32
        %select_n3A_48 = arith.constant true
        %select_n3A_49 = arith.select %select_n3A_48, %add3A_47, %select_n3A_44 : i32
        %eq3A_50 = arith.cmpi eq, %select_n3A_49, %select_n3A : i32
        %select_n3A_51 = arith.constant 0 : i32
        %select_n3A_52 = arith.select %eq3A_50, %select_n3A_51, %select_n3A_49 : i32
        %add3A_53 = arith.addi %select_n3A_52, %select_n3A_14 : i32
        "tpu.trace_start"() <{level = 10 : i32, message = "ep_initialize_0"}> : () -> ()
        %rem3A = arith.constant 0 : i32
        %rem3A_54 = arith.constant 2 : i32
        %rem3A_55 = arith.remui %rem3A, %rem3A_54 : i32
        %mul3A_56 = arith.constant 128 : i32
        %mul3A_57 = arith.muli %mul3A_56, %add3A_27 : i32
        %dma_start3A = arith.constant 0 : i32
        %dma_start3A_58 = arith.constant 0 : i32
        %dma_start3A_59 = tpu.memref_slice %run_scoped3A[%rem3A_55, %dma_start3A, %dma_start3A_58] : memref<2x1x128xi32, #tpu.memory_space<vmem>> -> memref<1x1x128xi32, #tpu.memory_space<vmem>>
        %dma_start3A_60 = tpu.memref_squeeze %dma_start3A_59 : memref<1x1x128xi32, #tpu.memory_space<vmem>> -> memref<1x128xi32, #tpu.memory_space<vmem>>
        %dma_start3A_61 = arith.constant 0 : i32
        %dma_start3A_62 = tpu.memref_slice %arg3[%dma_start3A_61, %mul3A_57] : memref<1x4608xi32, #tpu.memory_space<hbm>> -> memref<1x128xi32, #tpu.memory_space<hbm>>
        %dma_start3A_63 = tpu.memref_slice %run_scoped3A_17[%rem3A_55] : memref<2x!tpu.dma_semaphore, #tpu.memory_space<semaphore_mem>> -> memref<1x!tpu.dma_semaphore, #tpu.memory_space<semaphore_mem>>
        %dma_start3A_64 = tpu.memref_squeeze %dma_start3A_63 : memref<1x!tpu.dma_semaphore, #tpu.memory_space<semaphore_mem>> -> memref<!tpu.dma_semaphore, #tpu.memory_space<semaphore_mem>>
        %dma_start3A_65 = arith.constant 0 : i32
        %dma_start3A_66 = arith.constant 0 : i32
        %dma_start3A_67 = tpu.memref_slice %run_scoped3A[%rem3A_55, %dma_start3A_65, %dma_start3A_66] : memref<2x1x128xi32, #tpu.memory_space<vmem>> -> memref<1x1x128xi32, #tpu.memory_space<vmem>>
        %dma_start3A_68 = tpu.memref_squeeze %dma_start3A_67 : memref<1x1x128xi32, #tpu.memory_space<vmem>> -> memref<1x128xi32, #tpu.memory_space<vmem>>
        %dma_start3A_69 = arith.constant 0 : i32
        %dma_start3A_70 = tpu.memref_slice %arg3[%dma_start3A_69, %mul3A_57] : memref<1x4608xi32, #tpu.memory_space<hbm>> -> memref<1x128xi32, #tpu.memory_space<hbm>>
        tpu.enqueue_dma source(%dma_start3A_70 : memref<1x128xi32, #tpu.memory_space<hbm>>) target(%dma_start3A_68 : memref<1x128xi32, #tpu.memory_space<vmem>>) target_semaphore(%dma_start3A_64 : memref<!tpu.dma_semaphore, #tpu.memory_space<semaphore_mem>>)
        %add3A_71 = arith.constant 0 : i32
        %add3A_72 = arith.constant 1 : i32
        %add3A_73 = arith.addi %add3A_71, %add3A_72 : i32
        %select_n3A_74 = arith.constant true
        %select_n3A_75 = arith.constant 0 : i32
        %select_n3A_76 = arith.select %select_n3A_74, %add3A_73, %select_n3A_75 : i32
        %while3A = arith.constant 0 : i32
        %while3A_77 = arith.constant 0 : i32
        %while3A_78 = arith.constant 0 : i32
        %while3A_79 = arith.constant 0 : i32
        %while3A_80 = arith.constant 0 : i32
        "tpu.trace_stop"() : () -> ()
        %while3A_81 = arith.subi %mul3A_16, %while3A : i32
        %while3A_82 = arith.addi %while3A, %while3A_81 : i32
        %while3A_83 = arith.constant 1 : i32
        %while3A_84 = arith.divsi %while3A_81, %while3A_83 : i32
        %while3A_85 = arith.muli %while3A_84, %while3A_83 : i32
        %while3A_86 = arith.addi %while3A, %while3A_85 : i32
        %while3A_87 = arith.constant 1 : i32
        %while3A_88:5 = scf.for %while3A_142 = %while3A to %while3A_86 step %while3A_87 iter_args(%while3A_143 = %select_n3A_76, %while3A_144 = %while3A_77, %while3A_145 = %while3A_78, %while3A_146 = %while3A_79, %while3A_147 = %while3A_80) -> (i32, i32, i32, i32, i32)  : i32 {
          %mul3A_148 = arith.constant 1 : i32
          %mul3A_149 = arith.muli %mul3A_148, %select_n3A : i32
          %eq3A_150 = arith.constant 0 : i32
          %eq3A_151 = arith.cmpi eq, %while3A_142, %eq3A_150 : i32
          %sub3A_152 = arith.constant 1 : i32
          %sub3A_153 = arith.subi %mul3A_149, %sub3A_152 : i32
          %eq3A_154 = arith.cmpi eq, %while3A_142, %sub3A_153 : i32
          %add3A_155 = arith.addi %while3A_147, %select_n3A_14 : i32
          %sub3A_156 = arith.constant 1 : i32
          %sub3A_157 = arith.subi %while3A_147, %sub3A_156 : i32
          %select_n3A_158 = arith.constant true
          %select_n3A_159 = arith.select %select_n3A_158, %sub3A_157, %while3A_147 : i32
          %eq3A_160 = arith.constant -1 : i32
          %eq3A_161 = arith.cmpi eq, %select_n3A_159, %eq3A_160 : i32
          %sub3A_162 = arith.constant 1 : i32
          %sub3A_163 = arith.subi %select_n3A, %sub3A_162 : i32
          %select_n3A_164 = arith.select %eq3A_161, %sub3A_163, %select_n3A_159 : i32
          %add3A_165 = arith.addi %select_n3A_164, %select_n3A_14 : i32
          %add3A_166 = arith.constant 1 : i32
          %add3A_167 = arith.addi %while3A_147, %add3A_166 : i32
          %select_n3A_168 = arith.constant true
          %select_n3A_169 = arith.select %select_n3A_168, %add3A_167, %while3A_147 : i32
          %eq3A_170 = arith.cmpi eq, %select_n3A_169, %select_n3A : i32
          %select_n3A_171 = arith.constant 0 : i32
          %select_n3A_172 = arith.select %eq3A_170, %select_n3A_171, %select_n3A_169 : i32
          %add3A_173 = arith.addi %select_n3A_172, %select_n3A_14 : i32
          %add3A_174 = arith.constant 1 : i32
          %add3A_175 = arith.addi %select_n3A_172, %add3A_174 : i32
          %select_n3A_176 = arith.constant true
          %select_n3A_177 = arith.select %select_n3A_176, %add3A_175, %select_n3A_172 : i32
          %eq3A_178 = arith.cmpi eq, %select_n3A_177, %select_n3A : i32
          %select_n3A_179 = arith.constant 0 : i32
          %select_n3A_180 = arith.select %eq3A_178, %select_n3A_179, %select_n3A_177 : i32
          %add3A_181 = arith.addi %select_n3A_180, %select_n3A_14 : i32
          %ne3A = arith.cmpi ne, %add3A_155, %add3A_173 : i32
          %or3A = arith.constant false
          %or3A_182 = arith.ori %or3A, %ne3A : i1
          %sub3A_183 = arith.constant 2 : i32
          %sub3A_184 = arith.subi %mul3A_149, %sub3A_183 : i32
          %add3A_185 = arith.constant 1 : i32
          %add3A_186 = arith.addi %sub3A_184, %add3A_185 : i32
          %ge3A = arith.cmpi sge, %while3A_142, %add3A_186 : i32
          %not3A = arith.constant true
          %not3A_187 = arith.xori %ge3A, %not3A : i1
          %and3A = arith.andi %or3A_182, %not3A_187 : i1
          %convert_element_type3A_188 = arith.extui %and3A : i1 to i32
          %cond3A_189 = arith.constant 0 : i32
          %cond3A_190 = arith.cmpi ne, %convert_element_type3A_188, %cond3A_189 : i32
          scf.if %cond3A_190 {
            "tpu.trace_start"() <{level = 10 : i32, message = "ep_copy_in"}> : () -> ()
            %rem3A_294 = arith.constant 2 : i32
            %rem3A_295 = arith.remui %while3A_143, %rem3A_294 : i32
            %mul3A_296 = arith.constant 128 : i32
            %mul3A_297 = arith.muli %mul3A_296, %add3A_173 : i32
            %dma_start3A_298 = arith.constant 0 : i32
            %dma_start3A_299 = arith.constant 0 : i32
            %dma_start3A_300 = tpu.memref_slice %run_scoped3A[%rem3A_295, %dma_start3A_298, %dma_start3A_299] : memref<2x1x128xi32, #tpu.memory_space<vmem>> -> memref<1x1x128xi32, #tpu.memory_space<vmem>>
            %dma_start3A_301 = tpu.memref_squeeze %dma_start3A_300 : memref<1x1x128xi32, #tpu.memory_space<vmem>> -> memref<1x128xi32, #tpu.memory_space<vmem>>
            %dma_start3A_302 = arith.constant 0 : i32
            %dma_start3A_303 = tpu.memref_slice %arg3[%dma_start3A_302, %mul3A_297] : memref<1x4608xi32, #tpu.memory_space<hbm>> -> memref<1x128xi32, #tpu.memory_space<hbm>>
            %dma_start3A_304 = tpu.memref_slice %run_scoped3A_17[%rem3A_295] : memref<2x!tpu.dma_semaphore, #tpu.memory_space<semaphore_mem>> -> memref<1x!tpu.dma_semaphore, #tpu.memory_space<semaphore_mem>>
            %dma_start3A_305 = tpu.memref_squeeze %dma_start3A_304 : memref<1x!tpu.dma_semaphore, #tpu.memory_space<semaphore_mem>> -> memref<!tpu.dma_semaphore, #tpu.memory_space<semaphore_mem>>
            %dma_start3A_306 = arith.constant 0 : i32
            %dma_start3A_307 = arith.constant 0 : i32
            %dma_start3A_308 = tpu.memref_slice %run_scoped3A[%rem3A_295, %dma_start3A_306, %dma_start3A_307] : memref<2x1x128xi32, #tpu.memory_space<vmem>> -> memref<1x1x128xi32, #tpu.memory_space<vmem>>
            %dma_start3A_309 = tpu.memref_squeeze %dma_start3A_308 : memref<1x1x128xi32, #tpu.memory_space<vmem>> -> memref<1x128xi32, #tpu.memory_space<vmem>>
            %dma_start3A_310 = arith.constant 0 : i32
            %dma_start3A_311 = tpu.memref_slice %arg3[%dma_start3A_310, %mul3A_297] : memref<1x4608xi32, #tpu.memory_space<hbm>> -> memref<1x128xi32, #tpu.memory_space<hbm>>
            tpu.enqueue_dma source(%dma_start3A_311 : memref<1x128xi32, #tpu.memory_space<hbm>>) target(%dma_start3A_309 : memref<1x128xi32, #tpu.memory_space<vmem>>) target_semaphore(%dma_start3A_305 : memref<!tpu.dma_semaphore, #tpu.memory_space<semaphore_mem>>)
            "tpu.trace_stop"() : () -> ()
          } else {
          }
          %and3A_191 = arith.constant true
          %and3A_192 = arith.andi %and3A, %and3A_191 : i1
          %add3A_193 = arith.constant 1 : i32
          %add3A_194 = arith.addi %while3A_143, %add3A_193 : i32
          %select_n3A_195 = arith.select %and3A_192, %add3A_194, %while3A_143 : i32
          %ne3A_196 = arith.cmpi ne, %add3A_155, %add3A_173 : i32
          %or3A_197 = arith.constant false
          %or3A_198 = arith.ori %or3A_197, %ne3A_196 : i1
          %or3A_199 = arith.constant false
          %or3A_200 = arith.ori %or3A_198, %or3A_199 : i1
          %sub3A_201 = arith.constant 2 : i32
          %sub3A_202 = arith.subi %mul3A_149, %sub3A_201 : i32
          %add3A_203 = arith.constant 1 : i32
          %add3A_204 = arith.addi %sub3A_202, %add3A_203 : i32
          %ge3A_205 = arith.cmpi sge, %while3A_142, %add3A_204 : i32
          %not3A_206 = arith.constant true
          %not3A_207 = arith.xori %ge3A_205, %not3A_206 : i1
          %and3A_208 = arith.andi %or3A_200, %not3A_207 : i1
          %ne3A_209 = arith.cmpi ne, %add3A_155, %add3A_165 : i32
          %or3A_210 = arith.constant false
          %or3A_211 = arith.ori %or3A_210, %ne3A_209 : i1
          %or3A_212 = arith.ori %or3A_211, %eq3A_151 : i1
          %convert_element_type3A_213 = arith.extui %or3A_212 : i1 to i32
          %cond3A_214 = arith.constant 0 : i32
          %cond3A_215 = arith.cmpi ne, %convert_element_type3A_213, %cond3A_214 : i32
          scf.if %cond3A_215 {
            "tpu.trace_start"() <{level = 10 : i32, message = "ep_wait_in"}> : () -> ()
            %mul3A_294 = arith.constant 128 : i32
            %mul3A_295 = arith.muli %mul3A_294, %add3A_155 : i32
            %rem3A_296 = arith.constant 2 : i32
            %rem3A_297 = arith.remui %while3A_144, %rem3A_296 : i32
            %dma_wait3A = arith.constant 0 : i32
            %dma_wait3A_298 = arith.constant 0 : i32
            %dma_wait3A_299 = tpu.memref_slice %run_scoped3A[%rem3A_297, %dma_wait3A, %dma_wait3A_298] : memref<2x1x128xi32, #tpu.memory_space<vmem>> -> memref<1x1x128xi32, #tpu.memory_space<vmem>>
            %dma_wait3A_300 = tpu.memref_squeeze %dma_wait3A_299 : memref<1x1x128xi32, #tpu.memory_space<vmem>> -> memref<1x128xi32, #tpu.memory_space<vmem>>
            %dma_wait3A_301 = arith.constant 0 : i32
            %dma_wait3A_302 = tpu.memref_slice %arg3[%dma_wait3A_301, %mul3A_295] : memref<1x4608xi32, #tpu.memory_space<hbm>> -> memref<1x128xi32, #tpu.memory_space<hbm>>
            %dma_wait3A_303 = tpu.memref_slice %run_scoped3A_17[%rem3A_297] : memref<2x!tpu.dma_semaphore, #tpu.memory_space<semaphore_mem>> -> memref<1x!tpu.dma_semaphore, #tpu.memory_space<semaphore_mem>>
            %dma_wait3A_304 = tpu.memref_squeeze %dma_wait3A_303 : memref<1x!tpu.dma_semaphore, #tpu.memory_space<semaphore_mem>> -> memref<!tpu.dma_semaphore, #tpu.memory_space<semaphore_mem>>
            %dma_wait3A_305 = arith.constant 0 : i32
            %dma_wait3A_306 = arith.constant 0 : i32
            %dma_wait3A_307 = tpu.memref_slice %run_scoped3A[%rem3A_297, %dma_wait3A_305, %dma_wait3A_306] : memref<2x1x128xi32, #tpu.memory_space<vmem>> -> memref<1x1x128xi32, #tpu.memory_space<vmem>>
            %dma_wait3A_308 = tpu.memref_squeeze %dma_wait3A_307 : memref<1x1x128xi32, #tpu.memory_space<vmem>> -> memref<1x128xi32, #tpu.memory_space<vmem>>
            %dma_wait3A_309 = arith.constant 0 : i32
            %dma_wait3A_310 = tpu.memref_slice %arg3[%dma_wait3A_309, %mul3A_295] : memref<1x4608xi32, #tpu.memory_space<hbm>> -> memref<1x128xi32, #tpu.memory_space<hbm>>
            tpu.wait_dma2 semaphore(%dma_wait3A_304 : memref<!tpu.dma_semaphore, #tpu.memory_space<semaphore_mem>>) src(%dma_wait3A_310 : memref<1x128xi32, #tpu.memory_space<hbm>>) dst(%dma_wait3A_308 : memref<1x128xi32, #tpu.memory_space<vmem>>)
            "tpu.trace_stop"() : () -> ()
          } else {
          }
          %ne3A_216 = arith.cmpi ne, %add3A_155, %add3A_165 : i32
          %or3A_217 = arith.constant false
          %or3A_218 = arith.ori %or3A_217, %ne3A_216 : i1
          %or3A_219 = arith.constant false
          %or3A_220 = arith.ori %or3A_218, %or3A_219 : i1
          %or3A_221 = arith.ori %or3A_220, %eq3A_151 : i1
          %convert_element_type3A_222 = arith.extui %or3A_221 : i1 to i32
          %cond3A_223 = arith.constant 0 : i32
          %cond3A_224 = arith.cmpi ne, %convert_element_type3A_222, %cond3A_223 : i32
          scf.if %cond3A_224 {
          } else {
          }
          %rem3A_225 = arith.constant 2 : i32
          %rem3A_226 = arith.remui %while3A_144, %rem3A_225 : i32
          %rem3A_227 = arith.constant 2 : i32
          %rem3A_228 = arith.remui %while3A_145, %rem3A_227 : i32
          %run_scoped3A_229 = arith.constant 0 : i32
          "tpu.trace_start"() <{level = 10 : i32, message = "ep_run_kernel"}> : () -> ()
          "tpu.region"() ({
            %run_scoped3A_294 = tpu.sem_alloc : memref<!tpu.dma_semaphore, #tpu.memory_space<semaphore_mem>>
            %dma_start3A_295 = arith.constant 0 : i32
            %dma_start3A_296 = arith.constant 0 : i32
            %dma_start3A_297 = tpu.memref_slice %run_scoped3A_18[%rem3A_228, %dma_start3A_295, %dma_start3A_296] : memref<2x128x256xf32, #tpu.memory_space<vmem>> -> memref<1x128x256xf32, #tpu.memory_space<vmem>>
            %dma_start3A_298 = tpu.memref_squeeze %dma_start3A_297 : memref<1x128x256xf32, #tpu.memory_space<vmem>> -> memref<128x256xf32, #tpu.memory_space<vmem>>
            %dma_start3A_299 = arith.constant 0 : i32
            %dma_start3A_300 = arith.constant 0 : i32
            %dma_start3A_301 = tpu.memref_slice %run_scoped3A[%rem3A_226, %dma_start3A_299, %dma_start3A_300] : memref<2x1x128xi32, #tpu.memory_space<vmem>> -> memref<1x1x128xi32, #tpu.memory_space<vmem>>
            %dma_start3A_302 = tpu.memref_squeeze %dma_start3A_301 : memref<1x1x128xi32, #tpu.memory_space<vmem>> -> memref<1x128xi32, #tpu.memory_space<vmem>>
            %dma_start3A_303 = arith.constant 0 : i32
            %dma_start3A_304 = tpu.memref_slice %dma_start3A_302[%run_scoped3A_229, %dma_start3A_303] : memref<1x128xi32, #tpu.memory_space<vmem>> -> memref<1x128xi32, #tpu.memory_space<vmem>>
            %dma_start3A_305 = tpu.memref_squeeze %dma_start3A_304 : memref<1x128xi32, #tpu.memory_space<vmem>> -> memref<128xi32, #tpu.memory_space<vmem>>
            %dma_start3A_306 = arith.constant 0 : i32
            %dma_start3A_307 = arith.constant 0 : i32
            %dma_start3A_308 = tpu.memref_slice %arg2[%dma_start3A_306, %dma_start3A_307] : memref<8192x256xf32, #tpu.memory_space<hbm>> -> memref<8192x256xf32, #tpu.memory_space<hbm>>
            tpu.enqueue_indirect_dma source(%dma_start3A_308 : memref<8192x256xf32, #tpu.memory_space<hbm>>) target(%dma_start3A_298 : memref<128x256xf32, #tpu.memory_space<vmem>>) offsets(%dma_start3A_305 : memref<128xi32, #tpu.memory_space<vmem>>) semaphore(%run_scoped3A_294 : memref<!tpu.dma_semaphore, #tpu.memory_space<semaphore_mem>>)
            %dma_wait3A = arith.constant 0 : i32
            %dma_wait3A_309 = arith.constant 0 : i32
            %dma_wait3A_310 = tpu.memref_slice %run_scoped3A_18[%rem3A_228, %dma_wait3A, %dma_wait3A_309] : memref<2x128x256xf32, #tpu.memory_space<vmem>> -> memref<1x128x256xf32, #tpu.memory_space<vmem>>
            %dma_wait3A_311 = tpu.memref_squeeze %dma_wait3A_310 : memref<1x128x256xf32, #tpu.memory_space<vmem>> -> memref<128x256xf32, #tpu.memory_space<vmem>>
            %dma_wait3A_312 = arith.constant 0 : i32
            %dma_wait3A_313 = arith.constant 0 : i32
            %dma_wait3A_314 = tpu.memref_slice %run_scoped3A[%rem3A_226, %dma_wait3A_312, %dma_wait3A_313] : memref<2x1x128xi32, #tpu.memory_space<vmem>> -> memref<1x1x128xi32, #tpu.memory_space<vmem>>
            %dma_wait3A_315 = tpu.memref_squeeze %dma_wait3A_314 : memref<1x1x128xi32, #tpu.memory_space<vmem>> -> memref<1x128xi32, #tpu.memory_space<vmem>>
            %dma_wait3A_316 = arith.constant 0 : i32
            %dma_wait3A_317 = tpu.memref_slice %dma_wait3A_315[%run_scoped3A_229, %dma_wait3A_316] : memref<1x128xi32, #tpu.memory_space<vmem>> -> memref<1x128xi32, #tpu.memory_space<vmem>>
            %dma_wait3A_318 = tpu.memref_squeeze %dma_wait3A_317 : memref<1x128xi32, #tpu.memory_space<vmem>> -> memref<128xi32, #tpu.memory_space<vmem>>
            %dma_wait3A_319 = arith.constant 0 : i32
            %dma_wait3A_320 = arith.constant 0 : i32
            %dma_wait3A_321 = tpu.memref_slice %arg2[%dma_wait3A_319, %dma_wait3A_320] : memref<8192x256xf32, #tpu.memory_space<hbm>> -> memref<8192x256xf32, #tpu.memory_space<hbm>>
            tpu.wait_indirect_dma semaphore(%run_scoped3A_294 : memref<!tpu.dma_semaphore, #tpu.memory_space<semaphore_mem>>) src(%dma_wait3A_321 : memref<8192x256xf32, #tpu.memory_space<hbm>>) dst(%dma_wait3A_311 : memref<128x256xf32, #tpu.memory_space<vmem>>)
            tpu.yield
          }) : () -> ()
          "tpu.trace_stop"() : () -> ()
          %ne3A_230 = arith.cmpi ne, %add3A_155, %add3A_173 : i32
          %or3A_231 = arith.constant false
          %or3A_232 = arith.ori %or3A_231, %ne3A_230 : i1
          %or3A_233 = arith.ori %or3A_232, %eq3A_154 : i1
          %convert_element_type3A_234 = arith.extui %or3A_233 : i1 to i32
          %cond3A_235 = arith.constant 0 : i32
          %cond3A_236 = arith.cmpi ne, %convert_element_type3A_234, %cond3A_235 : i32
          scf.if %cond3A_236 {
          } else {
          }
          %and3A_237 = arith.constant false
          %and3A_238 = arith.andi %or3A_233, %and3A_237 : i1
          %ne3A_239 = arith.cmpi ne, %add3A_155, %add3A_173 : i32
          %or3A_240 = arith.constant false
          %or3A_241 = arith.ori %or3A_240, %ne3A_239 : i1
          %or3A_242 = arith.constant false
          %or3A_243 = arith.ori %or3A_241, %or3A_242 : i1
          %or3A_244 = arith.ori %or3A_243, %eq3A_154 : i1
          %convert_element_type3A_245 = arith.extui %or3A_244 : i1 to i32
          %cond3A_246 = arith.constant 0 : i32
          %cond3A_247 = arith.cmpi ne, %convert_element_type3A_245, %cond3A_246 : i32
          scf.if %cond3A_247 {
            "tpu.trace_start"() <{level = 10 : i32, message = "ep_copy_out"}> : () -> ()
            %rem3A_294 = arith.constant 2 : i32
            %rem3A_295 = arith.remui %while3A_145, %rem3A_294 : i32
            %mul3A_296 = arith.constant 128 : i32
            %mul3A_297 = arith.muli %mul3A_296, %add3A_155 : i32
            %dma_start3A_298 = arith.constant 0 : i32
            %dma_start3A_299 = arith.constant 0 : i32
            %dma_start3A_300 = tpu.memref_slice %run_scoped3A_18[%rem3A_295, %dma_start3A_298, %dma_start3A_299] : memref<2x128x256xf32, #tpu.memory_space<vmem>> -> memref<1x128x256xf32, #tpu.memory_space<vmem>>
            %dma_start3A_301 = tpu.memref_squeeze %dma_start3A_300 : memref<1x128x256xf32, #tpu.memory_space<vmem>> -> memref<128x256xf32, #tpu.memory_space<vmem>>
            %dma_start3A_302 = arith.constant 0 : i32
            %dma_start3A_303 = tpu.memref_slice %arg4[%mul3A_297, %dma_start3A_302] : memref<4608x256xf32, #tpu.memory_space<hbm>> -> memref<128x256xf32, #tpu.memory_space<hbm>>
            %dma_start3A_304 = tpu.memref_slice %run_scoped3A_19[%rem3A_295] : memref<2x!tpu.dma_semaphore, #tpu.memory_space<semaphore_mem>> -> memref<1x!tpu.dma_semaphore, #tpu.memory_space<semaphore_mem>>
            %dma_start3A_305 = tpu.memref_squeeze %dma_start3A_304 : memref<1x!tpu.dma_semaphore, #tpu.memory_space<semaphore_mem>> -> memref<!tpu.dma_semaphore, #tpu.memory_space<semaphore_mem>>
            %dma_start3A_306 = arith.constant 0 : i32
            %dma_start3A_307 = tpu.memref_slice %arg4[%mul3A_297, %dma_start3A_306] : memref<4608x256xf32, #tpu.memory_space<hbm>> -> memref<128x256xf32, #tpu.memory_space<hbm>>
            %dma_start3A_308 = arith.constant 0 : i32
            %dma_start3A_309 = arith.constant 0 : i32
            %dma_start3A_310 = tpu.memref_slice %run_scoped3A_18[%rem3A_295, %dma_start3A_308, %dma_start3A_309] : memref<2x128x256xf32, #tpu.memory_space<vmem>> -> memref<1x128x256xf32, #tpu.memory_space<vmem>>
            %dma_start3A_311 = tpu.memref_squeeze %dma_start3A_310 : memref<1x128x256xf32, #tpu.memory_space<vmem>> -> memref<128x256xf32, #tpu.memory_space<vmem>>
            tpu.enqueue_dma source(%dma_start3A_311 : memref<128x256xf32, #tpu.memory_space<vmem>>) target(%dma_start3A_307 : memref<128x256xf32, #tpu.memory_space<hbm>>) target_semaphore(%dma_start3A_305 : memref<!tpu.dma_semaphore, #tpu.memory_space<semaphore_mem>>)
            "tpu.trace_stop"() : () -> ()
          } else {
          }
          %and3A_248 = arith.constant true
          %and3A_249 = arith.andi %or3A_244, %and3A_248 : i1
          %add3A_250 = arith.constant 1 : i32
          %add3A_251 = arith.addi %while3A_145, %add3A_250 : i32
          %select_n3A_252 = arith.select %and3A_249, %add3A_251, %while3A_145 : i32
          %ne3A_253 = arith.cmpi ne, %add3A_155, %add3A_165 : i32
          %or3A_254 = arith.constant false
          %or3A_255 = arith.ori %or3A_254, %ne3A_253 : i1
          %not3A_256 = arith.constant true
          %not3A_257 = arith.xori %eq3A_151, %not3A_256 : i1
          %and3A_258 = arith.andi %or3A_255, %not3A_257 : i1
          %convert_element_type3A_259 = arith.extui %and3A_258 : i1 to i32
          %cond3A_260 = arith.constant 0 : i32
          %cond3A_261 = arith.cmpi ne, %convert_element_type3A_259, %cond3A_260 : i32
          scf.if %cond3A_261 {
          } else {
          }
          %and3A_262 = arith.constant false
          %and3A_263 = arith.andi %and3A_258, %and3A_262 : i1
          %ne3A_264 = arith.cmpi ne, %add3A_155, %add3A_165 : i32
          %or3A_265 = arith.constant false
          %or3A_266 = arith.ori %or3A_265, %ne3A_264 : i1
          %or3A_267 = arith.constant false
          %or3A_268 = arith.ori %or3A_266, %or3A_267 : i1
          %not3A_269 = arith.constant true
          %not3A_270 = arith.xori %eq3A_151, %not3A_269 : i1
          %and3A_271 = arith.andi %or3A_268, %not3A_270 : i1
          %convert_element_type3A_272 = arith.extui %and3A_271 : i1 to i32
          %cond3A_273 = arith.constant 0 : i32
          %cond3A_274 = arith.cmpi ne, %convert_element_type3A_272, %cond3A_273 : i32
          scf.if %cond3A_274 {
            "tpu.trace_start"() <{level = 10 : i32, message = "ep_wait_out"}> : () -> ()
            %rem3A_294 = arith.constant 2 : i32
            %rem3A_295 = arith.remui %while3A_146, %rem3A_294 : i32
            %mul3A_296 = arith.constant 128 : i32
            %mul3A_297 = arith.muli %mul3A_296, %add3A_165 : i32
            %dma_wait3A = arith.constant 0 : i32
            %dma_wait3A_298 = arith.constant 0 : i32
            %dma_wait3A_299 = tpu.memref_slice %run_scoped3A_18[%rem3A_295, %dma_wait3A, %dma_wait3A_298] : memref<2x128x256xf32, #tpu.memory_space<vmem>> -> memref<1x128x256xf32, #tpu.memory_space<vmem>>
            %dma_wait3A_300 = tpu.memref_squeeze %dma_wait3A_299 : memref<1x128x256xf32, #tpu.memory_space<vmem>> -> memref<128x256xf32, #tpu.memory_space<vmem>>
            %dma_wait3A_301 = arith.constant 0 : i32
            %dma_wait3A_302 = tpu.memref_slice %arg4[%mul3A_297, %dma_wait3A_301] : memref<4608x256xf32, #tpu.memory_space<hbm>> -> memref<128x256xf32, #tpu.memory_space<hbm>>
            %dma_wait3A_303 = tpu.memref_slice %run_scoped3A_19[%rem3A_295] : memref<2x!tpu.dma_semaphore, #tpu.memory_space<semaphore_mem>> -> memref<1x!tpu.dma_semaphore, #tpu.memory_space<semaphore_mem>>
            %dma_wait3A_304 = tpu.memref_squeeze %dma_wait3A_303 : memref<1x!tpu.dma_semaphore, #tpu.memory_space<semaphore_mem>> -> memref<!tpu.dma_semaphore, #tpu.memory_space<semaphore_mem>>
            %dma_wait3A_305 = arith.constant 0 : i32
            %dma_wait3A_306 = tpu.memref_slice %arg4[%mul3A_297, %dma_wait3A_305] : memref<4608x256xf32, #tpu.memory_space<hbm>> -> memref<128x256xf32, #tpu.memory_space<hbm>>
            %dma_wait3A_307 = arith.constant 0 : i32
            %dma_wait3A_308 = arith.constant 0 : i32
            %dma_wait3A_309 = tpu.memref_slice %run_scoped3A_18[%rem3A_295, %dma_wait3A_307, %dma_wait3A_308] : memref<2x128x256xf32, #tpu.memory_space<vmem>> -> memref<1x128x256xf32, #tpu.memory_space<vmem>>
            %dma_wait3A_310 = tpu.memref_squeeze %dma_wait3A_309 : memref<1x128x256xf32, #tpu.memory_space<vmem>> -> memref<128x256xf32, #tpu.memory_space<vmem>>
            tpu.wait_dma2 semaphore(%dma_wait3A_304 : memref<!tpu.dma_semaphore, #tpu.memory_space<semaphore_mem>>) src(%dma_wait3A_310 : memref<128x256xf32, #tpu.memory_space<vmem>>) dst(%dma_wait3A_306 : memref<128x256xf32, #tpu.memory_space<hbm>>)
            "tpu.trace_stop"() : () -> ()
          } else {
          }
          %and3A_275 = arith.constant true
          %and3A_276 = arith.andi %and3A_271, %and3A_275 : i1
          %add3A_277 = arith.constant 1 : i32
          %add3A_278 = arith.addi %while3A_146, %add3A_277 : i32
          %select_n3A_279 = arith.select %and3A_276, %add3A_278, %while3A_146 : i32
          %ne3A_280 = arith.cmpi ne, %add3A_155, %add3A_173 : i32
          %or3A_281 = arith.constant false
          %or3A_282 = arith.ori %or3A_281, %ne3A_280 : i1
          %or3A_283 = arith.ori %or3A_282, %eq3A_154 : i1
          %add3A_284 = arith.constant 1 : i32
          %add3A_285 = arith.addi %while3A_144, %add3A_284 : i32
          %select_n3A_286 = arith.select %or3A_283, %add3A_285, %while3A_144 : i32
          %add3A_287 = arith.constant 1 : i32
          %add3A_288 = arith.addi %while3A_147, %add3A_287 : i32
          %select_n3A_289 = arith.constant true
          %select_n3A_290 = arith.select %select_n3A_289, %add3A_288, %while3A_147 : i32
          %eq3A_291 = arith.cmpi eq, %select_n3A_290, %select_n3A : i32
          %select_n3A_292 = arith.constant 0 : i32
          %select_n3A_293 = arith.select %eq3A_291, %select_n3A_292, %select_n3A_290 : i32
          scf.yield %select_n3A_195, %select_n3A_286, %select_n3A_252, %select_n3A_279, %select_n3A_293 : i32, i32, i32, i32, i32
        }
        %while3A_89 = arith.constant 1 : i32
        %while3A_90:5 = scf.for %while3A_142 = %while3A_86 to %while3A_82 step %while3A_89 iter_args(%while3A_143 = %while3A_88#0, %while3A_144 = %while3A_88#1, %while3A_145 = %while3A_88#2, %while3A_146 = %while3A_88#3, %while3A_147 = %while3A_88#4) -> (i32, i32, i32, i32, i32)  : i32 {
          %mul3A_148 = arith.constant 1 : i32
          %mul3A_149 = arith.muli %mul3A_148, %select_n3A : i32
          %eq3A_150 = arith.constant 0 : i32
          %eq3A_151 = arith.cmpi eq, %while3A_142, %eq3A_150 : i32
          %sub3A_152 = arith.constant 1 : i32
          %sub3A_153 = arith.subi %mul3A_149, %sub3A_152 : i32
          %eq3A_154 = arith.cmpi eq, %while3A_142, %sub3A_153 : i32
          %add3A_155 = arith.addi %while3A_147, %select_n3A_14 : i32
          %sub3A_156 = arith.constant 1 : i32
          %sub3A_157 = arith.subi %while3A_147, %sub3A_156 : i32
          %select_n3A_158 = arith.constant true
          %select_n3A_159 = arith.select %select_n3A_158, %sub3A_157, %while3A_147 : i32
          %eq3A_160 = arith.constant -1 : i32
          %eq3A_161 = arith.cmpi eq, %select_n3A_159, %eq3A_160 : i32
          %sub3A_162 = arith.constant 1 : i32
          %sub3A_163 = arith.subi %select_n3A, %sub3A_162 : i32
          %select_n3A_164 = arith.select %eq3A_161, %sub3A_163, %select_n3A_159 : i32
          %add3A_165 = arith.addi %select_n3A_164, %select_n3A_14 : i32
          %add3A_166 = arith.constant 1 : i32
          %add3A_167 = arith.addi %while3A_147, %add3A_166 : i32
          %select_n3A_168 = arith.constant true
          %select_n3A_169 = arith.select %select_n3A_168, %add3A_167, %while3A_147 : i32
          %eq3A_170 = arith.cmpi eq, %select_n3A_169, %select_n3A : i32
          %select_n3A_171 = arith.constant 0 : i32
          %select_n3A_172 = arith.select %eq3A_170, %select_n3A_171, %select_n3A_169 : i32
          %add3A_173 = arith.addi %select_n3A_172, %select_n3A_14 : i32
          %add3A_174 = arith.constant 1 : i32
          %add3A_175 = arith.addi %select_n3A_172, %add3A_174 : i32
          %select_n3A_176 = arith.constant true
          %select_n3A_177 = arith.select %select_n3A_176, %add3A_175, %select_n3A_172 : i32
          %eq3A_178 = arith.cmpi eq, %select_n3A_177, %select_n3A : i32
          %select_n3A_179 = arith.constant 0 : i32
          %select_n3A_180 = arith.select %eq3A_178, %select_n3A_179, %select_n3A_177 : i32
          %add3A_181 = arith.addi %select_n3A_180, %select_n3A_14 : i32
          %ne3A = arith.cmpi ne, %add3A_155, %add3A_173 : i32
          %or3A = arith.constant false
          %or3A_182 = arith.ori %or3A, %ne3A : i1
          %sub3A_183 = arith.constant 2 : i32
          %sub3A_184 = arith.subi %mul3A_149, %sub3A_183 : i32
          %add3A_185 = arith.constant 1 : i32
          %add3A_186 = arith.addi %sub3A_184, %add3A_185 : i32
          %ge3A = arith.cmpi sge, %while3A_142, %add3A_186 : i32
          %not3A = arith.constant true
          %not3A_187 = arith.xori %ge3A, %not3A : i1
          %and3A = arith.andi %or3A_182, %not3A_187 : i1
          %convert_element_type3A_188 = arith.extui %and3A : i1 to i32
          %cond3A_189 = arith.constant 0 : i32
          %cond3A_190 = arith.cmpi ne, %convert_element_type3A_188, %cond3A_189 : i32
          scf.if %cond3A_190 {
            "tpu.trace_start"() <{level = 10 : i32, message = "ep_copy_in"}> : () -> ()
            %rem3A_294 = arith.constant 2 : i32
            %rem3A_295 = arith.remui %while3A_143, %rem3A_294 : i32
            %mul3A_296 = arith.constant 128 : i32
            %mul3A_297 = arith.muli %mul3A_296, %add3A_173 : i32
            %dma_start3A_298 = arith.constant 0 : i32
            %dma_start3A_299 = arith.constant 0 : i32
            %dma_start3A_300 = tpu.memref_slice %run_scoped3A[%rem3A_295, %dma_start3A_298, %dma_start3A_299] : memref<2x1x128xi32, #tpu.memory_space<vmem>> -> memref<1x1x128xi32, #tpu.memory_space<vmem>>
            %dma_start3A_301 = tpu.memref_squeeze %dma_start3A_300 : memref<1x1x128xi32, #tpu.memory_space<vmem>> -> memref<1x128xi32, #tpu.memory_space<vmem>>
            %dma_start3A_302 = arith.constant 0 : i32
            %dma_start3A_303 = tpu.memref_slice %arg3[%dma_start3A_302, %mul3A_297] : memref<1x4608xi32, #tpu.memory_space<hbm>> -> memref<1x128xi32, #tpu.memory_space<hbm>>
            %dma_start3A_304 = tpu.memref_slice %run_scoped3A_17[%rem3A_295] : memref<2x!tpu.dma_semaphore, #tpu.memory_space<semaphore_mem>> -> memref<1x!tpu.dma_semaphore, #tpu.memory_space<semaphore_mem>>
            %dma_start3A_305 = tpu.memref_squeeze %dma_start3A_304 : memref<1x!tpu.dma_semaphore, #tpu.memory_space<semaphore_mem>> -> memref<!tpu.dma_semaphore, #tpu.memory_space<semaphore_mem>>
            %dma_start3A_306 = arith.constant 0 : i32
            %dma_start3A_307 = arith.constant 0 : i32
            %dma_start3A_308 = tpu.memref_slice %run_scoped3A[%rem3A_295, %dma_start3A_306, %dma_start3A_307] : memref<2x1x128xi32, #tpu.memory_space<vmem>> -> memref<1x1x128xi32, #tpu.memory_space<vmem>>
            %dma_start3A_309 = tpu.memref_squeeze %dma_start3A_308 : memref<1x1x128xi32, #tpu.memory_space<vmem>> -> memref<1x128xi32, #tpu.memory_space<vmem>>
            %dma_start3A_310 = arith.constant 0 : i32
            %dma_start3A_311 = tpu.memref_slice %arg3[%dma_start3A_310, %mul3A_297] : memref<1x4608xi32, #tpu.memory_space<hbm>> -> memref<1x128xi32, #tpu.memory_space<hbm>>
            tpu.enqueue_dma source(%dma_start3A_311 : memref<1x128xi32, #tpu.memory_space<hbm>>) target(%dma_start3A_309 : memref<1x128xi32, #tpu.memory_space<vmem>>) target_semaphore(%dma_start3A_305 : memref<!tpu.dma_semaphore, #tpu.memory_space<semaphore_mem>>)
            "tpu.trace_stop"() : () -> ()
          } else {
          }
          %and3A_191 = arith.constant true
          %and3A_192 = arith.andi %and3A, %and3A_191 : i1
          %add3A_193 = arith.constant 1 : i32
          %add3A_194 = arith.addi %while3A_143, %add3A_193 : i32
          %select_n3A_195 = arith.select %and3A_192, %add3A_194, %while3A_143 : i32
          %ne3A_196 = arith.cmpi ne, %add3A_155, %add3A_173 : i32
          %or3A_197 = arith.constant false
          %or3A_198 = arith.ori %or3A_197, %ne3A_196 : i1
          %or3A_199 = arith.constant false
          %or3A_200 = arith.ori %or3A_198, %or3A_199 : i1
          %sub3A_201 = arith.constant 2 : i32
          %sub3A_202 = arith.subi %mul3A_149, %sub3A_201 : i32
          %add3A_203 = arith.constant 1 : i32
          %add3A_204 = arith.addi %sub3A_202, %add3A_203 : i32
          %ge3A_205 = arith.cmpi sge, %while3A_142, %add3A_204 : i32
          %not3A_206 = arith.constant true
          %not3A_207 = arith.xori %ge3A_205, %not3A_206 : i1
          %and3A_208 = arith.andi %or3A_200, %not3A_207 : i1
          %ne3A_209 = arith.cmpi ne, %add3A_155, %add3A_165 : i32
          %or3A_210 = arith.constant false
          %or3A_211 = arith.ori %or3A_210, %ne3A_209 : i1
          %or3A_212 = arith.ori %or3A_211, %eq3A_151 : i1
          %convert_element_type3A_213 = arith.extui %or3A_212 : i1 to i32
          %cond3A_214 = arith.constant 0 : i32
          %cond3A_215 = arith.cmpi ne, %convert_element_type3A_213, %cond3A_214 : i32
          scf.if %cond3A_215 {
            "tpu.trace_start"() <{level = 10 : i32, message = "ep_wait_in"}> : () -> ()
            %mul3A_294 = arith.constant 128 : i32
            %mul3A_295 = arith.muli %mul3A_294, %add3A_155 : i32
            %rem3A_296 = arith.constant 2 : i32
            %rem3A_297 = arith.remui %while3A_144, %rem3A_296 : i32
            %dma_wait3A = arith.constant 0 : i32
            %dma_wait3A_298 = arith.constant 0 : i32
            %dma_wait3A_299 = tpu.memref_slice %run_scoped3A[%rem3A_297, %dma_wait3A, %dma_wait3A_298] : memref<2x1x128xi32, #tpu.memory_space<vmem>> -> memref<1x1x128xi32, #tpu.memory_space<vmem>>
            %dma_wait3A_300 = tpu.memref_squeeze %dma_wait3A_299 : memref<1x1x128xi32, #tpu.memory_space<vmem>> -> memref<1x128xi32, #tpu.memory_space<vmem>>
            %dma_wait3A_301 = arith.constant 0 : i32
            %dma_wait3A_302 = tpu.memref_slice %arg3[%dma_wait3A_301, %mul3A_295] : memref<1x4608xi32, #tpu.memory_space<hbm>> -> memref<1x128xi32, #tpu.memory_space<hbm>>
            %dma_wait3A_303 = tpu.memref_slice %run_scoped3A_17[%rem3A_297] : memref<2x!tpu.dma_semaphore, #tpu.memory_space<semaphore_mem>> -> memref<1x!tpu.dma_semaphore, #tpu.memory_space<semaphore_mem>>
            %dma_wait3A_304 = tpu.memref_squeeze %dma_wait3A_303 : memref<1x!tpu.dma_semaphore, #tpu.memory_space<semaphore_mem>> -> memref<!tpu.dma_semaphore, #tpu.memory_space<semaphore_mem>>
            %dma_wait3A_305 = arith.constant 0 : i32
            %dma_wait3A_306 = arith.constant 0 : i32
            %dma_wait3A_307 = tpu.memref_slice %run_scoped3A[%rem3A_297, %dma_wait3A_305, %dma_wait3A_306] : memref<2x1x128xi32, #tpu.memory_space<vmem>> -> memref<1x1x128xi32, #tpu.memory_space<vmem>>
            %dma_wait3A_308 = tpu.memref_squeeze %dma_wait3A_307 : memref<1x1x128xi32, #tpu.memory_space<vmem>> -> memref<1x128xi32, #tpu.memory_space<vmem>>
            %dma_wait3A_309 = arith.constant 0 : i32
            %dma_wait3A_310 = tpu.memref_slice %arg3[%dma_wait3A_309, %mul3A_295] : memref<1x4608xi32, #tpu.memory_space<hbm>> -> memref<1x128xi32, #tpu.memory_space<hbm>>
            tpu.wait_dma2 semaphore(%dma_wait3A_304 : memref<!tpu.dma_semaphore, #tpu.memory_space<semaphore_mem>>) src(%dma_wait3A_310 : memref<1x128xi32, #tpu.memory_space<hbm>>) dst(%dma_wait3A_308 : memref<1x128xi32, #tpu.memory_space<vmem>>)
            "tpu.trace_stop"() : () -> ()
          } else {
          }
          %ne3A_216 = arith.cmpi ne, %add3A_155, %add3A_165 : i32
          %or3A_217 = arith.constant false
          %or3A_218 = arith.ori %or3A_217, %ne3A_216 : i1
          %or3A_219 = arith.constant false
          %or3A_220 = arith.ori %or3A_218, %or3A_219 : i1
          %or3A_221 = arith.ori %or3A_220, %eq3A_151 : i1
          %convert_element_type3A_222 = arith.extui %or3A_221 : i1 to i32
          %cond3A_223 = arith.constant 0 : i32
          %cond3A_224 = arith.cmpi ne, %convert_element_type3A_222, %cond3A_223 : i32
          scf.if %cond3A_224 {
          } else {
          }
          %rem3A_225 = arith.constant 2 : i32
          %rem3A_226 = arith.remui %while3A_144, %rem3A_225 : i32
          %rem3A_227 = arith.constant 2 : i32
          %rem3A_228 = arith.remui %while3A_145, %rem3A_227 : i32
          %run_scoped3A_229 = arith.constant 0 : i32
          "tpu.trace_start"() <{level = 10 : i32, message = "ep_run_kernel"}> : () -> ()
          "tpu.region"() ({
            %run_scoped3A_294 = tpu.sem_alloc : memref<!tpu.dma_semaphore, #tpu.memory_space<semaphore_mem>>
            %dma_start3A_295 = arith.constant 0 : i32
            %dma_start3A_296 = arith.constant 0 : i32
            %dma_start3A_297 = tpu.memref_slice %run_scoped3A_18[%rem3A_228, %dma_start3A_295, %dma_start3A_296] : memref<2x128x256xf32, #tpu.memory_space<vmem>> -> memref<1x128x256xf32, #tpu.memory_space<vmem>>
            %dma_start3A_298 = tpu.memref_squeeze %dma_start3A_297 : memref<1x128x256xf32, #tpu.memory_space<vmem>> -> memref<128x256xf32, #tpu.memory_space<vmem>>
            %dma_start3A_299 = arith.constant 0 : i32
            %dma_start3A_300 = arith.constant 0 : i32
            %dma_start3A_301 = tpu.memref_slice %run_scoped3A[%rem3A_226, %dma_start3A_299, %dma_start3A_300] : memref<2x1x128xi32, #tpu.memory_space<vmem>> -> memref<1x1x128xi32, #tpu.memory_space<vmem>>
            %dma_start3A_302 = tpu.memref_squeeze %dma_start3A_301 : memref<1x1x128xi32, #tpu.memory_space<vmem>> -> memref<1x128xi32, #tpu.memory_space<vmem>>
            %dma_start3A_303 = arith.constant 0 : i32
            %dma_start3A_304 = tpu.memref_slice %dma_start3A_302[%run_scoped3A_229, %dma_start3A_303] : memref<1x128xi32, #tpu.memory_space<vmem>> -> memref<1x128xi32, #tpu.memory_space<vmem>>
            %dma_start3A_305 = tpu.memref_squeeze %dma_start3A_304 : memref<1x128xi32, #tpu.memory_space<vmem>> -> memref<128xi32, #tpu.memory_space<vmem>>
            %dma_start3A_306 = arith.constant 0 : i32
            %dma_start3A_307 = arith.constant 0 : i32
            %dma_start3A_308 = tpu.memref_slice %arg2[%dma_start3A_306, %dma_start3A_307] : memref<8192x256xf32, #tpu.memory_space<hbm>> -> memref<8192x256xf32, #tpu.memory_space<hbm>>
            tpu.enqueue_indirect_dma source(%dma_start3A_308 : memref<8192x256xf32, #tpu.memory_space<hbm>>) target(%dma_start3A_298 : memref<128x256xf32, #tpu.memory_space<vmem>>) offsets(%dma_start3A_305 : memref<128xi32, #tpu.memory_space<vmem>>) semaphore(%run_scoped3A_294 : memref<!tpu.dma_semaphore, #tpu.memory_space<semaphore_mem>>)
            %dma_wait3A = arith.constant 0 : i32
            %dma_wait3A_309 = arith.constant 0 : i32
            %dma_wait3A_310 = tpu.memref_slice %run_scoped3A_18[%rem3A_228, %dma_wait3A, %dma_wait3A_309] : memref<2x128x256xf32, #tpu.memory_space<vmem>> -> memref<1x128x256xf32, #tpu.memory_space<vmem>>
            %dma_wait3A_311 = tpu.memref_squeeze %dma_wait3A_310 : memref<1x128x256xf32, #tpu.memory_space<vmem>> -> memref<128x256xf32, #tpu.memory_space<vmem>>
            %dma_wait3A_312 = arith.constant 0 : i32
            %dma_wait3A_313 = arith.constant 0 : i32
            %dma_wait3A_314 = tpu.memref_slice %run_scoped3A[%rem3A_226, %dma_wait3A_312, %dma_wait3A_313] : memref<2x1x128xi32, #tpu.memory_space<vmem>> -> memref<1x1x128xi32, #tpu.memory_space<vmem>>
            %dma_wait3A_315 = tpu.memref_squeeze %dma_wait3A_314 : memref<1x1x128xi32, #tpu.memory_space<vmem>> -> memref<1x128xi32, #tpu.memory_space<vmem>>
            %dma_wait3A_316 = arith.constant 0 : i32
            %dma_wait3A_317 = tpu.memref_slice %dma_wait3A_315[%run_scoped3A_229, %dma_wait3A_316] : memref<1x128xi32, #tpu.memory_space<vmem>> -> memref<1x128xi32, #tpu.memory_space<vmem>>
            %dma_wait3A_318 = tpu.memref_squeeze %dma_wait3A_317 : memref<1x128xi32, #tpu.memory_space<vmem>> -> memref<128xi32, #tpu.memory_space<vmem>>
            %dma_wait3A_319 = arith.constant 0 : i32
            %dma_wait3A_320 = arith.constant 0 : i32
            %dma_wait3A_321 = tpu.memref_slice %arg2[%dma_wait3A_319, %dma_wait3A_320] : memref<8192x256xf32, #tpu.memory_space<hbm>> -> memref<8192x256xf32, #tpu.memory_space<hbm>>
            tpu.wait_indirect_dma semaphore(%run_scoped3A_294 : memref<!tpu.dma_semaphore, #tpu.memory_space<semaphore_mem>>) src(%dma_wait3A_321 : memref<8192x256xf32, #tpu.memory_space<hbm>>) dst(%dma_wait3A_311 : memref<128x256xf32, #tpu.memory_space<vmem>>)
            tpu.yield
          }) : () -> ()
          "tpu.trace_stop"() : () -> ()
          %ne3A_230 = arith.cmpi ne, %add3A_155, %add3A_173 : i32
          %or3A_231 = arith.constant false
          %or3A_232 = arith.ori %or3A_231, %ne3A_230 : i1
          %or3A_233 = arith.ori %or3A_232, %eq3A_154 : i1
          %convert_element_type3A_234 = arith.extui %or3A_233 : i1 to i32
          %cond3A_235 = arith.constant 0 : i32
          %cond3A_236 = arith.cmpi ne, %convert_element_type3A_234, %cond3A_235 : i32
          scf.if %cond3A_236 {
          } else {
          }
          %and3A_237 = arith.constant false
          %and3A_238 = arith.andi %or3A_233, %and3A_237 : i1
          %ne3A_239 = arith.cmpi ne, %add3A_155, %add3A_173 : i32
          %or3A_240 = arith.constant false
          %or3A_241 = arith.ori %or3A_240, %ne3A_239 : i1
          %or3A_242 = arith.constant false
          %or3A_243 = arith.ori %or3A_241, %or3A_242 : i1
          %or3A_244 = arith.ori %or3A_243, %eq3A_154 : i1
          %convert_element_type3A_245 = arith.extui %or3A_244 : i1 to i32
          %cond3A_246 = arith.constant 0 : i32
          %cond3A_247 = arith.cmpi ne, %convert_element_type3A_245, %cond3A_246 : i32
          scf.if %cond3A_247 {
            "tpu.trace_start"() <{level = 10 : i32, message = "ep_copy_out"}> : () -> ()
            %rem3A_294 = arith.constant 2 : i32
            %rem3A_295 = arith.remui %while3A_145, %rem3A_294 : i32
            %mul3A_296 = arith.constant 128 : i32
            %mul3A_297 = arith.muli %mul3A_296, %add3A_155 : i32
            %dma_start3A_298 = arith.constant 0 : i32
            %dma_start3A_299 = arith.constant 0 : i32
            %dma_start3A_300 = tpu.memref_slice %run_scoped3A_18[%rem3A_295, %dma_start3A_298, %dma_start3A_299] : memref<2x128x256xf32, #tpu.memory_space<vmem>> -> memref<1x128x256xf32, #tpu.memory_space<vmem>>
            %dma_start3A_301 = tpu.memref_squeeze %dma_start3A_300 : memref<1x128x256xf32, #tpu.memory_space<vmem>> -> memref<128x256xf32, #tpu.memory_space<vmem>>
            %dma_start3A_302 = arith.constant 0 : i32
            %dma_start3A_303 = tpu.memref_slice %arg4[%mul3A_297, %dma_start3A_302] : memref<4608x256xf32, #tpu.memory_space<hbm>> -> memref<128x256xf32, #tpu.memory_space<hbm>>
            %dma_start3A_304 = tpu.memref_slice %run_scoped3A_19[%rem3A_295] : memref<2x!tpu.dma_semaphore, #tpu.memory_space<semaphore_mem>> -> memref<1x!tpu.dma_semaphore, #tpu.memory_space<semaphore_mem>>
            %dma_start3A_305 = tpu.memref_squeeze %dma_start3A_304 : memref<1x!tpu.dma_semaphore, #tpu.memory_space<semaphore_mem>> -> memref<!tpu.dma_semaphore, #tpu.memory_space<semaphore_mem>>
            %dma_start3A_306 = arith.constant 0 : i32
            %dma_start3A_307 = tpu.memref_slice %arg4[%mul3A_297, %dma_start3A_306] : memref<4608x256xf32, #tpu.memory_space<hbm>> -> memref<128x256xf32, #tpu.memory_space<hbm>>
            %dma_start3A_308 = arith.constant 0 : i32
            %dma_start3A_309 = arith.constant 0 : i32
            %dma_start3A_310 = tpu.memref_slice %run_scoped3A_18[%rem3A_295, %dma_start3A_308, %dma_start3A_309] : memref<2x128x256xf32, #tpu.memory_space<vmem>> -> memref<1x128x256xf32, #tpu.memory_space<vmem>>
            %dma_start3A_311 = tpu.memref_squeeze %dma_start3A_310 : memref<1x128x256xf32, #tpu.memory_space<vmem>> -> memref<128x256xf32, #tpu.memory_space<vmem>>
            tpu.enqueue_dma source(%dma_start3A_311 : memref<128x256xf32, #tpu.memory_space<vmem>>) target(%dma_start3A_307 : memref<128x256xf32, #tpu.memory_space<hbm>>) target_semaphore(%dma_start3A_305 : memref<!tpu.dma_semaphore, #tpu.memory_space<semaphore_mem>>)
            "tpu.trace_stop"() : () -> ()
          } else {
          }
          %and3A_248 = arith.constant true
          %and3A_249 = arith.andi %or3A_244, %and3A_248 : i1
          %add3A_250 = arith.constant 1 : i32
          %add3A_251 = arith.addi %while3A_145, %add3A_250 : i32
          %select_n3A_252 = arith.select %and3A_249, %add3A_251, %while3A_145 : i32
          %ne3A_253 = arith.cmpi ne, %add3A_155, %add3A_165 : i32
          %or3A_254 = arith.constant false
          %or3A_255 = arith.ori %or3A_254, %ne3A_253 : i1
          %not3A_256 = arith.constant true
          %not3A_257 = arith.xori %eq3A_151, %not3A_256 : i1
          %and3A_258 = arith.andi %or3A_255, %not3A_257 : i1
          %convert_element_type3A_259 = arith.extui %and3A_258 : i1 to i32
          %cond3A_260 = arith.constant 0 : i32
          %cond3A_261 = arith.cmpi ne, %convert_element_type3A_259, %cond3A_260 : i32
          scf.if %cond3A_261 {
          } else {
          }
          %and3A_262 = arith.constant false
          %and3A_263 = arith.andi %and3A_258, %and3A_262 : i1
          %ne3A_264 = arith.cmpi ne, %add3A_155, %add3A_165 : i32
          %or3A_265 = arith.constant false
          %or3A_266 = arith.ori %or3A_265, %ne3A_264 : i1
          %or3A_267 = arith.constant false
          %or3A_268 = arith.ori %or3A_266, %or3A_267 : i1
          %not3A_269 = arith.constant true
          %not3A_270 = arith.xori %eq3A_151, %not3A_269 : i1
          %and3A_271 = arith.andi %or3A_268, %not3A_270 : i1
          %convert_element_type3A_272 = arith.extui %and3A_271 : i1 to i32
          %cond3A_273 = arith.constant 0 : i32
          %cond3A_274 = arith.cmpi ne, %convert_element_type3A_272, %cond3A_273 : i32
          scf.if %cond3A_274 {
            "tpu.trace_start"() <{level = 10 : i32, message = "ep_wait_out"}> : () -> ()
            %rem3A_294 = arith.constant 2 : i32
            %rem3A_295 = arith.remui %while3A_146, %rem3A_294 : i32
            %mul3A_296 = arith.constant 128 : i32
            %mul3A_297 = arith.muli %mul3A_296, %add3A_165 : i32
            %dma_wait3A = arith.constant 0 : i32
            %dma_wait3A_298 = arith.constant 0 : i32
            %dma_wait3A_299 = tpu.memref_slice %run_scoped3A_18[%rem3A_295, %dma_wait3A, %dma_wait3A_298] : memref<2x128x256xf32, #tpu.memory_space<vmem>> -> memref<1x128x256xf32, #tpu.memory_space<vmem>>
            %dma_wait3A_300 = tpu.memref_squeeze %dma_wait3A_299 : memref<1x128x256xf32, #tpu.memory_space<vmem>> -> memref<128x256xf32, #tpu.memory_space<vmem>>
            %dma_wait3A_301 = arith.constant 0 : i32
            %dma_wait3A_302 = tpu.memref_slice %arg4[%mul3A_297, %dma_wait3A_301] : memref<4608x256xf32, #tpu.memory_space<hbm>> -> memref<128x256xf32, #tpu.memory_space<hbm>>
            %dma_wait3A_303 = tpu.memref_slice %run_scoped3A_19[%rem3A_295] : memref<2x!tpu.dma_semaphore, #tpu.memory_space<semaphore_mem>> -> memref<1x!tpu.dma_semaphore, #tpu.memory_space<semaphore_mem>>
            %dma_wait3A_304 = tpu.memref_squeeze %dma_wait3A_303 : memref<1x!tpu.dma_semaphore, #tpu.memory_space<semaphore_mem>> -> memref<!tpu.dma_semaphore, #tpu.memory_space<semaphore_mem>>
            %dma_wait3A_305 = arith.constant 0 : i32
            %dma_wait3A_306 = tpu.memref_slice %arg4[%mul3A_297, %dma_wait3A_305] : memref<4608x256xf32, #tpu.memory_space<hbm>> -> memref<128x256xf32, #tpu.memory_space<hbm>>
            %dma_wait3A_307 = arith.constant 0 : i32
            %dma_wait3A_308 = arith.constant 0 : i32
            %dma_wait3A_309 = tpu.memref_slice %run_scoped3A_18[%rem3A_295, %dma_wait3A_307, %dma_wait3A_308] : memref<2x128x256xf32, #tpu.memory_space<vmem>> -> memref<1x128x256xf32, #tpu.memory_space<vmem>>
            %dma_wait3A_310 = tpu.memref_squeeze %dma_wait3A_309 : memref<1x128x256xf32, #tpu.memory_space<vmem>> -> memref<128x256xf32, #tpu.memory_space<vmem>>
            tpu.wait_dma2 semaphore(%dma_wait3A_304 : memref<!tpu.dma_semaphore, #tpu.memory_space<semaphore_mem>>) src(%dma_wait3A_310 : memref<128x256xf32, #tpu.memory_space<vmem>>) dst(%dma_wait3A_306 : memref<128x256xf32, #tpu.memory_space<hbm>>)
            "tpu.trace_stop"() : () -> ()
          } else {
          }
          %and3A_275 = arith.constant true
          %and3A_276 = arith.andi %and3A_271, %and3A_275 : i1
          %add3A_277 = arith.constant 1 : i32
          %add3A_278 = arith.addi %while3A_146, %add3A_277 : i32
          %select_n3A_279 = arith.select %and3A_276, %add3A_278, %while3A_146 : i32
          %ne3A_280 = arith.cmpi ne, %add3A_155, %add3A_173 : i32
          %or3A_281 = arith.constant false
          %or3A_282 = arith.ori %or3A_281, %ne3A_280 : i1
          %or3A_283 = arith.ori %or3A_282, %eq3A_154 : i1
          %add3A_284 = arith.constant 1 : i32
          %add3A_285 = arith.addi %while3A_144, %add3A_284 : i32
          %select_n3A_286 = arith.select %or3A_283, %add3A_285, %while3A_144 : i32
          %add3A_287 = arith.constant 1 : i32
          %add3A_288 = arith.addi %while3A_147, %add3A_287 : i32
          %select_n3A_289 = arith.constant true
          %select_n3A_290 = arith.select %select_n3A_289, %add3A_288, %while3A_147 : i32
          %eq3A_291 = arith.cmpi eq, %select_n3A_290, %select_n3A : i32
          %select_n3A_292 = arith.constant 0 : i32
          %select_n3A_293 = arith.select %eq3A_291, %select_n3A_292, %select_n3A_290 : i32
          scf.yield %select_n3A_195, %select_n3A_286, %select_n3A_252, %select_n3A_279, %select_n3A_293 : i32, i32, i32, i32, i32
        }
        %sub3A_91 = arith.constant 1 : i32
        %sub3A_92 = arith.subi %while3A_90#4, %sub3A_91 : i32
        %select_n3A_93 = arith.constant true
        %select_n3A_94 = arith.select %select_n3A_93, %sub3A_92, %while3A_90#4 : i32
        %eq3A_95 = arith.constant -1 : i32
        %eq3A_96 = arith.cmpi eq, %select_n3A_94, %eq3A_95 : i32
        %sub3A_97 = arith.constant 1 : i32
        %sub3A_98 = arith.subi %select_n3A, %sub3A_97 : i32
        %select_n3A_99 = arith.select %eq3A_96, %sub3A_98, %select_n3A_94 : i32
        %sub3A_100 = arith.constant 1 : i32
        %sub3A_101 = arith.subi %mul3A_16, %sub3A_100 : i32
        %mul3A_102 = arith.constant 1 : i32
        %mul3A_103 = arith.muli %mul3A_102, %select_n3A : i32
        %eq3A_104 = arith.constant 0 : i32
        %eq3A_105 = arith.cmpi eq, %sub3A_101, %eq3A_104 : i32
        %sub3A_106 = arith.constant 1 : i32
        %sub3A_107 = arith.subi %mul3A_103, %sub3A_106 : i32
        %eq3A_108 = arith.cmpi eq, %sub3A_101, %sub3A_107 : i32
        %add3A_109 = arith.addi %select_n3A_99, %select_n3A_14 : i32
        %sub3A_110 = arith.constant 1 : i32
        %sub3A_111 = arith.subi %select_n3A_99, %sub3A_110 : i32
        %select_n3A_112 = arith.constant true
        %select_n3A_113 = arith.select %select_n3A_112, %sub3A_111, %select_n3A_99 : i32
        %eq3A_114 = arith.constant -1 : i32
        %eq3A_115 = arith.cmpi eq, %select_n3A_113, %eq3A_114 : i32
        %sub3A_116 = arith.constant 1 : i32
        %sub3A_117 = arith.subi %select_n3A, %sub3A_116 : i32
        %select_n3A_118 = arith.select %eq3A_115, %sub3A_117, %select_n3A_113 : i32
        %add3A_119 = arith.addi %select_n3A_118, %select_n3A_14 : i32
        %add3A_120 = arith.constant 1 : i32
        %add3A_121 = arith.addi %select_n3A_99, %add3A_120 : i32
        %select_n3A_122 = arith.constant true
        %select_n3A_123 = arith.select %select_n3A_122, %add3A_121, %select_n3A_99 : i32
        %eq3A_124 = arith.cmpi eq, %select_n3A_123, %select_n3A : i32
        %select_n3A_125 = arith.constant 0 : i32
        %select_n3A_126 = arith.select %eq3A_124, %select_n3A_125, %select_n3A_123 : i32
        %add3A_127 = arith.addi %select_n3A_126, %select_n3A_14 : i32
        %add3A_128 = arith.constant 1 : i32
        %add3A_129 = arith.addi %select_n3A_126, %add3A_128 : i32
        %select_n3A_130 = arith.constant true
        %select_n3A_131 = arith.select %select_n3A_130, %add3A_129, %select_n3A_126 : i32
        %eq3A_132 = arith.cmpi eq, %select_n3A_131, %select_n3A : i32
        %select_n3A_133 = arith.constant 0 : i32
        %select_n3A_134 = arith.select %eq3A_132, %select_n3A_133, %select_n3A_131 : i32
        %add3A_135 = arith.addi %select_n3A_134, %select_n3A_14 : i32
        %convert_element_type3A_136 = arith.extui %eq3A_108 : i1 to i32
        %cond3A_137 = arith.constant 0 : i32
        %cond3A_138 = arith.cmpi ne, %convert_element_type3A_136, %cond3A_137 : i32
        scf.if %cond3A_138 {
        } else {
        }
        %convert_element_type3A_139 = arith.extui %eq3A_108 : i1 to i32
        %cond3A_140 = arith.constant 0 : i32
        %cond3A_141 = arith.cmpi ne, %convert_element_type3A_139, %cond3A_140 : i32
        scf.if %cond3A_141 {
          "tpu.trace_start"() <{level = 10 : i32, message = "ep_finalize"}> : () -> ()
          %rem3A_142 = arith.constant 2 : i32
          %rem3A_143 = arith.remui %while3A_90#3, %rem3A_142 : i32
          %mul3A_144 = arith.constant 128 : i32
          %mul3A_145 = arith.muli %mul3A_144, %add3A_109 : i32
          %dma_wait3A = arith.constant 0 : i32
          %dma_wait3A_146 = arith.constant 0 : i32
          %dma_wait3A_147 = tpu.memref_slice %run_scoped3A_18[%rem3A_143, %dma_wait3A, %dma_wait3A_146] : memref<2x128x256xf32, #tpu.memory_space<vmem>> -> memref<1x128x256xf32, #tpu.memory_space<vmem>>
          %dma_wait3A_148 = tpu.memref_squeeze %dma_wait3A_147 : memref<1x128x256xf32, #tpu.memory_space<vmem>> -> memref<128x256xf32, #tpu.memory_space<vmem>>
          %dma_wait3A_149 = arith.constant 0 : i32
          %dma_wait3A_150 = tpu.memref_slice %arg4[%mul3A_145, %dma_wait3A_149] : memref<4608x256xf32, #tpu.memory_space<hbm>> -> memref<128x256xf32, #tpu.memory_space<hbm>>
          %dma_wait3A_151 = tpu.memref_slice %run_scoped3A_19[%rem3A_143] : memref<2x!tpu.dma_semaphore, #tpu.memory_space<semaphore_mem>> -> memref<1x!tpu.dma_semaphore, #tpu.memory_space<semaphore_mem>>
          %dma_wait3A_152 = tpu.memref_squeeze %dma_wait3A_151 : memref<1x!tpu.dma_semaphore, #tpu.memory_space<semaphore_mem>> -> memref<!tpu.dma_semaphore, #tpu.memory_space<semaphore_mem>>
          %dma_wait3A_153 = arith.constant 0 : i32
          %dma_wait3A_154 = tpu.memref_slice %arg4[%mul3A_145, %dma_wait3A_153] : memref<4608x256xf32, #tpu.memory_space<hbm>> -> memref<128x256xf32, #tpu.memory_space<hbm>>
          %dma_wait3A_155 = arith.constant 0 : i32
          %dma_wait3A_156 = arith.constant 0 : i32
          %dma_wait3A_157 = tpu.memref_slice %run_scoped3A_18[%rem3A_143, %dma_wait3A_155, %dma_wait3A_156] : memref<2x128x256xf32, #tpu.memory_space<vmem>> -> memref<1x128x256xf32, #tpu.memory_space<vmem>>
          %dma_wait3A_158 = tpu.memref_squeeze %dma_wait3A_157 : memref<1x128x256xf32, #tpu.memory_space<vmem>> -> memref<128x256xf32, #tpu.memory_space<vmem>>
          tpu.wait_dma2 semaphore(%dma_wait3A_152 : memref<!tpu.dma_semaphore, #tpu.memory_space<semaphore_mem>>) src(%dma_wait3A_158 : memref<128x256xf32, #tpu.memory_space<vmem>>) dst(%dma_wait3A_154 : memref<128x256xf32, #tpu.memory_space<hbm>>)
          "tpu.trace_stop"() : () -> ()
        } else {
        }
      } else {
      }
      tpu.yield
    }) : () -> ()
    return
  }
}

#map = affine_map<(d0, d1) -> (0, 0)>
module attributes {stable_mosaic.version = 14 : i64} {
  func.func @kern(%arg0: i32, %arg1: i32, %arg2: memref<8192x256xf32, #tpu.memory_space<hbm>>, %arg3: memref<1x4608xi32, #tpu.memory_space<hbm>>, %arg4: memref<4608x256xf32, #tpu.memory_space<hbm>>) attributes {dimension_semantics = [#tpu.dimension_semantics<core_parallel>, #tpu.dimension_semantics<subcore_parallel>], iteration_bounds = array<i64: 2, 16>, scalar_prefetch = 0 : i64, scratch_operands = 0 : i64, tpu.core_type = #tpu.core_type<sc_vector_subcore>, window_params = [{transform_indices = #map}, {transform_indices = #map}, {transform_indices = #map}]} {
    %mul3A = arith.constant 1 : i32
    %mul3A_0 = arith.muli %arg1, %mul3A : i32
    %add3A = arith.constant 0 : i32
    %add3A_1 = arith.addi %add3A, %mul3A_0 : i32
    %mul3A_2 = arith.constant 16 : i32
    %mul3A_3 = arith.muli %arg0, %mul3A_2 : i32
    %add3A_4 = arith.addi %add3A_1, %mul3A_3 : i32
    %lt3A = arith.constant 4 : i32
    %lt3A_5 = arith.cmpi slt, %add3A_4, %lt3A : i32
    %jit3A = arith.constant 2 : i32
    %jit3A_6 = arith.constant 1 : i32
    %select_n3A = arith.select %lt3A_5, %jit3A, %jit3A_6 : i32
    %lt3A_7 = arith.constant 4 : i32
    %lt3A_8 = arith.cmpi slt, %add3A_4, %lt3A_7 : i32
    %mul3A_9 = arith.muli %add3A_4, %select_n3A : i32
    %mul3A_10 = arith.constant 1 : i32
    %mul3A_11 = arith.muli %add3A_4, %mul3A_10 : i32
    %add3A_12 = arith.constant 4 : i32
    %add3A_13 = arith.addi %mul3A_11, %add3A_12 : i32
    %select_n3A_14 = arith.select %lt3A_8, %mul3A_9, %add3A_13 : i32
    %mul3A_15 = arith.constant 1 : i32
    %mul3A_16 = arith.muli %mul3A_15, %select_n3A : i32
    "tpu.region"() ({
      %run_scoped3A = memref.alloca() : memref<2x1x128xi32, #tpu.memory_space<vmem>>
      %run_scoped3A_17 = tpu.sem_alloc : memref<2x!tpu.dma_semaphore, #tpu.memory_space<semaphore_mem>>
      %run_scoped3A_18 = memref.alloca() : memref<2x128x256xf32, #tpu.memory_space<vmem>>
      %run_scoped3A_19 = tpu.sem_alloc : memref<2x!tpu.dma_semaphore, #tpu.memory_space<semaphore_mem>>
      %gt3A = arith.constant 0 : i32
      %gt3A_20 = arith.cmpi sgt, %mul3A_16, %gt3A : i32
      %convert_element_type3A = arith.extui %gt3A_20 : i1 to i32
      %cond3A = arith.constant 0 : i32
      %cond3A_21 = arith.cmpi ne, %convert_element_type3A, %cond3A : i32
      scf.if %cond3A_21 {
        %mul3A_22 = arith.constant 1 : i32
        %mul3A_23 = arith.muli %mul3A_22, %select_n3A : i32
        %sub3A = arith.constant 1 : i32
        %sub3A_24 = arith.subi %mul3A_23, %sub3A : i32
        %eq3A = arith.constant 0 : i32
        %eq3A_25 = arith.cmpi eq, %sub3A_24, %eq3A : i32
        %add3A_26 = arith.constant 0 : i32
        %add3A_27 = arith.addi %add3A_26, %select_n3A_14 : i32
        %select_n3A_28 = arith.constant true
        %select_n3A_29 = arith.constant 0 : i32
        %select_n3A_30 = arith.constant -1 : i32
        %select_n3A_31 = arith.select %select_n3A_28, %select_n3A_30, %select_n3A_29 : i32
        %eq3A_32 = arith.constant -1 : i32
        %eq3A_33 = arith.cmpi eq, %select_n3A_31, %eq3A_32 : i32
        %sub3A_34 = arith.constant 1 : i32
        %sub3A_35 = arith.subi %select_n3A, %sub3A_34 : i32
        %select_n3A_36 = arith.select %eq3A_33, %sub3A_35, %select_n3A_31 : i32
        %add3A_37 = arith.addi %select_n3A_36, %select_n3A_14 : i32
        %select_n3A_38 = arith.constant true
        %select_n3A_39 = arith.constant 0 : i32
        %select_n3A_40 = arith.constant 1 : i32
        %select_n3A_41 = arith.select %select_n3A_38, %select_n3A_40, %select_n3A_39 : i32
        %eq3A_42 = arith.cmpi eq, %select_n3A_41, %select_n3A : i32
        %select_n3A_43 = arith.constant 0 : i32
        %select_n3A_44 = arith.select %eq3A_42, %select_n3A_43, %select_n3A_41 : i32
        %add3A_45 = arith.addi %select_n3A_44, %select_n3A_14 : i32
        %add3A_46 = arith.constant 1 : i32
        %add3A_47 = arith.addi %select_n3A_44, %add3A_46 : i32
        %select_n3A_48 = arith.constant true
        %select_n3A_49 = arith.select %select_n3A_48, %add3A_47, %select_n3A_44 : i32
        %eq3A_50 = arith.cmpi eq, %select_n3A_49, %select_n3A : i32
        %select_n3A_51 = arith.constant 0 : i32
        %select_n3A_52 = arith.select %eq3A_50, %select_n3A_51, %select_n3A_49 : i32
        %add3A_53 = arith.addi %select_n3A_52, %select_n3A_14 : i32
        "tpu.trace_start"() <{level = 10 : i32, message = "ep_initialize_0"}> : () -> ()
        %rem3A = arith.constant 0 : i32
        %rem3A_54 = arith.constant 2 : i32
        %rem3A_55 = arith.remui %rem3A, %rem3A_54 : i32
        %mul3A_56 = arith.constant 128 : i32
        %mul3A_57 = arith.muli %mul3A_56, %add3A_27 : i32
        %dma_start3A = arith.constant 0 : i32
        %dma_start3A_58 = arith.constant 0 : i32
        %dma_start3A_59 = tpu.memref_slice %run_scoped3A[%rem3A_55, %dma_start3A, %dma_start3A_58] : memref<2x1x128xi32, #tpu.memory_space<vmem>> -> memref<1x1x128xi32, #tpu.memory_space<vmem>>
        %dma_start3A_60 = tpu.memref_squeeze %dma_start3A_59 : memref<1x1x128xi32, #tpu.memory_space<vmem>> -> memref<1x128xi32, #tpu.memory_space<vmem>>
        %dma_start3A_61 = arith.constant 0 : i32
        %dma_start3A_62 = tpu.memref_slice %arg3[%dma_start3A_61, %mul3A_57] : memref<1x4608xi32, #tpu.memory_space<hbm>> -> memref<1x128xi32, #tpu.memory_space<hbm>>
        %dma_start3A_63 = tpu.memref_slice %run_scoped3A_17[%rem3A_55] : memref<2x!tpu.dma_semaphore, #tpu.memory_space<semaphore_mem>> -> memref<1x!tpu.dma_semaphore, #tpu.memory_space<semaphore_mem>>
        %dma_start3A_64 = tpu.memref_squeeze %dma_start3A_63 : memref<1x!tpu.dma_semaphore, #tpu.memory_space<semaphore_mem>> -> memref<!tpu.dma_semaphore, #tpu.memory_space<semaphore_mem>>
        %dma_start3A_65 = arith.constant 0 : i32
        %dma_start3A_66 = arith.constant 0 : i32
        %dma_start3A_67 = tpu.memref_slice %run_scoped3A[%rem3A_55, %dma_start3A_65, %dma_start3A_66] : memref<2x1x128xi32, #tpu.memory_space<vmem>> -> memref<1x1x128xi32, #tpu.memory_space<vmem>>
        %dma_start3A_68 = tpu.memref_squeeze %dma_start3A_67 : memref<1x1x128xi32, #tpu.memory_space<vmem>> -> memref<1x128xi32, #tpu.memory_space<vmem>>
        %dma_start3A_69 = arith.constant 0 : i32
        %dma_start3A_70 = tpu.memref_slice %arg3[%dma_start3A_69, %mul3A_57] : memref<1x4608xi32, #tpu.memory_space<hbm>> -> memref<1x128xi32, #tpu.memory_space<hbm>>
        tpu.enqueue_dma source(%dma_start3A_70 : memref<1x128xi32, #tpu.memory_space<hbm>>) target(%dma_start3A_68 : memref<1x128xi32, #tpu.memory_space<vmem>>) target_semaphore(%dma_start3A_64 : memref<!tpu.dma_semaphore, #tpu.memory_space<semaphore_mem>>)
        %add3A_71 = arith.constant 0 : i32
        %add3A_72 = arith.constant 1 : i32
        %add3A_73 = arith.addi %add3A_71, %add3A_72 : i32
        %select_n3A_74 = arith.constant true
        %select_n3A_75 = arith.constant 0 : i32
        %select_n3A_76 = arith.select %select_n3A_74, %add3A_73, %select_n3A_75 : i32
        %while3A = arith.constant 0 : i32
        %while3A_77 = arith.constant 0 : i32
        %while3A_78 = arith.constant 0 : i32
        %while3A_79 = arith.constant 0 : i32
        %while3A_80 = arith.constant 0 : i32
        "tpu.trace_stop"() : () -> ()
        %while3A_81 = arith.subi %mul3A_16, %while3A : i32
        %while3A_82 = arith.addi %while3A, %while3A_81 : i32
        %while3A_83 = arith.constant 1 : i32
        %while3A_84 = arith.divsi %while3A_81, %while3A_83 : i32
        %while3A_85 = arith.muli %while3A_84, %while3A_83 : i32
        %while3A_86 = arith.addi %while3A, %while3A_85 : i32
        %while3A_87 = arith.constant 1 : i32
        %while3A_88:5 = scf.for %while3A_142 = %while3A to %while3A_86 step %while3A_87 iter_args(%while3A_143 = %select_n3A_76, %while3A_144 = %while3A_77, %while3A_145 = %while3A_78, %while3A_146 = %while3A_79, %while3A_147 = %while3A_80) -> (i32, i32, i32, i32, i32)  : i32 {
          %mul3A_148 = arith.constant 1 : i32
          %mul3A_149 = arith.muli %mul3A_148, %select_n3A : i32
          %eq3A_150 = arith.constant 0 : i32
          %eq3A_151 = arith.cmpi eq, %while3A_142, %eq3A_150 : i32
          %sub3A_152 = arith.constant 1 : i32
          %sub3A_153 = arith.subi %mul3A_149, %sub3A_152 : i32
          %eq3A_154 = arith.cmpi eq, %while3A_142, %sub3A_153 : i32
          %add3A_155 = arith.addi %while3A_147, %select_n3A_14 : i32
          %sub3A_156 = arith.constant 1 : i32
          %sub3A_157 = arith.subi %while3A_147, %sub3A_156 : i32
          %select_n3A_158 = arith.constant true
          %select_n3A_159 = arith.select %select_n3A_158, %sub3A_157, %while3A_147 : i32
          %eq3A_160 = arith.constant -1 : i32
          %eq3A_161 = arith.cmpi eq, %select_n3A_159, %eq3A_160 : i32
          %sub3A_162 = arith.constant 1 : i32
          %sub3A_163 = arith.subi %select_n3A, %sub3A_162 : i32
          %select_n3A_164 = arith.select %eq3A_161, %sub3A_163, %select_n3A_159 : i32
          %add3A_165 = arith.addi %select_n3A_164, %select_n3A_14 : i32
          %add3A_166 = arith.constant 1 : i32
          %add3A_167 = arith.addi %while3A_147, %add3A_166 : i32
          %select_n3A_168 = arith.constant true
          %select_n3A_169 = arith.select %select_n3A_168, %add3A_167, %while3A_147 : i32
          %eq3A_170 = arith.cmpi eq, %select_n3A_169, %select_n3A : i32
          %select_n3A_171 = arith.constant 0 : i32
          %select_n3A_172 = arith.select %eq3A_170, %select_n3A_171, %select_n3A_169 : i32
          %add3A_173 = arith.addi %select_n3A_172, %select_n3A_14 : i32
          %add3A_174 = arith.constant 1 : i32
          %add3A_175 = arith.addi %select_n3A_172, %add3A_174 : i32
          %select_n3A_176 = arith.constant true
          %select_n3A_177 = arith.select %select_n3A_176, %add3A_175, %select_n3A_172 : i32
          %eq3A_178 = arith.cmpi eq, %select_n3A_177, %select_n3A : i32
          %select_n3A_179 = arith.constant 0 : i32
          %select_n3A_180 = arith.select %eq3A_178, %select_n3A_179, %select_n3A_177 : i32
          %add3A_181 = arith.addi %select_n3A_180, %select_n3A_14 : i32
          %ne3A = arith.cmpi ne, %add3A_155, %add3A_173 : i32
          %or3A = arith.constant false
          %or3A_182 = arith.ori %or3A, %ne3A : i1
          %sub3A_183 = arith.constant 2 : i32
          %sub3A_184 = arith.subi %mul3A_149, %sub3A_183 : i32
          %add3A_185 = arith.constant 1 : i32
          %add3A_186 = arith.addi %sub3A_184, %add3A_185 : i32
          %ge3A = arith.cmpi sge, %while3A_142, %add3A_186 : i32
          %not3A = arith.constant true
          %not3A_187 = arith.xori %ge3A, %not3A : i1
          %and3A = arith.andi %or3A_182, %not3A_187 : i1
          %convert_element_type3A_188 = arith.extui %and3A : i1 to i32
          %cond3A_189 = arith.constant 0 : i32
          %cond3A_190 = arith.cmpi ne, %convert_element_type3A_188, %cond3A_189 : i32
          scf.if %cond3A_190 {
            "tpu.trace_start"() <{level = 10 : i32, message = "ep_copy_in"}> : () -> ()
            %rem3A_294 = arith.constant 2 : i32
            %rem3A_295 = arith.remui %while3A_143, %rem3A_294 : i32
            %mul3A_296 = arith.constant 128 : i32
            %mul3A_297 = arith.muli %mul3A_296, %add3A_173 : i32
            %dma_start3A_298 = arith.constant 0 : i32
            %dma_start3A_299 = arith.constant 0 : i32
            %dma_start3A_300 = tpu.memref_slice %run_scoped3A[%rem3A_295, %dma_start3A_298, %dma_start3A_299] : memref<2x1x128xi32, #tpu.memory_space<vmem>> -> memref<1x1x128xi32, #tpu.memory_space<vmem>>
            %dma_start3A_301 = tpu.memref_squeeze %dma_start3A_300 : memref<1x1x128xi32, #tpu.memory_space<vmem>> -> memref<1x128xi32, #tpu.memory_space<vmem>>
            %dma_start3A_302 = arith.constant 0 : i32
            %dma_start3A_303 = tpu.memref_slice %arg3[%dma_start3A_302, %mul3A_297] : memref<1x4608xi32, #tpu.memory_space<hbm>> -> memref<1x128xi32, #tpu.memory_space<hbm>>
            %dma_start3A_304 = tpu.memref_slice %run_scoped3A_17[%rem3A_295] : memref<2x!tpu.dma_semaphore, #tpu.memory_space<semaphore_mem>> -> memref<1x!tpu.dma_semaphore, #tpu.memory_space<semaphore_mem>>
            %dma_start3A_305 = tpu.memref_squeeze %dma_start3A_304 : memref<1x!tpu.dma_semaphore, #tpu.memory_space<semaphore_mem>> -> memref<!tpu.dma_semaphore, #tpu.memory_space<semaphore_mem>>
            %dma_start3A_306 = arith.constant 0 : i32
            %dma_start3A_307 = arith.constant 0 : i32
            %dma_start3A_308 = tpu.memref_slice %run_scoped3A[%rem3A_295, %dma_start3A_306, %dma_start3A_307] : memref<2x1x128xi32, #tpu.memory_space<vmem>> -> memref<1x1x128xi32, #tpu.memory_space<vmem>>
            %dma_start3A_309 = tpu.memref_squeeze %dma_start3A_308 : memref<1x1x128xi32, #tpu.memory_space<vmem>> -> memref<1x128xi32, #tpu.memory_space<vmem>>
            %dma_start3A_310 = arith.constant 0 : i32
            %dma_start3A_311 = tpu.memref_slice %arg3[%dma_start3A_310, %mul3A_297] : memref<1x4608xi32, #tpu.memory_space<hbm>> -> memref<1x128xi32, #tpu.memory_space<hbm>>
            tpu.enqueue_dma source(%dma_start3A_311 : memref<1x128xi32, #tpu.memory_space<hbm>>) target(%dma_start3A_309 : memref<1x128xi32, #tpu.memory_space<vmem>>) target_semaphore(%dma_start3A_305 : memref<!tpu.dma_semaphore, #tpu.memory_space<semaphore_mem>>)
            "tpu.trace_stop"() : () -> ()
          } else {
          }
          %and3A_191 = arith.constant true
          %and3A_192 = arith.andi %and3A, %and3A_191 : i1
          %add3A_193 = arith.constant 1 : i32
          %add3A_194 = arith.addi %while3A_143, %add3A_193 : i32
          %select_n3A_195 = arith.select %and3A_192, %add3A_194, %while3A_143 : i32
          %ne3A_196 = arith.cmpi ne, %add3A_155, %add3A_173 : i32
          %or3A_197 = arith.constant false
          %or3A_198 = arith.ori %or3A_197, %ne3A_196 : i1
          %or3A_199 = arith.constant false
          %or3A_200 = arith.ori %or3A_198, %or3A_199 : i1
          %sub3A_201 = arith.constant 2 : i32
          %sub3A_202 = arith.subi %mul3A_149, %sub3A_201 : i32
          %add3A_203 = arith.constant 1 : i32
          %add3A_204 = arith.addi %sub3A_202, %add3A_203 : i32
          %ge3A_205 = arith.cmpi sge, %while3A_142, %add3A_204 : i32
          %not3A_206 = arith.constant true
          %not3A_207 = arith.xori %ge3A_205, %not3A_206 : i1
          %and3A_208 = arith.andi %or3A_200, %not3A_207 : i1
          %ne3A_209 = arith.cmpi ne, %add3A_155, %add3A_165 : i32
          %or3A_210 = arith.constant false
          %or3A_211 = arith.ori %or3A_210, %ne3A_209 : i1
          %or3A_212 = arith.ori %or3A_211, %eq3A_151 : i1
          %convert_element_type3A_213 = arith.extui %or3A_212 : i1 to i32
          %cond3A_214 = arith.constant 0 : i32
          %cond3A_215 = arith.cmpi ne, %convert_element_type3A_213, %cond3A_214 : i32
          scf.if %cond3A_215 {
            "tpu.trace_start"() <{level = 10 : i32, message = "ep_wait_in"}> : () -> ()
            %mul3A_294 = arith.constant 128 : i32
            %mul3A_295 = arith.muli %mul3A_294, %add3A_155 : i32
            %rem3A_296 = arith.constant 2 : i32
            %rem3A_297 = arith.remui %while3A_144, %rem3A_296 : i32
            %dma_wait3A = arith.constant 0 : i32
            %dma_wait3A_298 = arith.constant 0 : i32
            %dma_wait3A_299 = tpu.memref_slice %run_scoped3A[%rem3A_297, %dma_wait3A, %dma_wait3A_298] : memref<2x1x128xi32, #tpu.memory_space<vmem>> -> memref<1x1x128xi32, #tpu.memory_space<vmem>>
            %dma_wait3A_300 = tpu.memref_squeeze %dma_wait3A_299 : memref<1x1x128xi32, #tpu.memory_space<vmem>> -> memref<1x128xi32, #tpu.memory_space<vmem>>
            %dma_wait3A_301 = arith.constant 0 : i32
            %dma_wait3A_302 = tpu.memref_slice %arg3[%dma_wait3A_301, %mul3A_295] : memref<1x4608xi32, #tpu.memory_space<hbm>> -> memref<1x128xi32, #tpu.memory_space<hbm>>
            %dma_wait3A_303 = tpu.memref_slice %run_scoped3A_17[%rem3A_297] : memref<2x!tpu.dma_semaphore, #tpu.memory_space<semaphore_mem>> -> memref<1x!tpu.dma_semaphore, #tpu.memory_space<semaphore_mem>>
            %dma_wait3A_304 = tpu.memref_squeeze %dma_wait3A_303 : memref<1x!tpu.dma_semaphore, #tpu.memory_space<semaphore_mem>> -> memref<!tpu.dma_semaphore, #tpu.memory_space<semaphore_mem>>
            %dma_wait3A_305 = arith.constant 0 : i32
            %dma_wait3A_306 = arith.constant 0 : i32
            %dma_wait3A_307 = tpu.memref_slice %run_scoped3A[%rem3A_297, %dma_wait3A_305, %dma_wait3A_306] : memref<2x1x128xi32, #tpu.memory_space<vmem>> -> memref<1x1x128xi32, #tpu.memory_space<vmem>>
            %dma_wait3A_308 = tpu.memref_squeeze %dma_wait3A_307 : memref<1x1x128xi32, #tpu.memory_space<vmem>> -> memref<1x128xi32, #tpu.memory_space<vmem>>
            %dma_wait3A_309 = arith.constant 0 : i32
            %dma_wait3A_310 = tpu.memref_slice %arg3[%dma_wait3A_309, %mul3A_295] : memref<1x4608xi32, #tpu.memory_space<hbm>> -> memref<1x128xi32, #tpu.memory_space<hbm>>
            tpu.wait_dma2 semaphore(%dma_wait3A_304 : memref<!tpu.dma_semaphore, #tpu.memory_space<semaphore_mem>>) src(%dma_wait3A_310 : memref<1x128xi32, #tpu.memory_space<hbm>>) dst(%dma_wait3A_308 : memref<1x128xi32, #tpu.memory_space<vmem>>)
            "tpu.trace_stop"() : () -> ()
          } else {
          }
          %ne3A_216 = arith.cmpi ne, %add3A_155, %add3A_165 : i32
          %or3A_217 = arith.constant false
          %or3A_218 = arith.ori %or3A_217, %ne3A_216 : i1
          %or3A_219 = arith.constant false
          %or3A_220 = arith.ori %or3A_218, %or3A_219 : i1
          %or3A_221 = arith.ori %or3A_220, %eq3A_151 : i1
          %convert_element_type3A_222 = arith.extui %or3A_221 : i1 to i32
          %cond3A_223 = arith.constant 0 : i32
          %cond3A_224 = arith.cmpi ne, %convert_element_type3A_222, %cond3A_223 : i32
          scf.if %cond3A_224 {
          } else {
          }
          %rem3A_225 = arith.constant 2 : i32
          %rem3A_226 = arith.remui %while3A_144, %rem3A_225 : i32
          %rem3A_227 = arith.constant 2 : i32
          %rem3A_228 = arith.remui %while3A_145, %rem3A_227 : i32
          %run_scoped3A_229 = arith.constant 0 : i32
          "tpu.trace_start"() <{level = 10 : i32, message = "ep_run_kernel"}> : () -> ()
          "tpu.region"() ({
            %run_scoped3A_294 = tpu.sem_alloc : memref<!tpu.dma_semaphore, #tpu.memory_space<semaphore_mem>>
            %dma_start3A_295 = arith.constant 0 : i32
            %dma_start3A_296 = arith.constant 0 : i32
            %dma_start3A_297 = tpu.memref_slice %run_scoped3A_18[%rem3A_228, %dma_start3A_295, %dma_start3A_296] : memref<2x128x256xf32, #tpu.memory_space<vmem>> -> memref<1x128x256xf32, #tpu.memory_space<vmem>>
            %dma_start3A_298 = tpu.memref_squeeze %dma_start3A_297 : memref<1x128x256xf32, #tpu.memory_space<vmem>> -> memref<128x256xf32, #tpu.memory_space<vmem>>
            %dma_start3A_299 = arith.constant 0 : i32
            %dma_start3A_300 = arith.constant 0 : i32
            %dma_start3A_301 = tpu.memref_slice %run_scoped3A[%rem3A_226, %dma_start3A_299, %dma_start3A_300] : memref<2x1x128xi32, #tpu.memory_space<vmem>> -> memref<1x1x128xi32, #tpu.memory_space<vmem>>
            %dma_start3A_302 = tpu.memref_squeeze %dma_start3A_301 : memref<1x1x128xi32, #tpu.memory_space<vmem>> -> memref<1x128xi32, #tpu.memory_space<vmem>>
            %dma_start3A_303 = arith.constant 0 : i32
            %dma_start3A_304 = tpu.memref_slice %dma_start3A_302[%run_scoped3A_229, %dma_start3A_303] : memref<1x128xi32, #tpu.memory_space<vmem>> -> memref<1x128xi32, #tpu.memory_space<vmem>>
            %dma_start3A_305 = tpu.memref_squeeze %dma_start3A_304 : memref<1x128xi32, #tpu.memory_space<vmem>> -> memref<128xi32, #tpu.memory_space<vmem>>
            %dma_start3A_306 = arith.constant 0 : i32
            %dma_start3A_307 = arith.constant 0 : i32
            %dma_start3A_308 = tpu.memref_slice %arg2[%dma_start3A_306, %dma_start3A_307] : memref<8192x256xf32, #tpu.memory_space<hbm>> -> memref<8192x256xf32, #tpu.memory_space<hbm>>
            tpu.enqueue_indirect_dma source(%dma_start3A_308 : memref<8192x256xf32, #tpu.memory_space<hbm>>) target(%dma_start3A_298 : memref<128x256xf32, #tpu.memory_space<vmem>>) offsets(%dma_start3A_305 : memref<128xi32, #tpu.memory_space<vmem>>) semaphore(%run_scoped3A_294 : memref<!tpu.dma_semaphore, #tpu.memory_space<semaphore_mem>>)
            %dma_wait3A = arith.constant 0 : i32
            %dma_wait3A_309 = arith.constant 0 : i32
            %dma_wait3A_310 = tpu.memref_slice %run_scoped3A_18[%rem3A_228, %dma_wait3A, %dma_wait3A_309] : memref<2x128x256xf32, #tpu.memory_space<vmem>> -> memref<1x128x256xf32, #tpu.memory_space<vmem>>
            %dma_wait3A_311 = tpu.memref_squeeze %dma_wait3A_310 : memref<1x128x256xf32, #tpu.memory_space<vmem>> -> memref<128x256xf32, #tpu.memory_space<vmem>>
            %dma_wait3A_312 = arith.constant 0 : i32
            %dma_wait3A_313 = arith.constant 0 : i32
            %dma_wait3A_314 = tpu.memref_slice %run_scoped3A[%rem3A_226, %dma_wait3A_312, %dma_wait3A_313] : memref<2x1x128xi32, #tpu.memory_space<vmem>> -> memref<1x1x128xi32, #tpu.memory_space<vmem>>
            %dma_wait3A_315 = tpu.memref_squeeze %dma_wait3A_314 : memref<1x1x128xi32, #tpu.memory_space<vmem>> -> memref<1x128xi32, #tpu.memory_space<vmem>>
            %dma_wait3A_316 = arith.constant 0 : i32
            %dma_wait3A_317 = tpu.memref_slice %dma_wait3A_315[%run_scoped3A_229, %dma_wait3A_316] : memref<1x128xi32, #tpu.memory_space<vmem>> -> memref<1x128xi32, #tpu.memory_space<vmem>>
            %dma_wait3A_318 = tpu.memref_squeeze %dma_wait3A_317 : memref<1x128xi32, #tpu.memory_space<vmem>> -> memref<128xi32, #tpu.memory_space<vmem>>
            %dma_wait3A_319 = arith.constant 0 : i32
            %dma_wait3A_320 = arith.constant 0 : i32
            %dma_wait3A_321 = tpu.memref_slice %arg2[%dma_wait3A_319, %dma_wait3A_320] : memref<8192x256xf32, #tpu.memory_space<hbm>> -> memref<8192x256xf32, #tpu.memory_space<hbm>>
            tpu.wait_indirect_dma semaphore(%run_scoped3A_294 : memref<!tpu.dma_semaphore, #tpu.memory_space<semaphore_mem>>) src(%dma_wait3A_321 : memref<8192x256xf32, #tpu.memory_space<hbm>>) dst(%dma_wait3A_311 : memref<128x256xf32, #tpu.memory_space<vmem>>)
            tpu.yield
          }) : () -> ()
          "tpu.trace_stop"() : () -> ()
          %ne3A_230 = arith.cmpi ne, %add3A_155, %add3A_173 : i32
          %or3A_231 = arith.constant false
          %or3A_232 = arith.ori %or3A_231, %ne3A_230 : i1
          %or3A_233 = arith.ori %or3A_232, %eq3A_154 : i1
          %convert_element_type3A_234 = arith.extui %or3A_233 : i1 to i32
          %cond3A_235 = arith.constant 0 : i32
          %cond3A_236 = arith.cmpi ne, %convert_element_type3A_234, %cond3A_235 : i32
          scf.if %cond3A_236 {
          } else {
          }
          %and3A_237 = arith.constant false
          %and3A_238 = arith.andi %or3A_233, %and3A_237 : i1
          %ne3A_239 = arith.cmpi ne, %add3A_155, %add3A_173 : i32
          %or3A_240 = arith.constant false
          %or3A_241 = arith.ori %or3A_240, %ne3A_239 : i1
          %or3A_242 = arith.constant false
          %or3A_243 = arith.ori %or3A_241, %or3A_242 : i1
          %or3A_244 = arith.ori %or3A_243, %eq3A_154 : i1
          %convert_element_type3A_245 = arith.extui %or3A_244 : i1 to i32
          %cond3A_246 = arith.constant 0 : i32
          %cond3A_247 = arith.cmpi ne, %convert_element_type3A_245, %cond3A_246 : i32
          scf.if %cond3A_247 {
            "tpu.trace_start"() <{level = 10 : i32, message = "ep_copy_out"}> : () -> ()
            %rem3A_294 = arith.constant 2 : i32
            %rem3A_295 = arith.remui %while3A_145, %rem3A_294 : i32
            %mul3A_296 = arith.constant 128 : i32
            %mul3A_297 = arith.muli %mul3A_296, %add3A_155 : i32
            %dma_start3A_298 = arith.constant 0 : i32
            %dma_start3A_299 = arith.constant 0 : i32
            %dma_start3A_300 = tpu.memref_slice %run_scoped3A_18[%rem3A_295, %dma_start3A_298, %dma_start3A_299] : memref<2x128x256xf32, #tpu.memory_space<vmem>> -> memref<1x128x256xf32, #tpu.memory_space<vmem>>
            %dma_start3A_301 = tpu.memref_squeeze %dma_start3A_300 : memref<1x128x256xf32, #tpu.memory_space<vmem>> -> memref<128x256xf32, #tpu.memory_space<vmem>>
            %dma_start3A_302 = arith.constant 0 : i32
            %dma_start3A_303 = tpu.memref_slice %arg4[%mul3A_297, %dma_start3A_302] : memref<4608x256xf32, #tpu.memory_space<hbm>> -> memref<128x256xf32, #tpu.memory_space<hbm>>
            %dma_start3A_304 = tpu.memref_slice %run_scoped3A_19[%rem3A_295] : memref<2x!tpu.dma_semaphore, #tpu.memory_space<semaphore_mem>> -> memref<1x!tpu.dma_semaphore, #tpu.memory_space<semaphore_mem>>
            %dma_start3A_305 = tpu.memref_squeeze %dma_start3A_304 : memref<1x!tpu.dma_semaphore, #tpu.memory_space<semaphore_mem>> -> memref<!tpu.dma_semaphore, #tpu.memory_space<semaphore_mem>>
            %dma_start3A_306 = arith.constant 0 : i32
            %dma_start3A_307 = tpu.memref_slice %arg4[%mul3A_297, %dma_start3A_306] : memref<4608x256xf32, #tpu.memory_space<hbm>> -> memref<128x256xf32, #tpu.memory_space<hbm>>
            %dma_start3A_308 = arith.constant 0 : i32
            %dma_start3A_309 = arith.constant 0 : i32
            %dma_start3A_310 = tpu.memref_slice %run_scoped3A_18[%rem3A_295, %dma_start3A_308, %dma_start3A_309] : memref<2x128x256xf32, #tpu.memory_space<vmem>> -> memref<1x128x256xf32, #tpu.memory_space<vmem>>
            %dma_start3A_311 = tpu.memref_squeeze %dma_start3A_310 : memref<1x128x256xf32, #tpu.memory_space<vmem>> -> memref<128x256xf32, #tpu.memory_space<vmem>>
            tpu.enqueue_dma source(%dma_start3A_311 : memref<128x256xf32, #tpu.memory_space<vmem>>) target(%dma_start3A_307 : memref<128x256xf32, #tpu.memory_space<hbm>>) target_semaphore(%dma_start3A_305 : memref<!tpu.dma_semaphore, #tpu.memory_space<semaphore_mem>>)
            "tpu.trace_stop"() : () -> ()
          } else {
          }
          %and3A_248 = arith.constant true
          %and3A_249 = arith.andi %or3A_244, %and3A_248 : i1
          %add3A_250 = arith.constant 1 : i32
          %add3A_251 = arith.addi %while3A_145, %add3A_250 : i32
          %select_n3A_252 = arith.select %and3A_249, %add3A_251, %while3A_145 : i32
          %ne3A_253 = arith.cmpi ne, %add3A_155, %add3A_165 : i32
          %or3A_254 = arith.constant false
          %or3A_255 = arith.ori %or3A_254, %ne3A_253 : i1
          %not3A_256 = arith.constant true
          %not3A_257 = arith.xori %eq3A_151, %not3A_256 : i1
          %and3A_258 = arith.andi %or3A_255, %not3A_257 : i1
          %convert_element_type3A_259 = arith.extui %and3A_258 : i1 to i32
          %cond3A_260 = arith.constant 0 : i32
          %cond3A_261 = arith.cmpi ne, %convert_element_type3A_259, %cond3A_260 : i32
          scf.if %cond3A_261 {
          } else {
          }
          %and3A_262 = arith.constant false
          %and3A_263 = arith.andi %and3A_258, %and3A_262 : i1
          %ne3A_264 = arith.cmpi ne, %add3A_155, %add3A_165 : i32
          %or3A_265 = arith.constant false
          %or3A_266 = arith.ori %or3A_265, %ne3A_264 : i1
          %or3A_267 = arith.constant false
          %or3A_268 = arith.ori %or3A_266, %or3A_267 : i1
          %not3A_269 = arith.constant true
          %not3A_270 = arith.xori %eq3A_151, %not3A_269 : i1
          %and3A_271 = arith.andi %or3A_268, %not3A_270 : i1
          %convert_element_type3A_272 = arith.extui %and3A_271 : i1 to i32
          %cond3A_273 = arith.constant 0 : i32
          %cond3A_274 = arith.cmpi ne, %convert_element_type3A_272, %cond3A_273 : i32
          scf.if %cond3A_274 {
            "tpu.trace_start"() <{level = 10 : i32, message = "ep_wait_out"}> : () -> ()
            %rem3A_294 = arith.constant 2 : i32
            %rem3A_295 = arith.remui %while3A_146, %rem3A_294 : i32
            %mul3A_296 = arith.constant 128 : i32
            %mul3A_297 = arith.muli %mul3A_296, %add3A_165 : i32
            %dma_wait3A = arith.constant 0 : i32
            %dma_wait3A_298 = arith.constant 0 : i32
            %dma_wait3A_299 = tpu.memref_slice %run_scoped3A_18[%rem3A_295, %dma_wait3A, %dma_wait3A_298] : memref<2x128x256xf32, #tpu.memory_space<vmem>> -> memref<1x128x256xf32, #tpu.memory_space<vmem>>
            %dma_wait3A_300 = tpu.memref_squeeze %dma_wait3A_299 : memref<1x128x256xf32, #tpu.memory_space<vmem>> -> memref<128x256xf32, #tpu.memory_space<vmem>>
            %dma_wait3A_301 = arith.constant 0 : i32
            %dma_wait3A_302 = tpu.memref_slice %arg4[%mul3A_297, %dma_wait3A_301] : memref<4608x256xf32, #tpu.memory_space<hbm>> -> memref<128x256xf32, #tpu.memory_space<hbm>>
            %dma_wait3A_303 = tpu.memref_slice %run_scoped3A_19[%rem3A_295] : memref<2x!tpu.dma_semaphore, #tpu.memory_space<semaphore_mem>> -> memref<1x!tpu.dma_semaphore, #tpu.memory_space<semaphore_mem>>
            %dma_wait3A_304 = tpu.memref_squeeze %dma_wait3A_303 : memref<1x!tpu.dma_semaphore, #tpu.memory_space<semaphore_mem>> -> memref<!tpu.dma_semaphore, #tpu.memory_space<semaphore_mem>>
            %dma_wait3A_305 = arith.constant 0 : i32
            %dma_wait3A_306 = tpu.memref_slice %arg4[%mul3A_297, %dma_wait3A_305] : memref<4608x256xf32, #tpu.memory_space<hbm>> -> memref<128x256xf32, #tpu.memory_space<hbm>>
            %dma_wait3A_307 = arith.constant 0 : i32
            %dma_wait3A_308 = arith.constant 0 : i32
            %dma_wait3A_309 = tpu.memref_slice %run_scoped3A_18[%rem3A_295, %dma_wait3A_307, %dma_wait3A_308] : memref<2x128x256xf32, #tpu.memory_space<vmem>> -> memref<1x128x256xf32, #tpu.memory_space<vmem>>
            %dma_wait3A_310 = tpu.memref_squeeze %dma_wait3A_309 : memref<1x128x256xf32, #tpu.memory_space<vmem>> -> memref<128x256xf32, #tpu.memory_space<vmem>>
            tpu.wait_dma2 semaphore(%dma_wait3A_304 : memref<!tpu.dma_semaphore, #tpu.memory_space<semaphore_mem>>) src(%dma_wait3A_310 : memref<128x256xf32, #tpu.memory_space<vmem>>) dst(%dma_wait3A_306 : memref<128x256xf32, #tpu.memory_space<hbm>>)
            "tpu.trace_stop"() : () -> ()
          } else {
          }
          %and3A_275 = arith.constant true
          %and3A_276 = arith.andi %and3A_271, %and3A_275 : i1
          %add3A_277 = arith.constant 1 : i32
          %add3A_278 = arith.addi %while3A_146, %add3A_277 : i32
          %select_n3A_279 = arith.select %and3A_276, %add3A_278, %while3A_146 : i32
          %ne3A_280 = arith.cmpi ne, %add3A_155, %add3A_173 : i32
          %or3A_281 = arith.constant false
          %or3A_282 = arith.ori %or3A_281, %ne3A_280 : i1
          %or3A_283 = arith.ori %or3A_282, %eq3A_154 : i1
          %add3A_284 = arith.constant 1 : i32
          %add3A_285 = arith.addi %while3A_144, %add3A_284 : i32
          %select_n3A_286 = arith.select %or3A_283, %add3A_285, %while3A_144 : i32
          %add3A_287 = arith.constant 1 : i32
          %add3A_288 = arith.addi %while3A_147, %add3A_287 : i32
          %select_n3A_289 = arith.constant true
          %select_n3A_290 = arith.select %select_n3A_289, %add3A_288, %while3A_147 : i32
          %eq3A_291 = arith.cmpi eq, %select_n3A_290, %select_n3A : i32
          %select_n3A_292 = arith.constant 0 : i32
          %select_n3A_293 = arith.select %eq3A_291, %select_n3A_292, %select_n3A_290 : i32
          scf.yield %select_n3A_195, %select_n3A_286, %select_n3A_252, %select_n3A_279, %select_n3A_293 : i32, i32, i32, i32, i32
        }
        %while3A_89 = arith.constant 1 : i32
        %while3A_90:5 = scf.for %while3A_142 = %while3A_86 to %while3A_82 step %while3A_89 iter_args(%while3A_143 = %while3A_88#0, %while3A_144 = %while3A_88#1, %while3A_145 = %while3A_88#2, %while3A_146 = %while3A_88#3, %while3A_147 = %while3A_88#4) -> (i32, i32, i32, i32, i32)  : i32 {
          %mul3A_148 = arith.constant 1 : i32
          %mul3A_149 = arith.muli %mul3A_148, %select_n3A : i32
          %eq3A_150 = arith.constant 0 : i32
          %eq3A_151 = arith.cmpi eq, %while3A_142, %eq3A_150 : i32
          %sub3A_152 = arith.constant 1 : i32
          %sub3A_153 = arith.subi %mul3A_149, %sub3A_152 : i32
          %eq3A_154 = arith.cmpi eq, %while3A_142, %sub3A_153 : i32
          %add3A_155 = arith.addi %while3A_147, %select_n3A_14 : i32
          %sub3A_156 = arith.constant 1 : i32
          %sub3A_157 = arith.subi %while3A_147, %sub3A_156 : i32
          %select_n3A_158 = arith.constant true
          %select_n3A_159 = arith.select %select_n3A_158, %sub3A_157, %while3A_147 : i32
          %eq3A_160 = arith.constant -1 : i32
          %eq3A_161 = arith.cmpi eq, %select_n3A_159, %eq3A_160 : i32
          %sub3A_162 = arith.constant 1 : i32
          %sub3A_163 = arith.subi %select_n3A, %sub3A_162 : i32
          %select_n3A_164 = arith.select %eq3A_161, %sub3A_163, %select_n3A_159 : i32
          %add3A_165 = arith.addi %select_n3A_164, %select_n3A_14 : i32
          %add3A_166 = arith.constant 1 : i32
          %add3A_167 = arith.addi %while3A_147, %add3A_166 : i32
          %select_n3A_168 = arith.constant true
          %select_n3A_169 = arith.select %select_n3A_168, %add3A_167, %while3A_147 : i32
          %eq3A_170 = arith.cmpi eq, %select_n3A_169, %select_n3A : i32
          %select_n3A_171 = arith.constant 0 : i32
          %select_n3A_172 = arith.select %eq3A_170, %select_n3A_171, %select_n3A_169 : i32
          %add3A_173 = arith.addi %select_n3A_172, %select_n3A_14 : i32
          %add3A_174 = arith.constant 1 : i32
          %add3A_175 = arith.addi %select_n3A_172, %add3A_174 : i32
          %select_n3A_176 = arith.constant true
          %select_n3A_177 = arith.select %select_n3A_176, %add3A_175, %select_n3A_172 : i32
          %eq3A_178 = arith.cmpi eq, %select_n3A_177, %select_n3A : i32
          %select_n3A_179 = arith.constant 0 : i32
          %select_n3A_180 = arith.select %eq3A_178, %select_n3A_179, %select_n3A_177 : i32
          %add3A_181 = arith.addi %select_n3A_180, %select_n3A_14 : i32
          %ne3A = arith.cmpi ne, %add3A_155, %add3A_173 : i32
          %or3A = arith.constant false
          %or3A_182 = arith.ori %or3A, %ne3A : i1
          %sub3A_183 = arith.constant 2 : i32
          %sub3A_184 = arith.subi %mul3A_149, %sub3A_183 : i32
          %add3A_185 = arith.constant 1 : i32
          %add3A_186 = arith.addi %sub3A_184, %add3A_185 : i32
          %ge3A = arith.cmpi sge, %while3A_142, %add3A_186 : i32
          %not3A = arith.constant true
          %not3A_187 = arith.xori %ge3A, %not3A : i1
          %and3A = arith.andi %or3A_182, %not3A_187 : i1
          %convert_element_type3A_188 = arith.extui %and3A : i1 to i32
          %cond3A_189 = arith.constant 0 : i32
          %cond3A_190 = arith.cmpi ne, %convert_element_type3A_188, %cond3A_189 : i32
          scf.if %cond3A_190 {
            "tpu.trace_start"() <{level = 10 : i32, message = "ep_copy_in"}> : () -> ()
            %rem3A_294 = arith.constant 2 : i32
            %rem3A_295 = arith.remui %while3A_143, %rem3A_294 : i32
            %mul3A_296 = arith.constant 128 : i32
            %mul3A_297 = arith.muli %mul3A_296, %add3A_173 : i32
            %dma_start3A_298 = arith.constant 0 : i32
            %dma_start3A_299 = arith.constant 0 : i32
            %dma_start3A_300 = tpu.memref_slice %run_scoped3A[%rem3A_295, %dma_start3A_298, %dma_start3A_299] : memref<2x1x128xi32, #tpu.memory_space<vmem>> -> memref<1x1x128xi32, #tpu.memory_space<vmem>>
            %dma_start3A_301 = tpu.memref_squeeze %dma_start3A_300 : memref<1x1x128xi32, #tpu.memory_space<vmem>> -> memref<1x128xi32, #tpu.memory_space<vmem>>
            %dma_start3A_302 = arith.constant 0 : i32
            %dma_start3A_303 = tpu.memref_slice %arg3[%dma_start3A_302, %mul3A_297] : memref<1x4608xi32, #tpu.memory_space<hbm>> -> memref<1x128xi32, #tpu.memory_space<hbm>>
            %dma_start3A_304 = tpu.memref_slice %run_scoped3A_17[%rem3A_295] : memref<2x!tpu.dma_semaphore, #tpu.memory_space<semaphore_mem>> -> memref<1x!tpu.dma_semaphore, #tpu.memory_space<semaphore_mem>>
            %dma_start3A_305 = tpu.memref_squeeze %dma_start3A_304 : memref<1x!tpu.dma_semaphore, #tpu.memory_space<semaphore_mem>> -> memref<!tpu.dma_semaphore, #tpu.memory_space<semaphore_mem>>
            %dma_start3A_306 = arith.constant 0 : i32
            %dma_start3A_307 = arith.constant 0 : i32
            %dma_start3A_308 = tpu.memref_slice %run_scoped3A[%rem3A_295, %dma_start3A_306, %dma_start3A_307] : memref<2x1x128xi32, #tpu.memory_space<vmem>> -> memref<1x1x128xi32, #tpu.memory_space<vmem>>
            %dma_start3A_309 = tpu.memref_squeeze %dma_start3A_308 : memref<1x1x128xi32, #tpu.memory_space<vmem>> -> memref<1x128xi32, #tpu.memory_space<vmem>>
            %dma_start3A_310 = arith.constant 0 : i32
            %dma_start3A_311 = tpu.memref_slice %arg3[%dma_start3A_310, %mul3A_297] : memref<1x4608xi32, #tpu.memory_space<hbm>> -> memref<1x128xi32, #tpu.memory_space<hbm>>
            tpu.enqueue_dma source(%dma_start3A_311 : memref<1x128xi32, #tpu.memory_space<hbm>>) target(%dma_start3A_309 : memref<1x128xi32, #tpu.memory_space<vmem>>) target_semaphore(%dma_start3A_305 : memref<!tpu.dma_semaphore, #tpu.memory_space<semaphore_mem>>)
            "tpu.trace_stop"() : () -> ()
          } else {
          }
          %and3A_191 = arith.constant true
          %and3A_192 = arith.andi %and3A, %and3A_191 : i1
          %add3A_193 = arith.constant 1 : i32
          %add3A_194 = arith.addi %while3A_143, %add3A_193 : i32
          %select_n3A_195 = arith.select %and3A_192, %add3A_194, %while3A_143 : i32
          %ne3A_196 = arith.cmpi ne, %add3A_155, %add3A_173 : i32
          %or3A_197 = arith.constant false
          %or3A_198 = arith.ori %or3A_197, %ne3A_196 : i1
          %or3A_199 = arith.constant false
          %or3A_200 = arith.ori %or3A_198, %or3A_199 : i1
          %sub3A_201 = arith.constant 2 : i32
          %sub3A_202 = arith.subi %mul3A_149, %sub3A_201 : i32
          %add3A_203 = arith.constant 1 : i32
          %add3A_204 = arith.addi %sub3A_202, %add3A_203 : i32
          %ge3A_205 = arith.cmpi sge, %while3A_142, %add3A_204 : i32
          %not3A_206 = arith.constant true
          %not3A_207 = arith.xori %ge3A_205, %not3A_206 : i1
          %and3A_208 = arith.andi %or3A_200, %not3A_207 : i1
          %ne3A_209 = arith.cmpi ne, %add3A_155, %add3A_165 : i32
          %or3A_210 = arith.constant false
          %or3A_211 = arith.ori %or3A_210, %ne3A_209 : i1
          %or3A_212 = arith.ori %or3A_211, %eq3A_151 : i1
          %convert_element_type3A_213 = arith.extui %or3A_212 : i1 to i32
          %cond3A_214 = arith.constant 0 : i32
          %cond3A_215 = arith.cmpi ne, %convert_element_type3A_213, %cond3A_214 : i32
          scf.if %cond3A_215 {
            "tpu.trace_start"() <{level = 10 : i32, message = "ep_wait_in"}> : () -> ()
            %mul3A_294 = arith.constant 128 : i32
            %mul3A_295 = arith.muli %mul3A_294, %add3A_155 : i32
            %rem3A_296 = arith.constant 2 : i32
            %rem3A_297 = arith.remui %while3A_144, %rem3A_296 : i32
            %dma_wait3A = arith.constant 0 : i32
            %dma_wait3A_298 = arith.constant 0 : i32
            %dma_wait3A_299 = tpu.memref_slice %run_scoped3A[%rem3A_297, %dma_wait3A, %dma_wait3A_298] : memref<2x1x128xi32, #tpu.memory_space<vmem>> -> memref<1x1x128xi32, #tpu.memory_space<vmem>>
            %dma_wait3A_300 = tpu.memref_squeeze %dma_wait3A_299 : memref<1x1x128xi32, #tpu.memory_space<vmem>> -> memref<1x128xi32, #tpu.memory_space<vmem>>
            %dma_wait3A_301 = arith.constant 0 : i32
            %dma_wait3A_302 = tpu.memref_slice %arg3[%dma_wait3A_301, %mul3A_295] : memref<1x4608xi32, #tpu.memory_space<hbm>> -> memref<1x128xi32, #tpu.memory_space<hbm>>
            %dma_wait3A_303 = tpu.memref_slice %run_scoped3A_17[%rem3A_297] : memref<2x!tpu.dma_semaphore, #tpu.memory_space<semaphore_mem>> -> memref<1x!tpu.dma_semaphore, #tpu.memory_space<semaphore_mem>>
            %dma_wait3A_304 = tpu.memref_squeeze %dma_wait3A_303 : memref<1x!tpu.dma_semaphore, #tpu.memory_space<semaphore_mem>> -> memref<!tpu.dma_semaphore, #tpu.memory_space<semaphore_mem>>
            %dma_wait3A_305 = arith.constant 0 : i32
            %dma_wait3A_306 = arith.constant 0 : i32
            %dma_wait3A_307 = tpu.memref_slice %run_scoped3A[%rem3A_297, %dma_wait3A_305, %dma_wait3A_306] : memref<2x1x128xi32, #tpu.memory_space<vmem>> -> memref<1x1x128xi32, #tpu.memory_space<vmem>>
            %dma_wait3A_308 = tpu.memref_squeeze %dma_wait3A_307 : memref<1x1x128xi32, #tpu.memory_space<vmem>> -> memref<1x128xi32, #tpu.memory_space<vmem>>
            %dma_wait3A_309 = arith.constant 0 : i32
            %dma_wait3A_310 = tpu.memref_slice %arg3[%dma_wait3A_309, %mul3A_295] : memref<1x4608xi32, #tpu.memory_space<hbm>> -> memref<1x128xi32, #tpu.memory_space<hbm>>
            tpu.wait_dma2 semaphore(%dma_wait3A_304 : memref<!tpu.dma_semaphore, #tpu.memory_space<semaphore_mem>>) src(%dma_wait3A_310 : memref<1x128xi32, #tpu.memory_space<hbm>>) dst(%dma_wait3A_308 : memref<1x128xi32, #tpu.memory_space<vmem>>)
            "tpu.trace_stop"() : () -> ()
          } else {
          }
          %ne3A_216 = arith.cmpi ne, %add3A_155, %add3A_165 : i32
          %or3A_217 = arith.constant false
          %or3A_218 = arith.ori %or3A_217, %ne3A_216 : i1
          %or3A_219 = arith.constant false
          %or3A_220 = arith.ori %or3A_218, %or3A_219 : i1
          %or3A_221 = arith.ori %or3A_220, %eq3A_151 : i1
          %convert_element_type3A_222 = arith.extui %or3A_221 : i1 to i32
          %cond3A_223 = arith.constant 0 : i32
          %cond3A_224 = arith.cmpi ne, %convert_element_type3A_222, %cond3A_223 : i32
          scf.if %cond3A_224 {
          } else {
          }
          %rem3A_225 = arith.constant 2 : i32
          %rem3A_226 = arith.remui %while3A_144, %rem3A_225 : i32
          %rem3A_227 = arith.constant 2 : i32
          %rem3A_228 = arith.remui %while3A_145, %rem3A_227 : i32
          %run_scoped3A_229 = arith.constant 0 : i32
          "tpu.trace_start"() <{level = 10 : i32, message = "ep_run_kernel"}> : () -> ()
          "tpu.region"() ({
            %run_scoped3A_294 = tpu.sem_alloc : memref<!tpu.dma_semaphore, #tpu.memory_space<semaphore_mem>>
            %dma_start3A_295 = arith.constant 0 : i32
            %dma_start3A_296 = arith.constant 0 : i32
            %dma_start3A_297 = tpu.memref_slice %run_scoped3A_18[%rem3A_228, %dma_start3A_295, %dma_start3A_296] : memref<2x128x256xf32, #tpu.memory_space<vmem>> -> memref<1x128x256xf32, #tpu.memory_space<vmem>>
            %dma_start3A_298 = tpu.memref_squeeze %dma_start3A_297 : memref<1x128x256xf32, #tpu.memory_space<vmem>> -> memref<128x256xf32, #tpu.memory_space<vmem>>
            %dma_start3A_299 = arith.constant 0 : i32
            %dma_start3A_300 = arith.constant 0 : i32
            %dma_start3A_301 = tpu.memref_slice %run_scoped3A[%rem3A_226, %dma_start3A_299, %dma_start3A_300] : memref<2x1x128xi32, #tpu.memory_space<vmem>> -> memref<1x1x128xi32, #tpu.memory_space<vmem>>
            %dma_start3A_302 = tpu.memref_squeeze %dma_start3A_301 : memref<1x1x128xi32, #tpu.memory_space<vmem>> -> memref<1x128xi32, #tpu.memory_space<vmem>>
            %dma_start3A_303 = arith.constant 0 : i32
            %dma_start3A_304 = tpu.memref_slice %dma_start3A_302[%run_scoped3A_229, %dma_start3A_303] : memref<1x128xi32, #tpu.memory_space<vmem>> -> memref<1x128xi32, #tpu.memory_space<vmem>>
            %dma_start3A_305 = tpu.memref_squeeze %dma_start3A_304 : memref<1x128xi32, #tpu.memory_space<vmem>> -> memref<128xi32, #tpu.memory_space<vmem>>
            %dma_start3A_306 = arith.constant 0 : i32
            %dma_start3A_307 = arith.constant 0 : i32
            %dma_start3A_308 = tpu.memref_slice %arg2[%dma_start3A_306, %dma_start3A_307] : memref<8192x256xf32, #tpu.memory_space<hbm>> -> memref<8192x256xf32, #tpu.memory_space<hbm>>
            tpu.enqueue_indirect_dma source(%dma_start3A_308 : memref<8192x256xf32, #tpu.memory_space<hbm>>) target(%dma_start3A_298 : memref<128x256xf32, #tpu.memory_space<vmem>>) offsets(%dma_start3A_305 : memref<128xi32, #tpu.memory_space<vmem>>) semaphore(%run_scoped3A_294 : memref<!tpu.dma_semaphore, #tpu.memory_space<semaphore_mem>>)
            %dma_wait3A = arith.constant 0 : i32
            %dma_wait3A_309 = arith.constant 0 : i32
            %dma_wait3A_310 = tpu.memref_slice %run_scoped3A_18[%rem3A_228, %dma_wait3A, %dma_wait3A_309] : memref<2x128x256xf32, #tpu.memory_space<vmem>> -> memref<1x128x256xf32, #tpu.memory_space<vmem>>
            %dma_wait3A_311 = tpu.memref_squeeze %dma_wait3A_310 : memref<1x128x256xf32, #tpu.memory_space<vmem>> -> memref<128x256xf32, #tpu.memory_space<vmem>>
            %dma_wait3A_312 = arith.constant 0 : i32
            %dma_wait3A_313 = arith.constant 0 : i32
            %dma_wait3A_314 = tpu.memref_slice %run_scoped3A[%rem3A_226, %dma_wait3A_312, %dma_wait3A_313] : memref<2x1x128xi32, #tpu.memory_space<vmem>> -> memref<1x1x128xi32, #tpu.memory_space<vmem>>
            %dma_wait3A_315 = tpu.memref_squeeze %dma_wait3A_314 : memref<1x1x128xi32, #tpu.memory_space<vmem>> -> memref<1x128xi32, #tpu.memory_space<vmem>>
            %dma_wait3A_316 = arith.constant 0 : i32
            %dma_wait3A_317 = tpu.memref_slice %dma_wait3A_315[%run_scoped3A_229, %dma_wait3A_316] : memref<1x128xi32, #tpu.memory_space<vmem>> -> memref<1x128xi32, #tpu.memory_space<vmem>>
            %dma_wait3A_318 = tpu.memref_squeeze %dma_wait3A_317 : memref<1x128xi32, #tpu.memory_space<vmem>> -> memref<128xi32, #tpu.memory_space<vmem>>
            %dma_wait3A_319 = arith.constant 0 : i32
            %dma_wait3A_320 = arith.constant 0 : i32
            %dma_wait3A_321 = tpu.memref_slice %arg2[%dma_wait3A_319, %dma_wait3A_320] : memref<8192x256xf32, #tpu.memory_space<hbm>> -> memref<8192x256xf32, #tpu.memory_space<hbm>>
            tpu.wait_indirect_dma semaphore(%run_scoped3A_294 : memref<!tpu.dma_semaphore, #tpu.memory_space<semaphore_mem>>) src(%dma_wait3A_321 : memref<8192x256xf32, #tpu.memory_space<hbm>>) dst(%dma_wait3A_311 : memref<128x256xf32, #tpu.memory_space<vmem>>)
            tpu.yield
          }) : () -> ()
          "tpu.trace_stop"() : () -> ()
          %ne3A_230 = arith.cmpi ne, %add3A_155, %add3A_173 : i32
          %or3A_231 = arith.constant false
          %or3A_232 = arith.ori %or3A_231, %ne3A_230 : i1
          %or3A_233 = arith.ori %or3A_232, %eq3A_154 : i1
          %convert_element_type3A_234 = arith.extui %or3A_233 : i1 to i32
          %cond3A_235 = arith.constant 0 : i32
          %cond3A_236 = arith.cmpi ne, %convert_element_type3A_234, %cond3A_235 : i32
          scf.if %cond3A_236 {
          } else {
          }
          %and3A_237 = arith.constant false
          %and3A_238 = arith.andi %or3A_233, %and3A_237 : i1
          %ne3A_239 = arith.cmpi ne, %add3A_155, %add3A_173 : i32
          %or3A_240 = arith.constant false
          %or3A_241 = arith.ori %or3A_240, %ne3A_239 : i1
          %or3A_242 = arith.constant false
          %or3A_243 = arith.ori %or3A_241, %or3A_242 : i1
          %or3A_244 = arith.ori %or3A_243, %eq3A_154 : i1
          %convert_element_type3A_245 = arith.extui %or3A_244 : i1 to i32
          %cond3A_246 = arith.constant 0 : i32
          %cond3A_247 = arith.cmpi ne, %convert_element_type3A_245, %cond3A_246 : i32
          scf.if %cond3A_247 {
            "tpu.trace_start"() <{level = 10 : i32, message = "ep_copy_out"}> : () -> ()
            %rem3A_294 = arith.constant 2 : i32
            %rem3A_295 = arith.remui %while3A_145, %rem3A_294 : i32
            %mul3A_296 = arith.constant 128 : i32
            %mul3A_297 = arith.muli %mul3A_296, %add3A_155 : i32
            %dma_start3A_298 = arith.constant 0 : i32
            %dma_start3A_299 = arith.constant 0 : i32
            %dma_start3A_300 = tpu.memref_slice %run_scoped3A_18[%rem3A_295, %dma_start3A_298, %dma_start3A_299] : memref<2x128x256xf32, #tpu.memory_space<vmem>> -> memref<1x128x256xf32, #tpu.memory_space<vmem>>
            %dma_start3A_301 = tpu.memref_squeeze %dma_start3A_300 : memref<1x128x256xf32, #tpu.memory_space<vmem>> -> memref<128x256xf32, #tpu.memory_space<vmem>>
            %dma_start3A_302 = arith.constant 0 : i32
            %dma_start3A_303 = tpu.memref_slice %arg4[%mul3A_297, %dma_start3A_302] : memref<4608x256xf32, #tpu.memory_space<hbm>> -> memref<128x256xf32, #tpu.memory_space<hbm>>
            %dma_start3A_304 = tpu.memref_slice %run_scoped3A_19[%rem3A_295] : memref<2x!tpu.dma_semaphore, #tpu.memory_space<semaphore_mem>> -> memref<1x!tpu.dma_semaphore, #tpu.memory_space<semaphore_mem>>
            %dma_start3A_305 = tpu.memref_squeeze %dma_start3A_304 : memref<1x!tpu.dma_semaphore, #tpu.memory_space<semaphore_mem>> -> memref<!tpu.dma_semaphore, #tpu.memory_space<semaphore_mem>>
            %dma_start3A_306 = arith.constant 0 : i32
            %dma_start3A_307 = tpu.memref_slice %arg4[%mul3A_297, %dma_start3A_306] : memref<4608x256xf32, #tpu.memory_space<hbm>> -> memref<128x256xf32, #tpu.memory_space<hbm>>
            %dma_start3A_308 = arith.constant 0 : i32
            %dma_start3A_309 = arith.constant 0 : i32
            %dma_start3A_310 = tpu.memref_slice %run_scoped3A_18[%rem3A_295, %dma_start3A_308, %dma_start3A_309] : memref<2x128x256xf32, #tpu.memory_space<vmem>> -> memref<1x128x256xf32, #tpu.memory_space<vmem>>
            %dma_start3A_311 = tpu.memref_squeeze %dma_start3A_310 : memref<1x128x256xf32, #tpu.memory_space<vmem>> -> memref<128x256xf32, #tpu.memory_space<vmem>>
            tpu.enqueue_dma source(%dma_start3A_311 : memref<128x256xf32, #tpu.memory_space<vmem>>) target(%dma_start3A_307 : memref<128x256xf32, #tpu.memory_space<hbm>>) target_semaphore(%dma_start3A_305 : memref<!tpu.dma_semaphore, #tpu.memory_space<semaphore_mem>>)
            "tpu.trace_stop"() : () -> ()
          } else {
          }
          %and3A_248 = arith.constant true
          %and3A_249 = arith.andi %or3A_244, %and3A_248 : i1
          %add3A_250 = arith.constant 1 : i32
          %add3A_251 = arith.addi %while3A_145, %add3A_250 : i32
          %select_n3A_252 = arith.select %and3A_249, %add3A_251, %while3A_145 : i32
          %ne3A_253 = arith.cmpi ne, %add3A_155, %add3A_165 : i32
          %or3A_254 = arith.constant false
          %or3A_255 = arith.ori %or3A_254, %ne3A_253 : i1
          %not3A_256 = arith.constant true
          %not3A_257 = arith.xori %eq3A_151, %not3A_256 : i1
          %and3A_258 = arith.andi %or3A_255, %not3A_257 : i1
          %convert_element_type3A_259 = arith.extui %and3A_258 : i1 to i32
          %cond3A_260 = arith.constant 0 : i32
          %cond3A_261 = arith.cmpi ne, %convert_element_type3A_259, %cond3A_260 : i32
          scf.if %cond3A_261 {
          } else {
          }
          %and3A_262 = arith.constant false
          %and3A_263 = arith.andi %and3A_258, %and3A_262 : i1
          %ne3A_264 = arith.cmpi ne, %add3A_155, %add3A_165 : i32
          %or3A_265 = arith.constant false
          %or3A_266 = arith.ori %or3A_265, %ne3A_264 : i1
          %or3A_267 = arith.constant false
          %or3A_268 = arith.ori %or3A_266, %or3A_267 : i1
          %not3A_269 = arith.constant true
          %not3A_270 = arith.xori %eq3A_151, %not3A_269 : i1
          %and3A_271 = arith.andi %or3A_268, %not3A_270 : i1
          %convert_element_type3A_272 = arith.extui %and3A_271 : i1 to i32
          %cond3A_273 = arith.constant 0 : i32
          %cond3A_274 = arith.cmpi ne, %convert_element_type3A_272, %cond3A_273 : i32
          scf.if %cond3A_274 {
            "tpu.trace_start"() <{level = 10 : i32, message = "ep_wait_out"}> : () -> ()
            %rem3A_294 = arith.constant 2 : i32
            %rem3A_295 = arith.remui %while3A_146, %rem3A_294 : i32
            %mul3A_296 = arith.constant 128 : i32
            %mul3A_297 = arith.muli %mul3A_296, %add3A_165 : i32
            %dma_wait3A = arith.constant 0 : i32
            %dma_wait3A_298 = arith.constant 0 : i32
            %dma_wait3A_299 = tpu.memref_slice %run_scoped3A_18[%rem3A_295, %dma_wait3A, %dma_wait3A_298] : memref<2x128x256xf32, #tpu.memory_space<vmem>> -> memref<1x128x256xf32, #tpu.memory_space<vmem>>
            %dma_wait3A_300 = tpu.memref_squeeze %dma_wait3A_299 : memref<1x128x256xf32, #tpu.memory_space<vmem>> -> memref<128x256xf32, #tpu.memory_space<vmem>>
            %dma_wait3A_301 = arith.constant 0 : i32
            %dma_wait3A_302 = tpu.memref_slice %arg4[%mul3A_297, %dma_wait3A_301] : memref<4608x256xf32, #tpu.memory_space<hbm>> -> memref<128x256xf32, #tpu.memory_space<hbm>>
            %dma_wait3A_303 = tpu.memref_slice %run_scoped3A_19[%rem3A_295] : memref<2x!tpu.dma_semaphore, #tpu.memory_space<semaphore_mem>> -> memref<1x!tpu.dma_semaphore, #tpu.memory_space<semaphore_mem>>
            %dma_wait3A_304 = tpu.memref_squeeze %dma_wait3A_303 : memref<1x!tpu.dma_semaphore, #tpu.memory_space<semaphore_mem>> -> memref<!tpu.dma_semaphore, #tpu.memory_space<semaphore_mem>>
            %dma_wait3A_305 = arith.constant 0 : i32
            %dma_wait3A_306 = tpu.memref_slice %arg4[%mul3A_297, %dma_wait3A_305] : memref<4608x256xf32, #tpu.memory_space<hbm>> -> memref<128x256xf32, #tpu.memory_space<hbm>>
            %dma_wait3A_307 = arith.constant 0 : i32
            %dma_wait3A_308 = arith.constant 0 : i32
            %dma_wait3A_309 = tpu.memref_slice %run_scoped3A_18[%rem3A_295, %dma_wait3A_307, %dma_wait3A_308] : memref<2x128x256xf32, #tpu.memory_space<vmem>> -> memref<1x128x256xf32, #tpu.memory_space<vmem>>
            %dma_wait3A_310 = tpu.memref_squeeze %dma_wait3A_309 : memref<1x128x256xf32, #tpu.memory_space<vmem>> -> memref<128x256xf32, #tpu.memory_space<vmem>>
            tpu.wait_dma2 semaphore(%dma_wait3A_304 : memref<!tpu.dma_semaphore, #tpu.memory_space<semaphore_mem>>) src(%dma_wait3A_310 : memref<128x256xf32, #tpu.memory_space<vmem>>) dst(%dma_wait3A_306 : memref<128x256xf32, #tpu.memory_space<hbm>>)
            "tpu.trace_stop"() : () -> ()
          } else {
          }
          %and3A_275 = arith.constant true
          %and3A_276 = arith.andi %and3A_271, %and3A_275 : i1
          %add3A_277 = arith.constant 1 : i32
          %add3A_278 = arith.addi %while3A_146, %add3A_277 : i32
          %select_n3A_279 = arith.select %and3A_276, %add3A_278, %while3A_146 : i32
          %ne3A_280 = arith.cmpi ne, %add3A_155, %add3A_173 : i32
          %or3A_281 = arith.constant false
          %or3A_282 = arith.ori %or3A_281, %ne3A_280 : i1
          %or3A_283 = arith.ori %or3A_282, %eq3A_154 : i1
          %add3A_284 = arith.constant 1 : i32
          %add3A_285 = arith.addi %while3A_144, %add3A_284 : i32
          %select_n3A_286 = arith.select %or3A_283, %add3A_285, %while3A_144 : i32
          %add3A_287 = arith.constant 1 : i32
          %add3A_288 = arith.addi %while3A_147, %add3A_287 : i32
          %select_n3A_289 = arith.constant true
          %select_n3A_290 = arith.select %select_n3A_289, %add3A_288, %while3A_147 : i32
          %eq3A_291 = arith.cmpi eq, %select_n3A_290, %select_n3A : i32
          %select_n3A_292 = arith.constant 0 : i32
          %select_n3A_293 = arith.select %eq3A_291, %select_n3A_292, %select_n3A_290 : i32
          scf.yield %select_n3A_195, %select_n3A_286, %select_n3A_252, %select_n3A_279, %select_n3A_293 : i32, i32, i32, i32, i32
        }
        %sub3A_91 = arith.constant 1 : i32
        %sub3A_92 = arith.subi %while3A_90#4, %sub3A_91 : i32
        %select_n3A_93 = arith.constant true
        %select_n3A_94 = arith.select %select_n3A_93, %sub3A_92, %while3A_90#4 : i32
        %eq3A_95 = arith.constant -1 : i32
        %eq3A_96 = arith.cmpi eq, %select_n3A_94, %eq3A_95 : i32
        %sub3A_97 = arith.constant 1 : i32
        %sub3A_98 = arith.subi %select_n3A, %sub3A_97 : i32
        %select_n3A_99 = arith.select %eq3A_96, %sub3A_98, %select_n3A_94 : i32
        %sub3A_100 = arith.constant 1 : i32
        %sub3A_101 = arith.subi %mul3A_16, %sub3A_100 : i32
        %mul3A_102 = arith.constant 1 : i32
        %mul3A_103 = arith.muli %mul3A_102, %select_n3A : i32
        %eq3A_104 = arith.constant 0 : i32
        %eq3A_105 = arith.cmpi eq, %sub3A_101, %eq3A_104 : i32
        %sub3A_106 = arith.constant 1 : i32
        %sub3A_107 = arith.subi %mul3A_103, %sub3A_106 : i32
        %eq3A_108 = arith.cmpi eq, %sub3A_101, %sub3A_107 : i32
        %add3A_109 = arith.addi %select_n3A_99, %select_n3A_14 : i32
        %sub3A_110 = arith.constant 1 : i32
        %sub3A_111 = arith.subi %select_n3A_99, %sub3A_110 : i32
        %select_n3A_112 = arith.constant true
        %select_n3A_113 = arith.select %select_n3A_112, %sub3A_111, %select_n3A_99 : i32
        %eq3A_114 = arith.constant -1 : i32
        %eq3A_115 = arith.cmpi eq, %select_n3A_113, %eq3A_114 : i32
        %sub3A_116 = arith.constant 1 : i32
        %sub3A_117 = arith.subi %select_n3A, %sub3A_116 : i32
        %select_n3A_118 = arith.select %eq3A_115, %sub3A_117, %select_n3A_113 : i32
        %add3A_119 = arith.addi %select_n3A_118, %select_n3A_14 : i32
        %add3A_120 = arith.constant 1 : i32
        %add3A_121 = arith.addi %select_n3A_99, %add3A_120 : i32
        %select_n3A_122 = arith.constant true
        %select_n3A_123 = arith.select %select_n3A_122, %add3A_121, %select_n3A_99 : i32
        %eq3A_124 = arith.cmpi eq, %select_n3A_123, %select_n3A : i32
        %select_n3A_125 = arith.constant 0 : i32
        %select_n3A_126 = arith.select %eq3A_124, %select_n3A_125, %select_n3A_123 : i32
        %add3A_127 = arith.addi %select_n3A_126, %select_n3A_14 : i32
        %add3A_128 = arith.constant 1 : i32
        %add3A_129 = arith.addi %select_n3A_126, %add3A_128 : i32
        %select_n3A_130 = arith.constant true
        %select_n3A_131 = arith.select %select_n3A_130, %add3A_129, %select_n3A_126 : i32
        %eq3A_132 = arith.cmpi eq, %select_n3A_131, %select_n3A : i32
        %select_n3A_133 = arith.constant 0 : i32
        %select_n3A_134 = arith.select %eq3A_132, %select_n3A_133, %select_n3A_131 : i32
        %add3A_135 = arith.addi %select_n3A_134, %select_n3A_14 : i32
        %convert_element_type3A_136 = arith.extui %eq3A_108 : i1 to i32
        %cond3A_137 = arith.constant 0 : i32
        %cond3A_138 = arith.cmpi ne, %convert_element_type3A_136, %cond3A_137 : i32
        scf.if %cond3A_138 {
        } else {
        }
        %convert_element_type3A_139 = arith.extui %eq3A_108 : i1 to i32
        %cond3A_140 = arith.constant 0 : i32
        %cond3A_141 = arith.cmpi ne, %convert_element_type3A_139, %cond3A_140 : i32
        scf.if %cond3A_141 {
          "tpu.trace_start"() <{level = 10 : i32, message = "ep_finalize"}> : () -> ()
          %rem3A_142 = arith.constant 2 : i32
          %rem3A_143 = arith.remui %while3A_90#3, %rem3A_142 : i32
          %mul3A_144 = arith.constant 128 : i32
          %mul3A_145 = arith.muli %mul3A_144, %add3A_109 : i32
          %dma_wait3A = arith.constant 0 : i32
          %dma_wait3A_146 = arith.constant 0 : i32
          %dma_wait3A_147 = tpu.memref_slice %run_scoped3A_18[%rem3A_143, %dma_wait3A, %dma_wait3A_146] : memref<2x128x256xf32, #tpu.memory_space<vmem>> -> memref<1x128x256xf32, #tpu.memory_space<vmem>>
          %dma_wait3A_148 = tpu.memref_squeeze %dma_wait3A_147 : memref<1x128x256xf32, #tpu.memory_space<vmem>> -> memref<128x256xf32, #tpu.memory_space<vmem>>
          %dma_wait3A_149 = arith.constant 0 : i32
          %dma_wait3A_150 = tpu.memref_slice %arg4[%mul3A_145, %dma_wait3A_149] : memref<4608x256xf32, #tpu.memory_space<hbm>> -> memref<128x256xf32, #tpu.memory_space<hbm>>
          %dma_wait3A_151 = tpu.memref_slice %run_scoped3A_19[%rem3A_143] : memref<2x!tpu.dma_semaphore, #tpu.memory_space<semaphore_mem>> -> memref<1x!tpu.dma_semaphore, #tpu.memory_space<semaphore_mem>>
          %dma_wait3A_152 = tpu.memref_squeeze %dma_wait3A_151 : memref<1x!tpu.dma_semaphore, #tpu.memory_space<semaphore_mem>> -> memref<!tpu.dma_semaphore, #tpu.memory_space<semaphore_mem>>
          %dma_wait3A_153 = arith.constant 0 : i32
          %dma_wait3A_154 = tpu.memref_slice %arg4[%mul3A_145, %dma_wait3A_153] : memref<4608x256xf32, #tpu.memory_space<hbm>> -> memref<128x256xf32, #tpu.memory_space<hbm>>
          %dma_wait3A_155 = arith.constant 0 : i32
          %dma_wait3A_156 = arith.constant 0 : i32
          %dma_wait3A_157 = tpu.memref_slice %run_scoped3A_18[%rem3A_143, %dma_wait3A_155, %dma_wait3A_156] : memref<2x128x256xf32, #tpu.memory_space<vmem>> -> memref<1x128x256xf32, #tpu.memory_space<vmem>>
          %dma_wait3A_158 = tpu.memref_squeeze %dma_wait3A_157 : memref<1x128x256xf32, #tpu.memory_space<vmem>> -> memref<128x256xf32, #tpu.memory_space<vmem>>
          tpu.wait_dma2 semaphore(%dma_wait3A_152 : memref<!tpu.dma_semaphore, #tpu.memory_space<semaphore_mem>>) src(%dma_wait3A_158 : memref<128x256xf32, #tpu.memory_space<vmem>>) dst(%dma_wait3A_154 : memref<128x256xf32, #tpu.memory_space<hbm>>)
          "tpu.trace_stop"() : () -> ()
        } else {
        }
      } else {
      }
      tpu.yield
    }) : () -> ()
    return
  }
}

module attributes {stable_mosaic.version = 14 : i64} {
  func.func @_c2_body(%arg0: memref<8192x256xf32, #tpu.memory_space<vmem>>, %arg1: memref<1x8192xf32, #tpu.memory_space<vmem>>, %arg2: memref<8192x256xbf16, #tpu.memory_space<vmem>>) attributes {dimension_semantics = [], scalar_prefetch = 0 : i64, scratch_operands = 0 : i64, tpu.core_type = #tpu.core_type<tc>} {
    %get3A = arith.constant 0 : index
    %get3A_0 = arith.constant 0 : index
    %get3A_1 = vector.load %arg0[%get3A, %get3A_0] : memref<8192x256xf32, #tpu.memory_space<vmem>>, vector<8192x256xf32>
    %mul3A = arith.mulf %get3A_1, %get3A_1 : vector<8192x256xf32>
    %reduce_sum3A = arith.constant dense<0.000000e+00> : vector<8192xf32>
    %reduce_sum3A_2 = vector.multi_reduction <add>, %mul3A, %reduce_sum3A [1] : vector<8192x256xf32> to vector<8192xf32>
    %reshape3A = vector.shape_cast %reduce_sum3A_2 : vector<8192xf32> to vector<1x8192xf32>
    %swap3A = arith.constant 0 : index
    %swap3A_3 = arith.constant 0 : index
    %swap3A_4 = vector.load %arg1[%swap3A, %swap3A_3] : memref<1x8192xf32, #tpu.memory_space<vmem>>, vector<1x8192xf32>
    tpu.vector_store %arg1[%swap3A, %swap3A_3], %reshape3A {strides = array<i32>} : memref<1x8192xf32, #tpu.memory_space<vmem>>, vector<1x8192xf32>,
    %add3A = arith.addf %get3A_1, %get3A_1 : vector<8192x256xf32>
    %convert_element_type3A = arith.truncf %add3A : vector<8192x256xf32> to vector<8192x256xbf16>
    %swap3A_5 = arith.constant 0 : index
    %swap3A_6 = arith.constant 0 : index
    %swap3A_7 = vector.load %arg2[%swap3A_5, %swap3A_6] : memref<8192x256xbf16, #tpu.memory_space<vmem>>, vector<8192x256xbf16>
    tpu.vector_store %arg2[%swap3A_5, %swap3A_6], %convert_element_type3A {strides = array<i32>} : memref<8192x256xbf16, #tpu.memory_space<vmem>>, vector<8192x256xbf16>,
    return
  }
}

module attributes {stable_mosaic.version = 14 : i64} {
  func.func @_argmin_body(%arg0: i32, %arg1: memref<256x256xf32, #tpu.memory_space<vmem>>, %arg2: memref<8192x256xbf16, #tpu.memory_space<vmem>>, %arg3: memref<1x8192xf32, #tpu.memory_space<vmem>>, %arg4: memref<1x1x256xi32, #tpu.memory_space<vmem>>) attributes {dimension_semantics = [#tpu.dimension_semantics<parallel>], iteration_bounds = array<i64: 18>, scalar_prefetch = 0 : i64, scratch_operands = 0 : i64, tpu.core_type = #tpu.core_type<tc>, window_params = [{transform_indices = @transform_0, window_bounds = array<i64: 256, 256>}, {pipeline_mode = #tpu.pipeline_mode<synchronous>, transform_indices = @transform_1, window_bounds = array<i64: 8192, 256>}, {pipeline_mode = #tpu.pipeline_mode<synchronous>, transform_indices = @transform_2, window_bounds = array<i64: 1, 8192>}, {transform_indices = @transform_3, window_bounds = array<i64: 1, 1, 256>}]} {
    %get3A = arith.constant 0 : index
    %get3A_0 = arith.constant 0 : index
    %get3A_1 = vector.load %arg1[%get3A, %get3A_0] : memref<256x256xf32, #tpu.memory_space<vmem>>, vector<256x256xf32>
    %convert_element_type3A = arith.truncf %get3A_1 : vector<256x256xf32> to vector<256x256xbf16>
    %mul3A = arith.mulf %get3A_1, %get3A_1 : vector<256x256xf32>
    %reduce_sum3A = arith.constant dense<0.000000e+00> : vector<256xf32>
    %reduce_sum3A_2 = vector.multi_reduction <add>, %mul3A, %reduce_sum3A [1] : vector<256x256xf32> to vector<256xf32>
    %broadcast_in_dim3A = vector.shape_cast %reduce_sum3A_2 : vector<256xf32> to vector<256x1xf32>
    %get3A_3 = arith.constant 0 : index
    %get3A_4 = arith.constant 0 : index
    %get3A_5 = vector.load %arg3[%get3A_3, %get3A_4] : memref<1x8192xf32, #tpu.memory_space<vmem>>, vector<1x8192xf32>
    %iota3A = tpu.iota {dimensions = array<i32: 1>} : vector<256x128xi32>
    %get3A_6 = arith.constant 0 : index
    %get3A_7 = arith.constant 0 : index
    %get3A_8 = vector.load %arg2[%get3A_6, %get3A_7] : memref<8192x256xbf16, #tpu.memory_space<vmem>>, vector<2048x256xbf16>
    %dot_general3A = arith.constant dense<0.000000e+00> : vector<256x2048xf32>
    %dot_general3A_9 = tpu.matmul %convert_element_type3A, %get3A_8, %dot_general3A {dimension_numbers = #tpu.dot_dimension_numbers<[1], [1], [0], [0], [0, 0, 1, 0], [], []>, transpose_lhs_hint = false} : vector<256x256xbf16>, vector<2048x256xbf16>, vector<256x2048xf32> -> vector<256x2048xf32>
    %slice3A = vector.extract_strided_slice %dot_general3A_9 {offsets = [0, 0], sizes = [256, 128], strides = [1, 1]} : vector<256x2048xf32> to vector<256x128xf32>
    %sub3A = vector.broadcast %broadcast_in_dim3A : vector<256x1xf32> to vector<256x128xf32>
    %sub3A_10 = arith.subf %sub3A, %slice3A : vector<256x128xf32>
    %slice3A_11 = vector.extract_strided_slice %get3A_5 {offsets = [0, 0], sizes = [1, 128], strides = [1, 1]} : vector<1x8192xf32> to vector<1x128xf32>
    %add3A = vector.broadcast %slice3A_11 : vector<1x128xf32> to vector<256x128xf32>
    %add3A_12 = arith.addf %sub3A_10, %add3A : vector<256x128xf32>
    %broadcast_in_dim3A_13 = arith.constant 0 : i32
    %broadcast_in_dim3A_14 = vector.broadcast %broadcast_in_dim3A_13 : i32 to vector<256x128xi32>
    %slice3A_15 = vector.extract_strided_slice %dot_general3A_9 {offsets = [0, 128], sizes = [256, 128], strides = [1, 1]} : vector<256x2048xf32> to vector<256x128xf32>
    %sub3A_16 = vector.broadcast %broadcast_in_dim3A : vector<256x1xf32> to vector<256x128xf32>
    %sub3A_17 = arith.subf %sub3A_16, %slice3A_15 : vector<256x128xf32>
    %slice3A_18 = vector.extract_strided_slice %get3A_5 {offsets = [0, 128], sizes = [1, 128], strides = [1, 1]} : vector<1x8192xf32> to vector<1x128xf32>
    %add3A_19 = vector.broadcast %slice3A_18 : vector<1x128xf32> to vector<256x128xf32>
    %add3A_20 = arith.addf %sub3A_17, %add3A_19 : vector<256x128xf32>
    %lt3A = arith.cmpf olt, %add3A_20, %add3A_12 : vector<256x128xf32>
    %min3A = arith.minimumf %add3A_12, %add3A_20 : vector<256x128xf32>
    %jit3A = arith.constant 1 : i32
    %broadcast_in_dim3A_21 = vector.broadcast %jit3A : i32 to vector<256x128xi32>
    %select_n3A = arith.select %lt3A, %broadcast_in_dim3A_21, %broadcast_in_dim3A_14 : vector<256x128xi1>, vector<256x128xi32>
    %slice3A_22 = vector.extract_strided_slice %dot_general3A_9 {offsets = [0, 256], sizes = [256, 128], strides = [1, 1]} : vector<256x2048xf32> to vector<256x128xf32>
    %sub3A_23 = vector.broadcast %broadcast_in_dim3A : vector<256x1xf32> to vector<256x128xf32>
    %sub3A_24 = arith.subf %sub3A_23, %slice3A_22 : vector<256x128xf32>
    %slice3A_25 = vector.extract_strided_slice %get3A_5 {offsets = [0, 256], sizes = [1, 128], strides = [1, 1]} : vector<1x8192xf32> to vector<1x128xf32>
    %add3A_26 = vector.broadcast %slice3A_25 : vector<1x128xf32> to vector<256x128xf32>
    %add3A_27 = arith.addf %sub3A_24, %add3A_26 : vector<256x128xf32>
    %lt3A_28 = arith.cmpf olt, %add3A_27, %min3A : vector<256x128xf32>
    %min3A_29 = arith.minimumf %min3A, %add3A_27 : vector<256x128xf32>
    %jit3A_30 = arith.constant 2 : i32
    %broadcast_in_dim3A_31 = vector.broadcast %jit3A_30 : i32 to vector<256x128xi32>
    %select_n3A_32 = arith.select %lt3A_28, %broadcast_in_dim3A_31, %select_n3A : vector<256x128xi1>, vector<256x128xi32>
    %slice3A_33 = vector.extract_strided_slice %dot_general3A_9 {offsets = [0, 384], sizes = [256, 128], strides = [1, 1]} : vector<256x2048xf32> to vector<256x128xf32>
    %sub3A_34 = vector.broadcast %broadcast_in_dim3A : vector<256x1xf32> to vector<256x128xf32>
    %sub3A_35 = arith.subf %sub3A_34, %slice3A_33 : vector<256x128xf32>
    %slice3A_36 = vector.extract_strided_slice %get3A_5 {offsets = [0, 384], sizes = [1, 128], strides = [1, 1]} : vector<1x8192xf32> to vector<1x128xf32>
    %add3A_37 = vector.broadcast %slice3A_36 : vector<1x128xf32> to vector<256x128xf32>
    %add3A_38 = arith.addf %sub3A_35, %add3A_37 : vector<256x128xf32>
    %lt3A_39 = arith.cmpf olt, %add3A_38, %min3A_29 : vector<256x128xf32>
    %min3A_40 = arith.minimumf %min3A_29, %add3A_38 : vector<256x128xf32>
    %jit3A_41 = arith.constant 3 : i32
    %broadcast_in_dim3A_42 = vector.broadcast %jit3A_41 : i32 to vector<256x128xi32>
    %select_n3A_43 = arith.select %lt3A_39, %broadcast_in_dim3A_42, %select_n3A_32 : vector<256x128xi1>, vector<256x128xi32>
    %slice3A_44 = vector.extract_strided_slice %dot_general3A_9 {offsets = [0, 512], sizes = [256, 128], strides = [1, 1]} : vector<256x2048xf32> to vector<256x128xf32>
    %sub3A_45 = vector.broadcast %broadcast_in_dim3A : vector<256x1xf32> to vector<256x128xf32>
    %sub3A_46 = arith.subf %sub3A_45, %slice3A_44 : vector<256x128xf32>
    %slice3A_47 = vector.extract_strided_slice %get3A_5 {offsets = [0, 512], sizes = [1, 128], strides = [1, 1]} : vector<1x8192xf32> to vector<1x128xf32>
    %add3A_48 = vector.broadcast %slice3A_47 : vector<1x128xf32> to vector<256x128xf32>
    %add3A_49 = arith.addf %sub3A_46, %add3A_48 : vector<256x128xf32>
    %lt3A_50 = arith.cmpf olt, %add3A_49, %min3A_40 : vector<256x128xf32>
    %min3A_51 = arith.minimumf %min3A_40, %add3A_49 : vector<256x128xf32>
    %jit3A_52 = arith.constant 4 : i32
    %broadcast_in_dim3A_53 = vector.broadcast %jit3A_52 : i32 to vector<256x128xi32>
    %select_n3A_54 = arith.select %lt3A_50, %broadcast_in_dim3A_53, %select_n3A_43 : vector<256x128xi1>, vector<256x128xi32>
    %slice3A_55 = vector.extract_strided_slice %dot_general3A_9 {offsets = [0, 640], sizes = [256, 128], strides = [1, 1]} : vector<256x2048xf32> to vector<256x128xf32>
    %sub3A_56 = vector.broadcast %broadcast_in_dim3A : vector<256x1xf32> to vector<256x128xf32>
    %sub3A_57 = arith.subf %sub3A_56, %slice3A_55 : vector<256x128xf32>
    %slice3A_58 = vector.extract_strided_slice %get3A_5 {offsets = [0, 640], sizes = [1, 128], strides = [1, 1]} : vector<1x8192xf32> to vector<1x128xf32>
    %add3A_59 = vector.broadcast %slice3A_58 : vector<1x128xf32> to vector<256x128xf32>
    %add3A_60 = arith.addf %sub3A_57, %add3A_59 : vector<256x128xf32>
    %lt3A_61 = arith.cmpf olt, %add3A_60, %min3A_51 : vector<256x128xf32>
    %min3A_62 = arith.minimumf %min3A_51, %add3A_60 : vector<256x128xf32>
    %jit3A_63 = arith.constant 5 : i32
    %broadcast_in_dim3A_64 = vector.broadcast %jit3A_63 : i32 to vector<256x128xi32>
    %select_n3A_65 = arith.select %lt3A_61, %broadcast_in_dim3A_64, %select_n3A_54 : vector<256x128xi1>, vector<256x128xi32>
    %slice3A_66 = vector.extract_strided_slice %dot_general3A_9 {offsets = [0, 768], sizes = [256, 128], strides = [1, 1]} : vector<256x2048xf32> to vector<256x128xf32>
    %sub3A_67 = vector.broadcast %broadcast_in_dim3A : vector<256x1xf32> to vector<256x128xf32>
    %sub3A_68 = arith.subf %sub3A_67, %slice3A_66 : vector<256x128xf32>
    %slice3A_69 = vector.extract_strided_slice %get3A_5 {offsets = [0, 768], sizes = [1, 128], strides = [1, 1]} : vector<1x8192xf32> to vector<1x128xf32>
    %add3A_70 = vector.broadcast %slice3A_69 : vector<1x128xf32> to vector<256x128xf32>
    %add3A_71 = arith.addf %sub3A_68, %add3A_70 : vector<256x128xf32>
    %lt3A_72 = arith.cmpf olt, %add3A_71, %min3A_62 : vector<256x128xf32>
    %min3A_73 = arith.minimumf %min3A_62, %add3A_71 : vector<256x128xf32>
    %jit3A_74 = arith.constant 6 : i32
    %broadcast_in_dim3A_75 = vector.broadcast %jit3A_74 : i32 to vector<256x128xi32>
    %select_n3A_76 = arith.select %lt3A_72, %broadcast_in_dim3A_75, %select_n3A_65 : vector<256x128xi1>, vector<256x128xi32>
    %slice3A_77 = vector.extract_strided_slice %dot_general3A_9 {offsets = [0, 896], sizes = [256, 128], strides = [1, 1]} : vector<256x2048xf32> to vector<256x128xf32>
    %sub3A_78 = vector.broadcast %broadcast_in_dim3A : vector<256x1xf32> to vector<256x128xf32>
    %sub3A_79 = arith.subf %sub3A_78, %slice3A_77 : vector<256x128xf32>
    %slice3A_80 = vector.extract_strided_slice %get3A_5 {offsets = [0, 896], sizes = [1, 128], strides = [1, 1]} : vector<1x8192xf32> to vector<1x128xf32>
    %add3A_81 = vector.broadcast %slice3A_80 : vector<1x128xf32> to vector<256x128xf32>
    %add3A_82 = arith.addf %sub3A_79, %add3A_81 : vector<256x128xf32>
    %lt3A_83 = arith.cmpf olt, %add3A_82, %min3A_73 : vector<256x128xf32>
    %min3A_84 = arith.minimumf %min3A_73, %add3A_82 : vector<256x128xf32>
    %jit3A_85 = arith.constant 7 : i32
    %broadcast_in_dim3A_86 = vector.broadcast %jit3A_85 : i32 to vector<256x128xi32>
    %select_n3A_87 = arith.select %lt3A_83, %broadcast_in_dim3A_86, %select_n3A_76 : vector<256x128xi1>, vector<256x128xi32>
    %slice3A_88 = vector.extract_strided_slice %dot_general3A_9 {offsets = [0, 1024], sizes = [256, 128], strides = [1, 1]} : vector<256x2048xf32> to vector<256x128xf32>
    %sub3A_89 = vector.broadcast %broadcast_in_dim3A : vector<256x1xf32> to vector<256x128xf32>
    %sub3A_90 = arith.subf %sub3A_89, %slice3A_88 : vector<256x128xf32>
    %slice3A_91 = vector.extract_strided_slice %get3A_5 {offsets = [0, 1024], sizes = [1, 128], strides = [1, 1]} : vector<1x8192xf32> to vector<1x128xf32>
    %add3A_92 = vector.broadcast %slice3A_91 : vector<1x128xf32> to vector<256x128xf32>
    %add3A_93 = arith.addf %sub3A_90, %add3A_92 : vector<256x128xf32>
    %lt3A_94 = arith.cmpf olt, %add3A_93, %min3A_84 : vector<256x128xf32>
    %min3A_95 = arith.minimumf %min3A_84, %add3A_93 : vector<256x128xf32>
    %jit3A_96 = arith.constant 8 : i32
    %broadcast_in_dim3A_97 = vector.broadcast %jit3A_96 : i32 to vector<256x128xi32>
    %select_n3A_98 = arith.select %lt3A_94, %broadcast_in_dim3A_97, %select_n3A_87 : vector<256x128xi1>, vector<256x128xi32>
    %slice3A_99 = vector.extract_strided_slice %dot_general3A_9 {offsets = [0, 1152], sizes = [256, 128], strides = [1, 1]} : vector<256x2048xf32> to vector<256x128xf32>
    %sub3A_100 = vector.broadcast %broadcast_in_dim3A : vector<256x1xf32> to vector<256x128xf32>
    %sub3A_101 = arith.subf %sub3A_100, %slice3A_99 : vector<256x128xf32>
    %slice3A_102 = vector.extract_strided_slice %get3A_5 {offsets = [0, 1152], sizes = [1, 128], strides = [1, 1]} : vector<1x8192xf32> to vector<1x128xf32>
    %add3A_103 = vector.broadcast %slice3A_102 : vector<1x128xf32> to vector<256x128xf32>
    %add3A_104 = arith.addf %sub3A_101, %add3A_103 : vector<256x128xf32>
    %lt3A_105 = arith.cmpf olt, %add3A_104, %min3A_95 : vector<256x128xf32>
    %min3A_106 = arith.minimumf %min3A_95, %add3A_104 : vector<256x128xf32>
    %jit3A_107 = arith.constant 9 : i32
    %broadcast_in_dim3A_108 = vector.broadcast %jit3A_107 : i32 to vector<256x128xi32>
    %select_n3A_109 = arith.select %lt3A_105, %broadcast_in_dim3A_108, %select_n3A_98 : vector<256x128xi1>, vector<256x128xi32>
    %slice3A_110 = vector.extract_strided_slice %dot_general3A_9 {offsets = [0, 1280], sizes = [256, 128], strides = [1, 1]} : vector<256x2048xf32> to vector<256x128xf32>
    %sub3A_111 = vector.broadcast %broadcast_in_dim3A : vector<256x1xf32> to vector<256x128xf32>
    %sub3A_112 = arith.subf %sub3A_111, %slice3A_110 : vector<256x128xf32>
    %slice3A_113 = vector.extract_strided_slice %get3A_5 {offsets = [0, 1280], sizes = [1, 128], strides = [1, 1]} : vector<1x8192xf32> to vector<1x128xf32>
    %add3A_114 = vector.broadcast %slice3A_113 : vector<1x128xf32> to vector<256x128xf32>
    %add3A_115 = arith.addf %sub3A_112, %add3A_114 : vector<256x128xf32>
    %lt3A_116 = arith.cmpf olt, %add3A_115, %min3A_106 : vector<256x128xf32>
    %min3A_117 = arith.minimumf %min3A_106, %add3A_115 : vector<256x128xf32>
    %jit3A_118 = arith.constant 10 : i32
    %broadcast_in_dim3A_119 = vector.broadcast %jit3A_118 : i32 to vector<256x128xi32>
    %select_n3A_120 = arith.select %lt3A_116, %broadcast_in_dim3A_119, %select_n3A_109 : vector<256x128xi1>, vector<256x128xi32>
    %slice3A_121 = vector.extract_strided_slice %dot_general3A_9 {offsets = [0, 1408], sizes = [256, 128], strides = [1, 1]} : vector<256x2048xf32> to vector<256x128xf32>
    %sub3A_122 = vector.broadcast %broadcast_in_dim3A : vector<256x1xf32> to vector<256x128xf32>
    %sub3A_123 = arith.subf %sub3A_122, %slice3A_121 : vector<256x128xf32>
    %slice3A_124 = vector.extract_strided_slice %get3A_5 {offsets = [0, 1408], sizes = [1, 128], strides = [1, 1]} : vector<1x8192xf32> to vector<1x128xf32>
    %add3A_125 = vector.broadcast %slice3A_124 : vector<1x128xf32> to vector<256x128xf32>
    %add3A_126 = arith.addf %sub3A_123, %add3A_125 : vector<256x128xf32>
    %lt3A_127 = arith.cmpf olt, %add3A_126, %min3A_117 : vector<256x128xf32>
    %min3A_128 = arith.minimumf %min3A_117, %add3A_126 : vector<256x128xf32>
    %jit3A_129 = arith.constant 11 : i32
    %broadcast_in_dim3A_130 = vector.broadcast %jit3A_129 : i32 to vector<256x128xi32>
    %select_n3A_131 = arith.select %lt3A_127, %broadcast_in_dim3A_130, %select_n3A_120 : vector<256x128xi1>, vector<256x128xi32>
    %slice3A_132 = vector.extract_strided_slice %dot_general3A_9 {offsets = [0, 1536], sizes = [256, 128], strides = [1, 1]} : vector<256x2048xf32> to vector<256x128xf32>
    %sub3A_133 = vector.broadcast %broadcast_in_dim3A : vector<256x1xf32> to vector<256x128xf32>
    %sub3A_134 = arith.subf %sub3A_133, %slice3A_132 : vector<256x128xf32>
    %slice3A_135 = vector.extract_strided_slice %get3A_5 {offsets = [0, 1536], sizes = [1, 128], strides = [1, 1]} : vector<1x8192xf32> to vector<1x128xf32>
    %add3A_136 = vector.broadcast %slice3A_135 : vector<1x128xf32> to vector<256x128xf32>
    %add3A_137 = arith.addf %sub3A_134, %add3A_136 : vector<256x128xf32>
    %lt3A_138 = arith.cmpf olt, %add3A_137, %min3A_128 : vector<256x128xf32>
    %min3A_139 = arith.minimumf %min3A_128, %add3A_137 : vector<256x128xf32>
    %jit3A_140 = arith.constant 12 : i32
    %broadcast_in_dim3A_141 = vector.broadcast %jit3A_140 : i32 to vector<256x128xi32>
    %select_n3A_142 = arith.select %lt3A_138, %broadcast_in_dim3A_141, %select_n3A_131 : vector<256x128xi1>, vector<256x128xi32>
    %slice3A_143 = vector.extract_strided_slice %dot_general3A_9 {offsets = [0, 1664], sizes = [256, 128], strides = [1, 1]} : vector<256x2048xf32> to vector<256x128xf32>
    %sub3A_144 = vector.broadcast %broadcast_in_dim3A : vector<256x1xf32> to vector<256x128xf32>
    %sub3A_145 = arith.subf %sub3A_144, %slice3A_143 : vector<256x128xf32>
    %slice3A_146 = vector.extract_strided_slice %get3A_5 {offsets = [0, 1664], sizes = [1, 128], strides = [1, 1]} : vector<1x8192xf32> to vector<1x128xf32>
    %add3A_147 = vector.broadcast %slice3A_146 : vector<1x128xf32> to vector<256x128xf32>
    %add3A_148 = arith.addf %sub3A_145, %add3A_147 : vector<256x128xf32>
    %lt3A_149 = arith.cmpf olt, %add3A_148, %min3A_139 : vector<256x128xf32>
    %min3A_150 = arith.minimumf %min3A_139, %add3A_148 : vector<256x128xf32>
    %jit3A_151 = arith.constant 13 : i32
    %broadcast_in_dim3A_152 = vector.broadcast %jit3A_151 : i32 to vector<256x128xi32>
    %select_n3A_153 = arith.select %lt3A_149, %broadcast_in_dim3A_152, %select_n3A_142 : vector<256x128xi1>, vector<256x128xi32>
    %slice3A_154 = vector.extract_strided_slice %dot_general3A_9 {offsets = [0, 1792], sizes = [256, 128], strides = [1, 1]} : vector<256x2048xf32> to vector<256x128xf32>
    %sub3A_155 = vector.broadcast %broadcast_in_dim3A : vector<256x1xf32> to vector<256x128xf32>
    %sub3A_156 = arith.subf %sub3A_155, %slice3A_154 : vector<256x128xf32>
    %slice3A_157 = vector.extract_strided_slice %get3A_5 {offsets = [0, 1792], sizes = [1, 128], strides = [1, 1]} : vector<1x8192xf32> to vector<1x128xf32>
    %add3A_158 = vector.broadcast %slice3A_157 : vector<1x128xf32> to vector<256x128xf32>
    %add3A_159 = arith.addf %sub3A_156, %add3A_158 : vector<256x128xf32>
    %lt3A_160 = arith.cmpf olt, %add3A_159, %min3A_150 : vector<256x128xf32>
    %min3A_161 = arith.minimumf %min3A_150, %add3A_159 : vector<256x128xf32>
    %jit3A_162 = arith.constant 14 : i32
    %broadcast_in_dim3A_163 = vector.broadcast %jit3A_162 : i32 to vector<256x128xi32>
    %select_n3A_164 = arith.select %lt3A_160, %broadcast_in_dim3A_163, %select_n3A_153 : vector<256x128xi1>, vector<256x128xi32>
    %slice3A_165 = vector.extract_strided_slice %dot_general3A_9 {offsets = [0, 1920], sizes = [256, 128], strides = [1, 1]} : vector<256x2048xf32> to vector<256x128xf32>
    %sub3A_166 = vector.broadcast %broadcast_in_dim3A : vector<256x1xf32> to vector<256x128xf32>
    %sub3A_167 = arith.subf %sub3A_166, %slice3A_165 : vector<256x128xf32>
    %slice3A_168 = vector.extract_strided_slice %get3A_5 {offsets = [0, 1920], sizes = [1, 128], strides = [1, 1]} : vector<1x8192xf32> to vector<1x128xf32>
    %add3A_169 = vector.broadcast %slice3A_168 : vector<1x128xf32> to vector<256x128xf32>
    %add3A_170 = arith.addf %sub3A_167, %add3A_169 : vector<256x128xf32>
    %lt3A_171 = arith.cmpf olt, %add3A_170, %min3A_161 : vector<256x128xf32>
    %min3A_172 = arith.minimumf %min3A_161, %add3A_170 : vector<256x128xf32>
    %jit3A_173 = arith.constant 15 : i32
    %broadcast_in_dim3A_174 = vector.broadcast %jit3A_173 : i32 to vector<256x128xi32>
    %select_n3A_175 = arith.select %lt3A_171, %broadcast_in_dim3A_174, %select_n3A_164 : vector<256x128xi1>, vector<256x128xi32>
    %get3A_176 = arith.constant 2048 : index
    %get3A_177 = arith.constant 0 : index
    %get3A_178 = vector.load %arg2[%get3A_176, %get3A_177] : memref<8192x256xbf16, #tpu.memory_space<vmem>>, vector<2048x256xbf16>
    %dot_general3A_179 = arith.constant dense<0.000000e+00> : vector<256x2048xf32>
    %dot_general3A_180 = tpu.matmul %convert_element_type3A, %get3A_178, %dot_general3A_179 {dimension_numbers = #tpu.dot_dimension_numbers<[1], [1], [0], [0], [0, 0, 1, 0], [], []>, transpose_lhs_hint = false} : vector<256x256xbf16>, vector<2048x256xbf16>, vector<256x2048xf32> -> vector<256x2048xf32>
    %slice3A_181 = vector.extract_strided_slice %dot_general3A_180 {offsets = [0, 0], sizes = [256, 128], strides = [1, 1]} : vector<256x2048xf32> to vector<256x128xf32>
    %sub3A_182 = vector.broadcast %broadcast_in_dim3A : vector<256x1xf32> to vector<256x128xf32>
    %sub3A_183 = arith.subf %sub3A_182, %slice3A_181 : vector<256x128xf32>
    %slice3A_184 = vector.extract_strided_slice %get3A_5 {offsets = [0, 2048], sizes = [1, 128], strides = [1, 1]} : vector<1x8192xf32> to vector<1x128xf32>
    %add3A_185 = vector.broadcast %slice3A_184 : vector<1x128xf32> to vector<256x128xf32>
    %add3A_186 = arith.addf %sub3A_183, %add3A_185 : vector<256x128xf32>
    %lt3A_187 = arith.cmpf olt, %add3A_186, %min3A_172 : vector<256x128xf32>
    %min3A_188 = arith.minimumf %min3A_172, %add3A_186 : vector<256x128xf32>
    %jit3A_189 = arith.constant 16 : i32
    %broadcast_in_dim3A_190 = vector.broadcast %jit3A_189 : i32 to vector<256x128xi32>
    %select_n3A_191 = arith.select %lt3A_187, %broadcast_in_dim3A_190, %select_n3A_175 : vector<256x128xi1>, vector<256x128xi32>
    %slice3A_192 = vector.extract_strided_slice %dot_general3A_180 {offsets = [0, 128], sizes = [256, 128], strides = [1, 1]} : vector<256x2048xf32> to vector<256x128xf32>
    %sub3A_193 = vector.broadcast %broadcast_in_dim3A : vector<256x1xf32> to vector<256x128xf32>
    %sub3A_194 = arith.subf %sub3A_193, %slice3A_192 : vector<256x128xf32>
    %slice3A_195 = vector.extract_strided_slice %get3A_5 {offsets = [0, 2176], sizes = [1, 128], strides = [1, 1]} : vector<1x8192xf32> to vector<1x128xf32>
    %add3A_196 = vector.broadcast %slice3A_195 : vector<1x128xf32> to vector<256x128xf32>
    %add3A_197 = arith.addf %sub3A_194, %add3A_196 : vector<256x128xf32>
    %lt3A_198 = arith.cmpf olt, %add3A_197, %min3A_188 : vector<256x128xf32>
    %min3A_199 = arith.minimumf %min3A_188, %add3A_197 : vector<256x128xf32>
    %jit3A_200 = arith.constant 17 : i32
    %broadcast_in_dim3A_201 = vector.broadcast %jit3A_200 : i32 to vector<256x128xi32>
    %select_n3A_202 = arith.select %lt3A_198, %broadcast_in_dim3A_201, %select_n3A_191 : vector<256x128xi1>, vector<256x128xi32>
    %slice3A_203 = vector.extract_strided_slice %dot_general3A_180 {offsets = [0, 256], sizes = [256, 128], strides = [1, 1]} : vector<256x2048xf32> to vector<256x128xf32>
    %sub3A_204 = vector.broadcast %broadcast_in_dim3A : vector<256x1xf32> to vector<256x128xf32>
    %sub3A_205 = arith.subf %sub3A_204, %slice3A_203 : vector<256x128xf32>
    %slice3A_206 = vector.extract_strided_slice %get3A_5 {offsets = [0, 2304], sizes = [1, 128], strides = [1, 1]} : vector<1x8192xf32> to vector<1x128xf32>
    %add3A_207 = vector.broadcast %slice3A_206 : vector<1x128xf32> to vector<256x128xf32>
    %add3A_208 = arith.addf %sub3A_205, %add3A_207 : vector<256x128xf32>
    %lt3A_209 = arith.cmpf olt, %add3A_208, %min3A_199 : vector<256x128xf32>
    %min3A_210 = arith.minimumf %min3A_199, %add3A_208 : vector<256x128xf32>
    %jit3A_211 = arith.constant 18 : i32
    %broadcast_in_dim3A_212 = vector.broadcast %jit3A_211 : i32 to vector<256x128xi32>
    %select_n3A_213 = arith.select %lt3A_209, %broadcast_in_dim3A_212, %select_n3A_202 : vector<256x128xi1>, vector<256x128xi32>
    %slice3A_214 = vector.extract_strided_slice %dot_general3A_180 {offsets = [0, 384], sizes = [256, 128], strides = [1, 1]} : vector<256x2048xf32> to vector<256x128xf32>
    %sub3A_215 = vector.broadcast %broadcast_in_dim3A : vector<256x1xf32> to vector<256x128xf32>
    %sub3A_216 = arith.subf %sub3A_215, %slice3A_214 : vector<256x128xf32>
    %slice3A_217 = vector.extract_strided_slice %get3A_5 {offsets = [0, 2432], sizes = [1, 128], strides = [1, 1]} : vector<1x8192xf32> to vector<1x128xf32>
    %add3A_218 = vector.broadcast %slice3A_217 : vector<1x128xf32> to vector<256x128xf32>
    %add3A_219 = arith.addf %sub3A_216, %add3A_218 : vector<256x128xf32>
    %lt3A_220 = arith.cmpf olt, %add3A_219, %min3A_210 : vector<256x128xf32>
    %min3A_221 = arith.minimumf %min3A_210, %add3A_219 : vector<256x128xf32>
    %jit3A_222 = arith.constant 19 : i32
    %broadcast_in_dim3A_223 = vector.broadcast %jit3A_222 : i32 to vector<256x128xi32>
    %select_n3A_224 = arith.select %lt3A_220, %broadcast_in_dim3A_223, %select_n3A_213 : vector<256x128xi1>, vector<256x128xi32>
    %slice3A_225 = vector.extract_strided_slice %dot_general3A_180 {offsets = [0, 512], sizes = [256, 128], strides = [1, 1]} : vector<256x2048xf32> to vector<256x128xf32>
    %sub3A_226 = vector.broadcast %broadcast_in_dim3A : vector<256x1xf32> to vector<256x128xf32>
    %sub3A_227 = arith.subf %sub3A_226, %slice3A_225 : vector<256x128xf32>
    %slice3A_228 = vector.extract_strided_slice %get3A_5 {offsets = [0, 2560], sizes = [1, 128], strides = [1, 1]} : vector<1x8192xf32> to vector<1x128xf32>
    %add3A_229 = vector.broadcast %slice3A_228 : vector<1x128xf32> to vector<256x128xf32>
    %add3A_230 = arith.addf %sub3A_227, %add3A_229 : vector<256x128xf32>
    %lt3A_231 = arith.cmpf olt, %add3A_230, %min3A_221 : vector<256x128xf32>
    %min3A_232 = arith.minimumf %min3A_221, %add3A_230 : vector<256x128xf32>
    %jit3A_233 = arith.constant 20 : i32
    %broadcast_in_dim3A_234 = vector.broadcast %jit3A_233 : i32 to vector<256x128xi32>
    %select_n3A_235 = arith.select %lt3A_231, %broadcast_in_dim3A_234, %select_n3A_224 : vector<256x128xi1>, vector<256x128xi32>
    %slice3A_236 = vector.extract_strided_slice %dot_general3A_180 {offsets = [0, 640], sizes = [256, 128], strides = [1, 1]} : vector<256x2048xf32> to vector<256x128xf32>
    %sub3A_237 = vector.broadcast %broadcast_in_dim3A : vector<256x1xf32> to vector<256x128xf32>
    %sub3A_238 = arith.subf %sub3A_237, %slice3A_236 : vector<256x128xf32>
    %slice3A_239 = vector.extract_strided_slice %get3A_5 {offsets = [0, 2688], sizes = [1, 128], strides = [1, 1]} : vector<1x8192xf32> to vector<1x128xf32>
    %add3A_240 = vector.broadcast %slice3A_239 : vector<1x128xf32> to vector<256x128xf32>
    %add3A_241 = arith.addf %sub3A_238, %add3A_240 : vector<256x128xf32>
    %lt3A_242 = arith.cmpf olt, %add3A_241, %min3A_232 : vector<256x128xf32>
    %min3A_243 = arith.minimumf %min3A_232, %add3A_241 : vector<256x128xf32>
    %jit3A_244 = arith.constant 21 : i32
    %broadcast_in_dim3A_245 = vector.broadcast %jit3A_244 : i32 to vector<256x128xi32>
    %select_n3A_246 = arith.select %lt3A_242, %broadcast_in_dim3A_245, %select_n3A_235 : vector<256x128xi1>, vector<256x128xi32>
    %slice3A_247 = vector.extract_strided_slice %dot_general3A_180 {offsets = [0, 768], sizes = [256, 128], strides = [1, 1]} : vector<256x2048xf32> to vector<256x128xf32>
    %sub3A_248 = vector.broadcast %broadcast_in_dim3A : vector<256x1xf32> to vector<256x128xf32>
    %sub3A_249 = arith.subf %sub3A_248, %slice3A_247 : vector<256x128xf32>
    %slice3A_250 = vector.extract_strided_slice %get3A_5 {offsets = [0, 2816], sizes = [1, 128], strides = [1, 1]} : vector<1x8192xf32> to vector<1x128xf32>
    %add3A_251 = vector.broadcast %slice3A_250 : vector<1x128xf32> to vector<256x128xf32>
    %add3A_252 = arith.addf %sub3A_249, %add3A_251 : vector<256x128xf32>
    %lt3A_253 = arith.cmpf olt, %add3A_252, %min3A_243 : vector<256x128xf32>
    %min3A_254 = arith.minimumf %min3A_243, %add3A_252 : vector<256x128xf32>
    %jit3A_255 = arith.constant 22 : i32
    %broadcast_in_dim3A_256 = vector.broadcast %jit3A_255 : i32 to vector<256x128xi32>
    %select_n3A_257 = arith.select %lt3A_253, %broadcast_in_dim3A_256, %select_n3A_246 : vector<256x128xi1>, vector<256x128xi32>
    %slice3A_258 = vector.extract_strided_slice %dot_general3A_180 {offsets = [0, 896], sizes = [256, 128], strides = [1, 1]} : vector<256x2048xf32> to vector<256x128xf32>
    %sub3A_259 = vector.broadcast %broadcast_in_dim3A : vector<256x1xf32> to vector<256x128xf32>
    %sub3A_260 = arith.subf %sub3A_259, %slice3A_258 : vector<256x128xf32>
    %slice3A_261 = vector.extract_strided_slice %get3A_5 {offsets = [0, 2944], sizes = [1, 128], strides = [1, 1]} : vector<1x8192xf32> to vector<1x128xf32>
    %add3A_262 = vector.broadcast %slice3A_261 : vector<1x128xf32> to vector<256x128xf32>
    %add3A_263 = arith.addf %sub3A_260, %add3A_262 : vector<256x128xf32>
    %lt3A_264 = arith.cmpf olt, %add3A_263, %min3A_254 : vector<256x128xf32>
    %min3A_265 = arith.minimumf %min3A_254, %add3A_263 : vector<256x128xf32>
    %jit3A_266 = arith.constant 23 : i32
    %broadcast_in_dim3A_267 = vector.broadcast %jit3A_266 : i32 to vector<256x128xi32>
    %select_n3A_268 = arith.select %lt3A_264, %broadcast_in_dim3A_267, %select_n3A_257 : vector<256x128xi1>, vector<256x128xi32>
    %slice3A_269 = vector.extract_strided_slice %dot_general3A_180 {offsets = [0, 1024], sizes = [256, 128], strides = [1, 1]} : vector<256x2048xf32> to vector<256x128xf32>
    %sub3A_270 = vector.broadcast %broadcast_in_dim3A : vector<256x1xf32> to vector<256x128xf32>
    %sub3A_271 = arith.subf %sub3A_270, %slice3A_269 : vector<256x128xf32>
    %slice3A_272 = vector.extract_strided_slice %get3A_5 {offsets = [0, 3072], sizes = [1, 128], strides = [1, 1]} : vector<1x8192xf32> to vector<1x128xf32>
    %add3A_273 = vector.broadcast %slice3A_272 : vector<1x128xf32> to vector<256x128xf32>
    %add3A_274 = arith.addf %sub3A_271, %add3A_273 : vector<256x128xf32>
    %lt3A_275 = arith.cmpf olt, %add3A_274, %min3A_265 : vector<256x128xf32>
    %min3A_276 = arith.minimumf %min3A_265, %add3A_274 : vector<256x128xf32>
    %jit3A_277 = arith.constant 24 : i32
    %broadcast_in_dim3A_278 = vector.broadcast %jit3A_277 : i32 to vector<256x128xi32>
    %select_n3A_279 = arith.select %lt3A_275, %broadcast_in_dim3A_278, %select_n3A_268 : vector<256x128xi1>, vector<256x128xi32>
    %slice3A_280 = vector.extract_strided_slice %dot_general3A_180 {offsets = [0, 1152], sizes = [256, 128], strides = [1, 1]} : vector<256x2048xf32> to vector<256x128xf32>
    %sub3A_281 = vector.broadcast %broadcast_in_dim3A : vector<256x1xf32> to vector<256x128xf32>
    %sub3A_282 = arith.subf %sub3A_281, %slice3A_280 : vector<256x128xf32>
    %slice3A_283 = vector.extract_strided_slice %get3A_5 {offsets = [0, 3200], sizes = [1, 128], strides = [1, 1]} : vector<1x8192xf32> to vector<1x128xf32>
    %add3A_284 = vector.broadcast %slice3A_283 : vector<1x128xf32> to vector<256x128xf32>
    %add3A_285 = arith.addf %sub3A_282, %add3A_284 : vector<256x128xf32>
    %lt3A_286 = arith.cmpf olt, %add3A_285, %min3A_276 : vector<256x128xf32>
    %min3A_287 = arith.minimumf %min3A_276, %add3A_285 : vector<256x128xf32>
    %jit3A_288 = arith.constant 25 : i32
    %broadcast_in_dim3A_289 = vector.broadcast %jit3A_288 : i32 to vector<256x128xi32>
    %select_n3A_290 = arith.select %lt3A_286, %broadcast_in_dim3A_289, %select_n3A_279 : vector<256x128xi1>, vector<256x128xi32>
    %slice3A_291 = vector.extract_strided_slice %dot_general3A_180 {offsets = [0, 1280], sizes = [256, 128], strides = [1, 1]} : vector<256x2048xf32> to vector<256x128xf32>
    %sub3A_292 = vector.broadcast %broadcast_in_dim3A : vector<256x1xf32> to vector<256x128xf32>
    %sub3A_293 = arith.subf %sub3A_292, %slice3A_291 : vector<256x128xf32>
    %slice3A_294 = vector.extract_strided_slice %get3A_5 {offsets = [0, 3328], sizes = [1, 128], strides = [1, 1]} : vector<1x8192xf32> to vector<1x128xf32>
    %add3A_295 = vector.broadcast %slice3A_294 : vector<1x128xf32> to vector<256x128xf32>
    %add3A_296 = arith.addf %sub3A_293, %add3A_295 : vector<256x128xf32>
    %lt3A_297 = arith.cmpf olt, %add3A_296, %min3A_287 : vector<256x128xf32>
    %min3A_298 = arith.minimumf %min3A_287, %add3A_296 : vector<256x128xf32>
    %jit3A_299 = arith.constant 26 : i32
    %broadcast_in_dim3A_300 = vector.broadcast %jit3A_299 : i32 to vector<256x128xi32>
    %select_n3A_301 = arith.select %lt3A_297, %broadcast_in_dim3A_300, %select_n3A_290 : vector<256x128xi1>, vector<256x128xi32>
    %slice3A_302 = vector.extract_strided_slice %dot_general3A_180 {offsets = [0, 1408], sizes = [256, 128], strides = [1, 1]} : vector<256x2048xf32> to vector<256x128xf32>
    %sub3A_303 = vector.broadcast %broadcast_in_dim3A : vector<256x1xf32> to vector<256x128xf32>
    %sub3A_304 = arith.subf %sub3A_303, %slice3A_302 : vector<256x128xf32>
    %slice3A_305 = vector.extract_strided_slice %get3A_5 {offsets = [0, 3456], sizes = [1, 128], strides = [1, 1]} : vector<1x8192xf32> to vector<1x128xf32>
    %add3A_306 = vector.broadcast %slice3A_305 : vector<1x128xf32> to vector<256x128xf32>
    %add3A_307 = arith.addf %sub3A_304, %add3A_306 : vector<256x128xf32>
    %lt3A_308 = arith.cmpf olt, %add3A_307, %min3A_298 : vector<256x128xf32>
    %min3A_309 = arith.minimumf %min3A_298, %add3A_307 : vector<256x128xf32>
    %jit3A_310 = arith.constant 27 : i32
    %broadcast_in_dim3A_311 = vector.broadcast %jit3A_310 : i32 to vector<256x128xi32>
    %select_n3A_312 = arith.select %lt3A_308, %broadcast_in_dim3A_311, %select_n3A_301 : vector<256x128xi1>, vector<256x128xi32>
    %slice3A_313 = vector.extract_strided_slice %dot_general3A_180 {offsets = [0, 1536], sizes = [256, 128], strides = [1, 1]} : vector<256x2048xf32> to vector<256x128xf32>
    %sub3A_314 = vector.broadcast %broadcast_in_dim3A : vector<256x1xf32> to vector<256x128xf32>
    %sub3A_315 = arith.subf %sub3A_314, %slice3A_313 : vector<256x128xf32>
    %slice3A_316 = vector.extract_strided_slice %get3A_5 {offsets = [0, 3584], sizes = [1, 128], strides = [1, 1]} : vector<1x8192xf32> to vector<1x128xf32>
    %add3A_317 = vector.broadcast %slice3A_316 : vector<1x128xf32> to vector<256x128xf32>
    %add3A_318 = arith.addf %sub3A_315, %add3A_317 : vector<256x128xf32>
    %lt3A_319 = arith.cmpf olt, %add3A_318, %min3A_309 : vector<256x128xf32>
    %min3A_320 = arith.minimumf %min3A_309, %add3A_318 : vector<256x128xf32>
    %jit3A_321 = arith.constant 28 : i32
    %broadcast_in_dim3A_322 = vector.broadcast %jit3A_321 : i32 to vector<256x128xi32>
    %select_n3A_323 = arith.select %lt3A_319, %broadcast_in_dim3A_322, %select_n3A_312 : vector<256x128xi1>, vector<256x128xi32>
    %slice3A_324 = vector.extract_strided_slice %dot_general3A_180 {offsets = [0, 1664], sizes = [256, 128], strides = [1, 1]} : vector<256x2048xf32> to vector<256x128xf32>
    %sub3A_325 = vector.broadcast %broadcast_in_dim3A : vector<256x1xf32> to vector<256x128xf32>
    %sub3A_326 = arith.subf %sub3A_325, %slice3A_324 : vector<256x128xf32>
    %slice3A_327 = vector.extract_strided_slice %get3A_5 {offsets = [0, 3712], sizes = [1, 128], strides = [1, 1]} : vector<1x8192xf32> to vector<1x128xf32>
    %add3A_328 = vector.broadcast %slice3A_327 : vector<1x128xf32> to vector<256x128xf32>
    %add3A_329 = arith.addf %sub3A_326, %add3A_328 : vector<256x128xf32>
    %lt3A_330 = arith.cmpf olt, %add3A_329, %min3A_320 : vector<256x128xf32>
    %min3A_331 = arith.minimumf %min3A_320, %add3A_329 : vector<256x128xf32>
    %jit3A_332 = arith.constant 29 : i32
    %broadcast_in_dim3A_333 = vector.broadcast %jit3A_332 : i32 to vector<256x128xi32>
    %select_n3A_334 = arith.select %lt3A_330, %broadcast_in_dim3A_333, %select_n3A_323 : vector<256x128xi1>, vector<256x128xi32>
    %slice3A_335 = vector.extract_strided_slice %dot_general3A_180 {offsets = [0, 1792], sizes = [256, 128], strides = [1, 1]} : vector<256x2048xf32> to vector<256x128xf32>
    %sub3A_336 = vector.broadcast %broadcast_in_dim3A : vector<256x1xf32> to vector<256x128xf32>
    %sub3A_337 = arith.subf %sub3A_336, %slice3A_335 : vector<256x128xf32>
    %slice3A_338 = vector.extract_strided_slice %get3A_5 {offsets = [0, 3840], sizes = [1, 128], strides = [1, 1]} : vector<1x8192xf32> to vector<1x128xf32>
    %add3A_339 = vector.broadcast %slice3A_338 : vector<1x128xf32> to vector<256x128xf32>
    %add3A_340 = arith.addf %sub3A_337, %add3A_339 : vector<256x128xf32>
    %lt3A_341 = arith.cmpf olt, %add3A_340, %min3A_331 : vector<256x128xf32>
    %min3A_342 = arith.minimumf %min3A_331, %add3A_340 : vector<256x128xf32>
    %jit3A_343 = arith.constant 30 : i32
    %broadcast_in_dim3A_344 = vector.broadcast %jit3A_343 : i32 to vector<256x128xi32>
    %select_n3A_345 = arith.select %lt3A_341, %broadcast_in_dim3A_344, %select_n3A_334 : vector<256x128xi1>, vector<256x128xi32>
    %slice3A_346 = vector.extract_strided_slice %dot_general3A_180 {offsets = [0, 1920], sizes = [256, 128], strides = [1, 1]} : vector<256x2048xf32> to vector<256x128xf32>
    %sub3A_347 = vector.broadcast %broadcast_in_dim3A : vector<256x1xf32> to vector<256x128xf32>
    %sub3A_348 = arith.subf %sub3A_347, %slice3A_346 : vector<256x128xf32>
    %slice3A_349 = vector.extract_strided_slice %get3A_5 {offsets = [0, 3968], sizes = [1, 128], strides = [1, 1]} : vector<1x8192xf32> to vector<1x128xf32>
    %add3A_350 = vector.broadcast %slice3A_349 : vector<1x128xf32> to vector<256x128xf32>
    %add3A_351 = arith.addf %sub3A_348, %add3A_350 : vector<256x128xf32>
    %lt3A_352 = arith.cmpf olt, %add3A_351, %min3A_342 : vector<256x128xf32>
    %min3A_353 = arith.minimumf %min3A_342, %add3A_351 : vector<256x128xf32>
    %jit3A_354 = arith.constant 31 : i32
    %broadcast_in_dim3A_355 = vector.broadcast %jit3A_354 : i32 to vector<256x128xi32>
    %select_n3A_356 = arith.select %lt3A_352, %broadcast_in_dim3A_355, %select_n3A_345 : vector<256x128xi1>, vector<256x128xi32>
    %get3A_357 = arith.constant 4096 : index
    %get3A_358 = arith.constant 0 : index
    %get3A_359 = vector.load %arg2[%get3A_357, %get3A_358] : memref<8192x256xbf16, #tpu.memory_space<vmem>>, vector<2048x256xbf16>
    %dot_general3A_360 = arith.constant dense<0.000000e+00> : vector<256x2048xf32>
    %dot_general3A_361 = tpu.matmul %convert_element_type3A, %get3A_359, %dot_general3A_360 {dimension_numbers = #tpu.dot_dimension_numbers<[1], [1], [0], [0], [0, 0, 1, 0], [], []>, transpose_lhs_hint = false} : vector<256x256xbf16>, vector<2048x256xbf16>, vector<256x2048xf32> -> vector<256x2048xf32>
    %slice3A_362 = vector.extract_strided_slice %dot_general3A_361 {offsets = [0, 0], sizes = [256, 128], strides = [1, 1]} : vector<256x2048xf32> to vector<256x128xf32>
    %sub3A_363 = vector.broadcast %broadcast_in_dim3A : vector<256x1xf32> to vector<256x128xf32>
    %sub3A_364 = arith.subf %sub3A_363, %slice3A_362 : vector<256x128xf32>
    %slice3A_365 = vector.extract_strided_slice %get3A_5 {offsets = [0, 4096], sizes = [1, 128], strides = [1, 1]} : vector<1x8192xf32> to vector<1x128xf32>
    %add3A_366 = vector.broadcast %slice3A_365 : vector<1x128xf32> to vector<256x128xf32>
    %add3A_367 = arith.addf %sub3A_364, %add3A_366 : vector<256x128xf32>
    %lt3A_368 = arith.cmpf olt, %add3A_367, %min3A_353 : vector<256x128xf32>
    %min3A_369 = arith.minimumf %min3A_353, %add3A_367 : vector<256x128xf32>
    %jit3A_370 = arith.constant 32 : i32
    %broadcast_in_dim3A_371 = vector.broadcast %jit3A_370 : i32 to vector<256x128xi32>
    %select_n3A_372 = arith.select %lt3A_368, %broadcast_in_dim3A_371, %select_n3A_356 : vector<256x128xi1>, vector<256x128xi32>
    %slice3A_373 = vector.extract_strided_slice %dot_general3A_361 {offsets = [0, 128], sizes = [256, 128], strides = [1, 1]} : vector<256x2048xf32> to vector<256x128xf32>
    %sub3A_374 = vector.broadcast %broadcast_in_dim3A : vector<256x1xf32> to vector<256x128xf32>
    %sub3A_375 = arith.subf %sub3A_374, %slice3A_373 : vector<256x128xf32>
    %slice3A_376 = vector.extract_strided_slice %get3A_5 {offsets = [0, 4224], sizes = [1, 128], strides = [1, 1]} : vector<1x8192xf32> to vector<1x128xf32>
    %add3A_377 = vector.broadcast %slice3A_376 : vector<1x128xf32> to vector<256x128xf32>
    %add3A_378 = arith.addf %sub3A_375, %add3A_377 : vector<256x128xf32>
    %lt3A_379 = arith.cmpf olt, %add3A_378, %min3A_369 : vector<256x128xf32>
    %min3A_380 = arith.minimumf %min3A_369, %add3A_378 : vector<256x128xf32>
    %jit3A_381 = arith.constant 33 : i32
    %broadcast_in_dim3A_382 = vector.broadcast %jit3A_381 : i32 to vector<256x128xi32>
    %select_n3A_383 = arith.select %lt3A_379, %broadcast_in_dim3A_382, %select_n3A_372 : vector<256x128xi1>, vector<256x128xi32>
    %slice3A_384 = vector.extract_strided_slice %dot_general3A_361 {offsets = [0, 256], sizes = [256, 128], strides = [1, 1]} : vector<256x2048xf32> to vector<256x128xf32>
    %sub3A_385 = vector.broadcast %broadcast_in_dim3A : vector<256x1xf32> to vector<256x128xf32>
    %sub3A_386 = arith.subf %sub3A_385, %slice3A_384 : vector<256x128xf32>
    %slice3A_387 = vector.extract_strided_slice %get3A_5 {offsets = [0, 4352], sizes = [1, 128], strides = [1, 1]} : vector<1x8192xf32> to vector<1x128xf32>
    %add3A_388 = vector.broadcast %slice3A_387 : vector<1x128xf32> to vector<256x128xf32>
    %add3A_389 = arith.addf %sub3A_386, %add3A_388 : vector<256x128xf32>
    %lt3A_390 = arith.cmpf olt, %add3A_389, %min3A_380 : vector<256x128xf32>
    %min3A_391 = arith.minimumf %min3A_380, %add3A_389 : vector<256x128xf32>
    %jit3A_392 = arith.constant 34 : i32
    %broadcast_in_dim3A_393 = vector.broadcast %jit3A_392 : i32 to vector<256x128xi32>
    %select_n3A_394 = arith.select %lt3A_390, %broadcast_in_dim3A_393, %select_n3A_383 : vector<256x128xi1>, vector<256x128xi32>
    %slice3A_395 = vector.extract_strided_slice %dot_general3A_361 {offsets = [0, 384], sizes = [256, 128], strides = [1, 1]} : vector<256x2048xf32> to vector<256x128xf32>
    %sub3A_396 = vector.broadcast %broadcast_in_dim3A : vector<256x1xf32> to vector<256x128xf32>
    %sub3A_397 = arith.subf %sub3A_396, %slice3A_395 : vector<256x128xf32>
    %slice3A_398 = vector.extract_strided_slice %get3A_5 {offsets = [0, 4480], sizes = [1, 128], strides = [1, 1]} : vector<1x8192xf32> to vector<1x128xf32>
    %add3A_399 = vector.broadcast %slice3A_398 : vector<1x128xf32> to vector<256x128xf32>
    %add3A_400 = arith.addf %sub3A_397, %add3A_399 : vector<256x128xf32>
    %lt3A_401 = arith.cmpf olt, %add3A_400, %min3A_391 : vector<256x128xf32>
    %min3A_402 = arith.minimumf %min3A_391, %add3A_400 : vector<256x128xf32>
    %jit3A_403 = arith.constant 35 : i32
    %broadcast_in_dim3A_404 = vector.broadcast %jit3A_403 : i32 to vector<256x128xi32>
    %select_n3A_405 = arith.select %lt3A_401, %broadcast_in_dim3A_404, %select_n3A_394 : vector<256x128xi1>, vector<256x128xi32>
    %slice3A_406 = vector.extract_strided_slice %dot_general3A_361 {offsets = [0, 512], sizes = [256, 128], strides = [1, 1]} : vector<256x2048xf32> to vector<256x128xf32>
    %sub3A_407 = vector.broadcast %broadcast_in_dim3A : vector<256x1xf32> to vector<256x128xf32>
    %sub3A_408 = arith.subf %sub3A_407, %slice3A_406 : vector<256x128xf32>
    %slice3A_409 = vector.extract_strided_slice %get3A_5 {offsets = [0, 4608], sizes = [1, 128], strides = [1, 1]} : vector<1x8192xf32> to vector<1x128xf32>
    %add3A_410 = vector.broadcast %slice3A_409 : vector<1x128xf32> to vector<256x128xf32>
    %add3A_411 = arith.addf %sub3A_408, %add3A_410 : vector<256x128xf32>
    %lt3A_412 = arith.cmpf olt, %add3A_411, %min3A_402 : vector<256x128xf32>
    %min3A_413 = arith.minimumf %min3A_402, %add3A_411 : vector<256x128xf32>
    %jit3A_414 = arith.constant 36 : i32
    %broadcast_in_dim3A_415 = vector.broadcast %jit3A_414 : i32 to vector<256x128xi32>
    %select_n3A_416 = arith.select %lt3A_412, %broadcast_in_dim3A_415, %select_n3A_405 : vector<256x128xi1>, vector<256x128xi32>
    %slice3A_417 = vector.extract_strided_slice %dot_general3A_361 {offsets = [0, 640], sizes = [256, 128], strides = [1, 1]} : vector<256x2048xf32> to vector<256x128xf32>
    %sub3A_418 = vector.broadcast %broadcast_in_dim3A : vector<256x1xf32> to vector<256x128xf32>
    %sub3A_419 = arith.subf %sub3A_418, %slice3A_417 : vector<256x128xf32>
    %slice3A_420 = vector.extract_strided_slice %get3A_5 {offsets = [0, 4736], sizes = [1, 128], strides = [1, 1]} : vector<1x8192xf32> to vector<1x128xf32>
    %add3A_421 = vector.broadcast %slice3A_420 : vector<1x128xf32> to vector<256x128xf32>
    %add3A_422 = arith.addf %sub3A_419, %add3A_421 : vector<256x128xf32>
    %lt3A_423 = arith.cmpf olt, %add3A_422, %min3A_413 : vector<256x128xf32>
    %min3A_424 = arith.minimumf %min3A_413, %add3A_422 : vector<256x128xf32>
    %jit3A_425 = arith.constant 37 : i32
    %broadcast_in_dim3A_426 = vector.broadcast %jit3A_425 : i32 to vector<256x128xi32>
    %select_n3A_427 = arith.select %lt3A_423, %broadcast_in_dim3A_426, %select_n3A_416 : vector<256x128xi1>, vector<256x128xi32>
    %slice3A_428 = vector.extract_strided_slice %dot_general3A_361 {offsets = [0, 768], sizes = [256, 128], strides = [1, 1]} : vector<256x2048xf32> to vector<256x128xf32>
    %sub3A_429 = vector.broadcast %broadcast_in_dim3A : vector<256x1xf32> to vector<256x128xf32>
    %sub3A_430 = arith.subf %sub3A_429, %slice3A_428 : vector<256x128xf32>
    %slice3A_431 = vector.extract_strided_slice %get3A_5 {offsets = [0, 4864], sizes = [1, 128], strides = [1, 1]} : vector<1x8192xf32> to vector<1x128xf32>
    %add3A_432 = vector.broadcast %slice3A_431 : vector<1x128xf32> to vector<256x128xf32>
    %add3A_433 = arith.addf %sub3A_430, %add3A_432 : vector<256x128xf32>
    %lt3A_434 = arith.cmpf olt, %add3A_433, %min3A_424 : vector<256x128xf32>
    %min3A_435 = arith.minimumf %min3A_424, %add3A_433 : vector<256x128xf32>
    %jit3A_436 = arith.constant 38 : i32
    %broadcast_in_dim3A_437 = vector.broadcast %jit3A_436 : i32 to vector<256x128xi32>
    %select_n3A_438 = arith.select %lt3A_434, %broadcast_in_dim3A_437, %select_n3A_427 : vector<256x128xi1>, vector<256x128xi32>
    %slice3A_439 = vector.extract_strided_slice %dot_general3A_361 {offsets = [0, 896], sizes = [256, 128], strides = [1, 1]} : vector<256x2048xf32> to vector<256x128xf32>
    %sub3A_440 = vector.broadcast %broadcast_in_dim3A : vector<256x1xf32> to vector<256x128xf32>
    %sub3A_441 = arith.subf %sub3A_440, %slice3A_439 : vector<256x128xf32>
    %slice3A_442 = vector.extract_strided_slice %get3A_5 {offsets = [0, 4992], sizes = [1, 128], strides = [1, 1]} : vector<1x8192xf32> to vector<1x128xf32>
    %add3A_443 = vector.broadcast %slice3A_442 : vector<1x128xf32> to vector<256x128xf32>
    %add3A_444 = arith.addf %sub3A_441, %add3A_443 : vector<256x128xf32>
    %lt3A_445 = arith.cmpf olt, %add3A_444, %min3A_435 : vector<256x128xf32>
    %min3A_446 = arith.minimumf %min3A_435, %add3A_444 : vector<256x128xf32>
    %jit3A_447 = arith.constant 39 : i32
    %broadcast_in_dim3A_448 = vector.broadcast %jit3A_447 : i32 to vector<256x128xi32>
    %select_n3A_449 = arith.select %lt3A_445, %broadcast_in_dim3A_448, %select_n3A_438 : vector<256x128xi1>, vector<256x128xi32>
    %slice3A_450 = vector.extract_strided_slice %dot_general3A_361 {offsets = [0, 1024], sizes = [256, 128], strides = [1, 1]} : vector<256x2048xf32> to vector<256x128xf32>
    %sub3A_451 = vector.broadcast %broadcast_in_dim3A : vector<256x1xf32> to vector<256x128xf32>
    %sub3A_452 = arith.subf %sub3A_451, %slice3A_450 : vector<256x128xf32>
    %slice3A_453 = vector.extract_strided_slice %get3A_5 {offsets = [0, 5120], sizes = [1, 128], strides = [1, 1]} : vector<1x8192xf32> to vector<1x128xf32>
    %add3A_454 = vector.broadcast %slice3A_453 : vector<1x128xf32> to vector<256x128xf32>
    %add3A_455 = arith.addf %sub3A_452, %add3A_454 : vector<256x128xf32>
    %lt3A_456 = arith.cmpf olt, %add3A_455, %min3A_446 : vector<256x128xf32>
    %min3A_457 = arith.minimumf %min3A_446, %add3A_455 : vector<256x128xf32>
    %jit3A_458 = arith.constant 40 : i32
    %broadcast_in_dim3A_459 = vector.broadcast %jit3A_458 : i32 to vector<256x128xi32>
    %select_n3A_460 = arith.select %lt3A_456, %broadcast_in_dim3A_459, %select_n3A_449 : vector<256x128xi1>, vector<256x128xi32>
    %slice3A_461 = vector.extract_strided_slice %dot_general3A_361 {offsets = [0, 1152], sizes = [256, 128], strides = [1, 1]} : vector<256x2048xf32> to vector<256x128xf32>
    %sub3A_462 = vector.broadcast %broadcast_in_dim3A : vector<256x1xf32> to vector<256x128xf32>
    %sub3A_463 = arith.subf %sub3A_462, %slice3A_461 : vector<256x128xf32>
    %slice3A_464 = vector.extract_strided_slice %get3A_5 {offsets = [0, 5248], sizes = [1, 128], strides = [1, 1]} : vector<1x8192xf32> to vector<1x128xf32>
    %add3A_465 = vector.broadcast %slice3A_464 : vector<1x128xf32> to vector<256x128xf32>
    %add3A_466 = arith.addf %sub3A_463, %add3A_465 : vector<256x128xf32>
    %lt3A_467 = arith.cmpf olt, %add3A_466, %min3A_457 : vector<256x128xf32>
    %min3A_468 = arith.minimumf %min3A_457, %add3A_466 : vector<256x128xf32>
    %jit3A_469 = arith.constant 41 : i32
    %broadcast_in_dim3A_470 = vector.broadcast %jit3A_469 : i32 to vector<256x128xi32>
    %select_n3A_471 = arith.select %lt3A_467, %broadcast_in_dim3A_470, %select_n3A_460 : vector<256x128xi1>, vector<256x128xi32>
    %slice3A_472 = vector.extract_strided_slice %dot_general3A_361 {offsets = [0, 1280], sizes = [256, 128], strides = [1, 1]} : vector<256x2048xf32> to vector<256x128xf32>
    %sub3A_473 = vector.broadcast %broadcast_in_dim3A : vector<256x1xf32> to vector<256x128xf32>
    %sub3A_474 = arith.subf %sub3A_473, %slice3A_472 : vector<256x128xf32>
    %slice3A_475 = vector.extract_strided_slice %get3A_5 {offsets = [0, 5376], sizes = [1, 128], strides = [1, 1]} : vector<1x8192xf32> to vector<1x128xf32>
    %add3A_476 = vector.broadcast %slice3A_475 : vector<1x128xf32> to vector<256x128xf32>
    %add3A_477 = arith.addf %sub3A_474, %add3A_476 : vector<256x128xf32>
    %lt3A_478 = arith.cmpf olt, %add3A_477, %min3A_468 : vector<256x128xf32>
    %min3A_479 = arith.minimumf %min3A_468, %add3A_477 : vector<256x128xf32>
    %jit3A_480 = arith.constant 42 : i32
    %broadcast_in_dim3A_481 = vector.broadcast %jit3A_480 : i32 to vector<256x128xi32>
    %select_n3A_482 = arith.select %lt3A_478, %broadcast_in_dim3A_481, %select_n3A_471 : vector<256x128xi1>, vector<256x128xi32>
    %slice3A_483 = vector.extract_strided_slice %dot_general3A_361 {offsets = [0, 1408], sizes = [256, 128], strides = [1, 1]} : vector<256x2048xf32> to vector<256x128xf32>
    %sub3A_484 = vector.broadcast %broadcast_in_dim3A : vector<256x1xf32> to vector<256x128xf32>
    %sub3A_485 = arith.subf %sub3A_484, %slice3A_483 : vector<256x128xf32>
    %slice3A_486 = vector.extract_strided_slice %get3A_5 {offsets = [0, 5504], sizes = [1, 128], strides = [1, 1]} : vector<1x8192xf32> to vector<1x128xf32>
    %add3A_487 = vector.broadcast %slice3A_486 : vector<1x128xf32> to vector<256x128xf32>
    %add3A_488 = arith.addf %sub3A_485, %add3A_487 : vector<256x128xf32>
    %lt3A_489 = arith.cmpf olt, %add3A_488, %min3A_479 : vector<256x128xf32>
    %min3A_490 = arith.minimumf %min3A_479, %add3A_488 : vector<256x128xf32>
    %jit3A_491 = arith.constant 43 : i32
    %broadcast_in_dim3A_492 = vector.broadcast %jit3A_491 : i32 to vector<256x128xi32>
    %select_n3A_493 = arith.select %lt3A_489, %broadcast_in_dim3A_492, %select_n3A_482 : vector<256x128xi1>, vector<256x128xi32>
    %slice3A_494 = vector.extract_strided_slice %dot_general3A_361 {offsets = [0, 1536], sizes = [256, 128], strides = [1, 1]} : vector<256x2048xf32> to vector<256x128xf32>
    %sub3A_495 = vector.broadcast %broadcast_in_dim3A : vector<256x1xf32> to vector<256x128xf32>
    %sub3A_496 = arith.subf %sub3A_495, %slice3A_494 : vector<256x128xf32>
    %slice3A_497 = vector.extract_strided_slice %get3A_5 {offsets = [0, 5632], sizes = [1, 128], strides = [1, 1]} : vector<1x8192xf32> to vector<1x128xf32>
    %add3A_498 = vector.broadcast %slice3A_497 : vector<1x128xf32> to vector<256x128xf32>
    %add3A_499 = arith.addf %sub3A_496, %add3A_498 : vector<256x128xf32>
    %lt3A_500 = arith.cmpf olt, %add3A_499, %min3A_490 : vector<256x128xf32>
    %min3A_501 = arith.minimumf %min3A_490, %add3A_499 : vector<256x128xf32>
    %jit3A_502 = arith.constant 44 : i32
    %broadcast_in_dim3A_503 = vector.broadcast %jit3A_502 : i32 to vector<256x128xi32>
    %select_n3A_504 = arith.select %lt3A_500, %broadcast_in_dim3A_503, %select_n3A_493 : vector<256x128xi1>, vector<256x128xi32>
    %slice3A_505 = vector.extract_strided_slice %dot_general3A_361 {offsets = [0, 1664], sizes = [256, 128], strides = [1, 1]} : vector<256x2048xf32> to vector<256x128xf32>
    %sub3A_506 = vector.broadcast %broadcast_in_dim3A : vector<256x1xf32> to vector<256x128xf32>
    %sub3A_507 = arith.subf %sub3A_506, %slice3A_505 : vector<256x128xf32>
    %slice3A_508 = vector.extract_strided_slice %get3A_5 {offsets = [0, 5760], sizes = [1, 128], strides = [1, 1]} : vector<1x8192xf32> to vector<1x128xf32>
    %add3A_509 = vector.broadcast %slice3A_508 : vector<1x128xf32> to vector<256x128xf32>
    %add3A_510 = arith.addf %sub3A_507, %add3A_509 : vector<256x128xf32>
    %lt3A_511 = arith.cmpf olt, %add3A_510, %min3A_501 : vector<256x128xf32>
    %min3A_512 = arith.minimumf %min3A_501, %add3A_510 : vector<256x128xf32>
    %jit3A_513 = arith.constant 45 : i32
    %broadcast_in_dim3A_514 = vector.broadcast %jit3A_513 : i32 to vector<256x128xi32>
    %select_n3A_515 = arith.select %lt3A_511, %broadcast_in_dim3A_514, %select_n3A_504 : vector<256x128xi1>, vector<256x128xi32>
    %slice3A_516 = vector.extract_strided_slice %dot_general3A_361 {offsets = [0, 1792], sizes = [256, 128], strides = [1, 1]} : vector<256x2048xf32> to vector<256x128xf32>
    %sub3A_517 = vector.broadcast %broadcast_in_dim3A : vector<256x1xf32> to vector<256x128xf32>
    %sub3A_518 = arith.subf %sub3A_517, %slice3A_516 : vector<256x128xf32>
    %slice3A_519 = vector.extract_strided_slice %get3A_5 {offsets = [0, 5888], sizes = [1, 128], strides = [1, 1]} : vector<1x8192xf32> to vector<1x128xf32>
    %add3A_520 = vector.broadcast %slice3A_519 : vector<1x128xf32> to vector<256x128xf32>
    %add3A_521 = arith.addf %sub3A_518, %add3A_520 : vector<256x128xf32>
    %lt3A_522 = arith.cmpf olt, %add3A_521, %min3A_512 : vector<256x128xf32>
    %min3A_523 = arith.minimumf %min3A_512, %add3A_521 : vector<256x128xf32>
    %jit3A_524 = arith.constant 46 : i32
    %broadcast_in_dim3A_525 = vector.broadcast %jit3A_524 : i32 to vector<256x128xi32>
    %select_n3A_526 = arith.select %lt3A_522, %broadcast_in_dim3A_525, %select_n3A_515 : vector<256x128xi1>, vector<256x128xi32>
    %slice3A_527 = vector.extract_strided_slice %dot_general3A_361 {offsets = [0, 1920], sizes = [256, 128], strides = [1, 1]} : vector<256x2048xf32> to vector<256x128xf32>
    %sub3A_528 = vector.broadcast %broadcast_in_dim3A : vector<256x1xf32> to vector<256x128xf32>
    %sub3A_529 = arith.subf %sub3A_528, %slice3A_527 : vector<256x128xf32>
    %slice3A_530 = vector.extract_strided_slice %get3A_5 {offsets = [0, 6016], sizes = [1, 128], strides = [1, 1]} : vector<1x8192xf32> to vector<1x128xf32>
    %add3A_531 = vector.broadcast %slice3A_530 : vector<1x128xf32> to vector<256x128xf32>
    %add3A_532 = arith.addf %sub3A_529, %add3A_531 : vector<256x128xf32>
    %lt3A_533 = arith.cmpf olt, %add3A_532, %min3A_523 : vector<256x128xf32>
    %min3A_534 = arith.minimumf %min3A_523, %add3A_532 : vector<256x128xf32>
    %jit3A_535 = arith.constant 47 : i32
    %broadcast_in_dim3A_536 = vector.broadcast %jit3A_535 : i32 to vector<256x128xi32>
    %select_n3A_537 = arith.select %lt3A_533, %broadcast_in_dim3A_536, %select_n3A_526 : vector<256x128xi1>, vector<256x128xi32>
    %get3A_538 = arith.constant 6144 : index
    %get3A_539 = arith.constant 0 : index
    %get3A_540 = vector.load %arg2[%get3A_538, %get3A_539] : memref<8192x256xbf16, #tpu.memory_space<vmem>>, vector<2048x256xbf16>
    %dot_general3A_541 = arith.constant dense<0.000000e+00> : vector<256x2048xf32>
    %dot_general3A_542 = tpu.matmul %convert_element_type3A, %get3A_540, %dot_general3A_541 {dimension_numbers = #tpu.dot_dimension_numbers<[1], [1], [0], [0], [0, 0, 1, 0], [], []>, transpose_lhs_hint = false} : vector<256x256xbf16>, vector<2048x256xbf16>, vector<256x2048xf32> -> vector<256x2048xf32>
    %slice3A_543 = vector.extract_strided_slice %dot_general3A_542 {offsets = [0, 0], sizes = [256, 128], strides = [1, 1]} : vector<256x2048xf32> to vector<256x128xf32>
    %sub3A_544 = vector.broadcast %broadcast_in_dim3A : vector<256x1xf32> to vector<256x128xf32>
    %sub3A_545 = arith.subf %sub3A_544, %slice3A_543 : vector<256x128xf32>
    %slice3A_546 = vector.extract_strided_slice %get3A_5 {offsets = [0, 6144], sizes = [1, 128], strides = [1, 1]} : vector<1x8192xf32> to vector<1x128xf32>
    %add3A_547 = vector.broadcast %slice3A_546 : vector<1x128xf32> to vector<256x128xf32>
    %add3A_548 = arith.addf %sub3A_545, %add3A_547 : vector<256x128xf32>
    %lt3A_549 = arith.cmpf olt, %add3A_548, %min3A_534 : vector<256x128xf32>
    %min3A_550 = arith.minimumf %min3A_534, %add3A_548 : vector<256x128xf32>
    %jit3A_551 = arith.constant 48 : i32
    %broadcast_in_dim3A_552 = vector.broadcast %jit3A_551 : i32 to vector<256x128xi32>
    %select_n3A_553 = arith.select %lt3A_549, %broadcast_in_dim3A_552, %select_n3A_537 : vector<256x128xi1>, vector<256x128xi32>
    %slice3A_554 = vector.extract_strided_slice %dot_general3A_542 {offsets = [0, 128], sizes = [256, 128], strides = [1, 1]} : vector<256x2048xf32> to vector<256x128xf32>
    %sub3A_555 = vector.broadcast %broadcast_in_dim3A : vector<256x1xf32> to vector<256x128xf32>
    %sub3A_556 = arith.subf %sub3A_555, %slice3A_554 : vector<256x128xf32>
    %slice3A_557 = vector.extract_strided_slice %get3A_5 {offsets = [0, 6272], sizes = [1, 128], strides = [1, 1]} : vector<1x8192xf32> to vector<1x128xf32>
    %add3A_558 = vector.broadcast %slice3A_557 : vector<1x128xf32> to vector<256x128xf32>
    %add3A_559 = arith.addf %sub3A_556, %add3A_558 : vector<256x128xf32>
    %lt3A_560 = arith.cmpf olt, %add3A_559, %min3A_550 : vector<256x128xf32>
    %min3A_561 = arith.minimumf %min3A_550, %add3A_559 : vector<256x128xf32>
    %jit3A_562 = arith.constant 49 : i32
    %broadcast_in_dim3A_563 = vector.broadcast %jit3A_562 : i32 to vector<256x128xi32>
    %select_n3A_564 = arith.select %lt3A_560, %broadcast_in_dim3A_563, %select_n3A_553 : vector<256x128xi1>, vector<256x128xi32>
    %slice3A_565 = vector.extract_strided_slice %dot_general3A_542 {offsets = [0, 256], sizes = [256, 128], strides = [1, 1]} : vector<256x2048xf32> to vector<256x128xf32>
    %sub3A_566 = vector.broadcast %broadcast_in_dim3A : vector<256x1xf32> to vector<256x128xf32>
    %sub3A_567 = arith.subf %sub3A_566, %slice3A_565 : vector<256x128xf32>
    %slice3A_568 = vector.extract_strided_slice %get3A_5 {offsets = [0, 6400], sizes = [1, 128], strides = [1, 1]} : vector<1x8192xf32> to vector<1x128xf32>
    %add3A_569 = vector.broadcast %slice3A_568 : vector<1x128xf32> to vector<256x128xf32>
    %add3A_570 = arith.addf %sub3A_567, %add3A_569 : vector<256x128xf32>
    %lt3A_571 = arith.cmpf olt, %add3A_570, %min3A_561 : vector<256x128xf32>
    %min3A_572 = arith.minimumf %min3A_561, %add3A_570 : vector<256x128xf32>
    %jit3A_573 = arith.constant 50 : i32
    %broadcast_in_dim3A_574 = vector.broadcast %jit3A_573 : i32 to vector<256x128xi32>
    %select_n3A_575 = arith.select %lt3A_571, %broadcast_in_dim3A_574, %select_n3A_564 : vector<256x128xi1>, vector<256x128xi32>
    %slice3A_576 = vector.extract_strided_slice %dot_general3A_542 {offsets = [0, 384], sizes = [256, 128], strides = [1, 1]} : vector<256x2048xf32> to vector<256x128xf32>
    %sub3A_577 = vector.broadcast %broadcast_in_dim3A : vector<256x1xf32> to vector<256x128xf32>
    %sub3A_578 = arith.subf %sub3A_577, %slice3A_576 : vector<256x128xf32>
    %slice3A_579 = vector.extract_strided_slice %get3A_5 {offsets = [0, 6528], sizes = [1, 128], strides = [1, 1]} : vector<1x8192xf32> to vector<1x128xf32>
    %add3A_580 = vector.broadcast %slice3A_579 : vector<1x128xf32> to vector<256x128xf32>
    %add3A_581 = arith.addf %sub3A_578, %add3A_580 : vector<256x128xf32>
    %lt3A_582 = arith.cmpf olt, %add3A_581, %min3A_572 : vector<256x128xf32>
    %min3A_583 = arith.minimumf %min3A_572, %add3A_581 : vector<256x128xf32>
    %jit3A_584 = arith.constant 51 : i32
    %broadcast_in_dim3A_585 = vector.broadcast %jit3A_584 : i32 to vector<256x128xi32>
    %select_n3A_586 = arith.select %lt3A_582, %broadcast_in_dim3A_585, %select_n3A_575 : vector<256x128xi1>, vector<256x128xi32>
    %slice3A_587 = vector.extract_strided_slice %dot_general3A_542 {offsets = [0, 512], sizes = [256, 128], strides = [1, 1]} : vector<256x2048xf32> to vector<256x128xf32>
    %sub3A_588 = vector.broadcast %broadcast_in_dim3A : vector<256x1xf32> to vector<256x128xf32>
    %sub3A_589 = arith.subf %sub3A_588, %slice3A_587 : vector<256x128xf32>
    %slice3A_590 = vector.extract_strided_slice %get3A_5 {offsets = [0, 6656], sizes = [1, 128], strides = [1, 1]} : vector<1x8192xf32> to vector<1x128xf32>
    %add3A_591 = vector.broadcast %slice3A_590 : vector<1x128xf32> to vector<256x128xf32>
    %add3A_592 = arith.addf %sub3A_589, %add3A_591 : vector<256x128xf32>
    %lt3A_593 = arith.cmpf olt, %add3A_592, %min3A_583 : vector<256x128xf32>
    %min3A_594 = arith.minimumf %min3A_583, %add3A_592 : vector<256x128xf32>
    %jit3A_595 = arith.constant 52 : i32
    %broadcast_in_dim3A_596 = vector.broadcast %jit3A_595 : i32 to vector<256x128xi32>
    %select_n3A_597 = arith.select %lt3A_593, %broadcast_in_dim3A_596, %select_n3A_586 : vector<256x128xi1>, vector<256x128xi32>
    %slice3A_598 = vector.extract_strided_slice %dot_general3A_542 {offsets = [0, 640], sizes = [256, 128], strides = [1, 1]} : vector<256x2048xf32> to vector<256x128xf32>
    %sub3A_599 = vector.broadcast %broadcast_in_dim3A : vector<256x1xf32> to vector<256x128xf32>
    %sub3A_600 = arith.subf %sub3A_599, %slice3A_598 : vector<256x128xf32>
    %slice3A_601 = vector.extract_strided_slice %get3A_5 {offsets = [0, 6784], sizes = [1, 128], strides = [1, 1]} : vector<1x8192xf32> to vector<1x128xf32>
    %add3A_602 = vector.broadcast %slice3A_601 : vector<1x128xf32> to vector<256x128xf32>
    %add3A_603 = arith.addf %sub3A_600, %add3A_602 : vector<256x128xf32>
    %lt3A_604 = arith.cmpf olt, %add3A_603, %min3A_594 : vector<256x128xf32>
    %min3A_605 = arith.minimumf %min3A_594, %add3A_603 : vector<256x128xf32>
    %jit3A_606 = arith.constant 53 : i32
    %broadcast_in_dim3A_607 = vector.broadcast %jit3A_606 : i32 to vector<256x128xi32>
    %select_n3A_608 = arith.select %lt3A_604, %broadcast_in_dim3A_607, %select_n3A_597 : vector<256x128xi1>, vector<256x128xi32>
    %slice3A_609 = vector.extract_strided_slice %dot_general3A_542 {offsets = [0, 768], sizes = [256, 128], strides = [1, 1]} : vector<256x2048xf32> to vector<256x128xf32>
    %sub3A_610 = vector.broadcast %broadcast_in_dim3A : vector<256x1xf32> to vector<256x128xf32>
    %sub3A_611 = arith.subf %sub3A_610, %slice3A_609 : vector<256x128xf32>
    %slice3A_612 = vector.extract_strided_slice %get3A_5 {offsets = [0, 6912], sizes = [1, 128], strides = [1, 1]} : vector<1x8192xf32> to vector<1x128xf32>
    %add3A_613 = vector.broadcast %slice3A_612 : vector<1x128xf32> to vector<256x128xf32>
    %add3A_614 = arith.addf %sub3A_611, %add3A_613 : vector<256x128xf32>
    %lt3A_615 = arith.cmpf olt, %add3A_614, %min3A_605 : vector<256x128xf32>
    %min3A_616 = arith.minimumf %min3A_605, %add3A_614 : vector<256x128xf32>
    %jit3A_617 = arith.constant 54 : i32
    %broadcast_in_dim3A_618 = vector.broadcast %jit3A_617 : i32 to vector<256x128xi32>
    %select_n3A_619 = arith.select %lt3A_615, %broadcast_in_dim3A_618, %select_n3A_608 : vector<256x128xi1>, vector<256x128xi32>
    %slice3A_620 = vector.extract_strided_slice %dot_general3A_542 {offsets = [0, 896], sizes = [256, 128], strides = [1, 1]} : vector<256x2048xf32> to vector<256x128xf32>
    %sub3A_621 = vector.broadcast %broadcast_in_dim3A : vector<256x1xf32> to vector<256x128xf32>
    %sub3A_622 = arith.subf %sub3A_621, %slice3A_620 : vector<256x128xf32>
    %slice3A_623 = vector.extract_strided_slice %get3A_5 {offsets = [0, 7040], sizes = [1, 128], strides = [1, 1]} : vector<1x8192xf32> to vector<1x128xf32>
    %add3A_624 = vector.broadcast %slice3A_623 : vector<1x128xf32> to vector<256x128xf32>
    %add3A_625 = arith.addf %sub3A_622, %add3A_624 : vector<256x128xf32>
    %lt3A_626 = arith.cmpf olt, %add3A_625, %min3A_616 : vector<256x128xf32>
    %min3A_627 = arith.minimumf %min3A_616, %add3A_625 : vector<256x128xf32>
    %jit3A_628 = arith.constant 55 : i32
    %broadcast_in_dim3A_629 = vector.broadcast %jit3A_628 : i32 to vector<256x128xi32>
    %select_n3A_630 = arith.select %lt3A_626, %broadcast_in_dim3A_629, %select_n3A_619 : vector<256x128xi1>, vector<256x128xi32>
    %slice3A_631 = vector.extract_strided_slice %dot_general3A_542 {offsets = [0, 1024], sizes = [256, 128], strides = [1, 1]} : vector<256x2048xf32> to vector<256x128xf32>
    %sub3A_632 = vector.broadcast %broadcast_in_dim3A : vector<256x1xf32> to vector<256x128xf32>
    %sub3A_633 = arith.subf %sub3A_632, %slice3A_631 : vector<256x128xf32>
    %slice3A_634 = vector.extract_strided_slice %get3A_5 {offsets = [0, 7168], sizes = [1, 128], strides = [1, 1]} : vector<1x8192xf32> to vector<1x128xf32>
    %add3A_635 = vector.broadcast %slice3A_634 : vector<1x128xf32> to vector<256x128xf32>
    %add3A_636 = arith.addf %sub3A_633, %add3A_635 : vector<256x128xf32>
    %lt3A_637 = arith.cmpf olt, %add3A_636, %min3A_627 : vector<256x128xf32>
    %min3A_638 = arith.minimumf %min3A_627, %add3A_636 : vector<256x128xf32>
    %jit3A_639 = arith.constant 56 : i32
    %broadcast_in_dim3A_640 = vector.broadcast %jit3A_639 : i32 to vector<256x128xi32>
    %select_n3A_641 = arith.select %lt3A_637, %broadcast_in_dim3A_640, %select_n3A_630 : vector<256x128xi1>, vector<256x128xi32>
    %slice3A_642 = vector.extract_strided_slice %dot_general3A_542 {offsets = [0, 1152], sizes = [256, 128], strides = [1, 1]} : vector<256x2048xf32> to vector<256x128xf32>
    %sub3A_643 = vector.broadcast %broadcast_in_dim3A : vector<256x1xf32> to vector<256x128xf32>
    %sub3A_644 = arith.subf %sub3A_643, %slice3A_642 : vector<256x128xf32>
    %slice3A_645 = vector.extract_strided_slice %get3A_5 {offsets = [0, 7296], sizes = [1, 128], strides = [1, 1]} : vector<1x8192xf32> to vector<1x128xf32>
    %add3A_646 = vector.broadcast %slice3A_645 : vector<1x128xf32> to vector<256x128xf32>
    %add3A_647 = arith.addf %sub3A_644, %add3A_646 : vector<256x128xf32>
    %lt3A_648 = arith.cmpf olt, %add3A_647, %min3A_638 : vector<256x128xf32>
    %min3A_649 = arith.minimumf %min3A_638, %add3A_647 : vector<256x128xf32>
    %jit3A_650 = arith.constant 57 : i32
    %broadcast_in_dim3A_651 = vector.broadcast %jit3A_650 : i32 to vector<256x128xi32>
    %select_n3A_652 = arith.select %lt3A_648, %broadcast_in_dim3A_651, %select_n3A_641 : vector<256x128xi1>, vector<256x128xi32>
    %slice3A_653 = vector.extract_strided_slice %dot_general3A_542 {offsets = [0, 1280], sizes = [256, 128], strides = [1, 1]} : vector<256x2048xf32> to vector<256x128xf32>
    %sub3A_654 = vector.broadcast %broadcast_in_dim3A : vector<256x1xf32> to vector<256x128xf32>
    %sub3A_655 = arith.subf %sub3A_654, %slice3A_653 : vector<256x128xf32>
    %slice3A_656 = vector.extract_strided_slice %get3A_5 {offsets = [0, 7424], sizes = [1, 128], strides = [1, 1]} : vector<1x8192xf32> to vector<1x128xf32>
    %add3A_657 = vector.broadcast %slice3A_656 : vector<1x128xf32> to vector<256x128xf32>
    %add3A_658 = arith.addf %sub3A_655, %add3A_657 : vector<256x128xf32>
    %lt3A_659 = arith.cmpf olt, %add3A_658, %min3A_649 : vector<256x128xf32>
    %min3A_660 = arith.minimumf %min3A_649, %add3A_658 : vector<256x128xf32>
    %jit3A_661 = arith.constant 58 : i32
    %broadcast_in_dim3A_662 = vector.broadcast %jit3A_661 : i32 to vector<256x128xi32>
    %select_n3A_663 = arith.select %lt3A_659, %broadcast_in_dim3A_662, %select_n3A_652 : vector<256x128xi1>, vector<256x128xi32>
    %slice3A_664 = vector.extract_strided_slice %dot_general3A_542 {offsets = [0, 1408], sizes = [256, 128], strides = [1, 1]} : vector<256x2048xf32> to vector<256x128xf32>
    %sub3A_665 = vector.broadcast %broadcast_in_dim3A : vector<256x1xf32> to vector<256x128xf32>
    %sub3A_666 = arith.subf %sub3A_665, %slice3A_664 : vector<256x128xf32>
    %slice3A_667 = vector.extract_strided_slice %get3A_5 {offsets = [0, 7552], sizes = [1, 128], strides = [1, 1]} : vector<1x8192xf32> to vector<1x128xf32>
    %add3A_668 = vector.broadcast %slice3A_667 : vector<1x128xf32> to vector<256x128xf32>
    %add3A_669 = arith.addf %sub3A_666, %add3A_668 : vector<256x128xf32>
    %lt3A_670 = arith.cmpf olt, %add3A_669, %min3A_660 : vector<256x128xf32>
    %min3A_671 = arith.minimumf %min3A_660, %add3A_669 : vector<256x128xf32>
    %jit3A_672 = arith.constant 59 : i32
    %broadcast_in_dim3A_673 = vector.broadcast %jit3A_672 : i32 to vector<256x128xi32>
    %select_n3A_674 = arith.select %lt3A_670, %broadcast_in_dim3A_673, %select_n3A_663 : vector<256x128xi1>, vector<256x128xi32>
    %slice3A_675 = vector.extract_strided_slice %dot_general3A_542 {offsets = [0, 1536], sizes = [256, 128], strides = [1, 1]} : vector<256x2048xf32> to vector<256x128xf32>
    %sub3A_676 = vector.broadcast %broadcast_in_dim3A : vector<256x1xf32> to vector<256x128xf32>
    %sub3A_677 = arith.subf %sub3A_676, %slice3A_675 : vector<256x128xf32>
    %slice3A_678 = vector.extract_strided_slice %get3A_5 {offsets = [0, 7680], sizes = [1, 128], strides = [1, 1]} : vector<1x8192xf32> to vector<1x128xf32>
    %add3A_679 = vector.broadcast %slice3A_678 : vector<1x128xf32> to vector<256x128xf32>
    %add3A_680 = arith.addf %sub3A_677, %add3A_679 : vector<256x128xf32>
    %lt3A_681 = arith.cmpf olt, %add3A_680, %min3A_671 : vector<256x128xf32>
    %min3A_682 = arith.minimumf %min3A_671, %add3A_680 : vector<256x128xf32>
    %jit3A_683 = arith.constant 60 : i32
    %broadcast_in_dim3A_684 = vector.broadcast %jit3A_683 : i32 to vector<256x128xi32>
    %select_n3A_685 = arith.select %lt3A_681, %broadcast_in_dim3A_684, %select_n3A_674 : vector<256x128xi1>, vector<256x128xi32>
    %slice3A_686 = vector.extract_strided_slice %dot_general3A_542 {offsets = [0, 1664], sizes = [256, 128], strides = [1, 1]} : vector<256x2048xf32> to vector<256x128xf32>
    %sub3A_687 = vector.broadcast %broadcast_in_dim3A : vector<256x1xf32> to vector<256x128xf32>
    %sub3A_688 = arith.subf %sub3A_687, %slice3A_686 : vector<256x128xf32>
    %slice3A_689 = vector.extract_strided_slice %get3A_5 {offsets = [0, 7808], sizes = [1, 128], strides = [1, 1]} : vector<1x8192xf32> to vector<1x128xf32>
    %add3A_690 = vector.broadcast %slice3A_689 : vector<1x128xf32> to vector<256x128xf32>
    %add3A_691 = arith.addf %sub3A_688, %add3A_690 : vector<256x128xf32>
    %lt3A_692 = arith.cmpf olt, %add3A_691, %min3A_682 : vector<256x128xf32>
    %min3A_693 = arith.minimumf %min3A_682, %add3A_691 : vector<256x128xf32>
    %jit3A_694 = arith.constant 61 : i32
    %broadcast_in_dim3A_695 = vector.broadcast %jit3A_694 : i32 to vector<256x128xi32>
    %select_n3A_696 = arith.select %lt3A_692, %broadcast_in_dim3A_695, %select_n3A_685 : vector<256x128xi1>, vector<256x128xi32>
    %slice3A_697 = vector.extract_strided_slice %dot_general3A_542 {offsets = [0, 1792], sizes = [256, 128], strides = [1, 1]} : vector<256x2048xf32> to vector<256x128xf32>
    %sub3A_698 = vector.broadcast %broadcast_in_dim3A : vector<256x1xf32> to vector<256x128xf32>
    %sub3A_699 = arith.subf %sub3A_698, %slice3A_697 : vector<256x128xf32>
    %slice3A_700 = vector.extract_strided_slice %get3A_5 {offsets = [0, 7936], sizes = [1, 128], strides = [1, 1]} : vector<1x8192xf32> to vector<1x128xf32>
    %add3A_701 = vector.broadcast %slice3A_700 : vector<1x128xf32> to vector<256x128xf32>
    %add3A_702 = arith.addf %sub3A_699, %add3A_701 : vector<256x128xf32>
    %lt3A_703 = arith.cmpf olt, %add3A_702, %min3A_693 : vector<256x128xf32>
    %min3A_704 = arith.minimumf %min3A_693, %add3A_702 : vector<256x128xf32>
    %jit3A_705 = arith.constant 62 : i32
    %broadcast_in_dim3A_706 = vector.broadcast %jit3A_705 : i32 to vector<256x128xi32>
    %select_n3A_707 = arith.select %lt3A_703, %broadcast_in_dim3A_706, %select_n3A_696 : vector<256x128xi1>, vector<256x128xi32>
    %slice3A_708 = vector.extract_strided_slice %dot_general3A_542 {offsets = [0, 1920], sizes = [256, 128], strides = [1, 1]} : vector<256x2048xf32> to vector<256x128xf32>
    %sub3A_709 = vector.broadcast %broadcast_in_dim3A : vector<256x1xf32> to vector<256x128xf32>
    %sub3A_710 = arith.subf %sub3A_709, %slice3A_708 : vector<256x128xf32>
    %slice3A_711 = vector.extract_strided_slice %get3A_5 {offsets = [0, 8064], sizes = [1, 128], strides = [1, 1]} : vector<1x8192xf32> to vector<1x128xf32>
    %add3A_712 = vector.broadcast %slice3A_711 : vector<1x128xf32> to vector<256x128xf32>
    %add3A_713 = arith.addf %sub3A_710, %add3A_712 : vector<256x128xf32>
    %lt3A_714 = arith.cmpf olt, %add3A_713, %min3A_704 : vector<256x128xf32>
    %min3A_715 = arith.minimumf %min3A_704, %add3A_713 : vector<256x128xf32>
    %jit3A_716 = arith.constant 63 : i32
    %broadcast_in_dim3A_717 = vector.broadcast %jit3A_716 : i32 to vector<256x128xi32>
    %select_n3A_718 = arith.select %lt3A_714, %broadcast_in_dim3A_717, %select_n3A_707 : vector<256x128xi1>, vector<256x128xi32>
    %reduce_min3A = arith.constant dense<0x7F800000> : vector<256xf32>
    %reduce_min3A_719 = vector.multi_reduction <minimumf>, %min3A_715, %reduce_min3A [1] : vector<256x128xf32> to vector<256xf32>
    %broadcast_in_dim3A_720 = vector.shape_cast %reduce_min3A_719 : vector<256xf32> to vector<256x1xf32>
    %mul3A_721 = arith.constant 128 : i32
    %mul3A_722 = vector.broadcast %mul3A_721 : i32 to vector<256x128xi32>
    %mul3A_723 = arith.muli %select_n3A_718, %mul3A_722 : vector<256x128xi32>
    %add3A_724 = arith.addi %mul3A_723, %iota3A : vector<256x128xi32>
    %eq3A = vector.broadcast %broadcast_in_dim3A_720 : vector<256x1xf32> to vector<256x128xf32>
    %eq3A_725 = arith.cmpf oeq, %min3A_715, %eq3A : vector<256x128xf32>
    %jit3A_726 = arith.constant 8192 : i32
    %broadcast_in_dim3A_727 = vector.broadcast %jit3A_726 : i32 to vector<256x128xi32>
    %select_n3A_728 = arith.select %eq3A_725, %add3A_724, %broadcast_in_dim3A_727 : vector<256x128xi1>, vector<256x128xi32>
    %reduce_min3A_729 = arith.constant dense<2147483647> : vector<256xi32>
    %reduce_min3A_730 = vector.multi_reduction <minsi>, %select_n3A_728, %reduce_min3A_729 [1] : vector<256x128xi32> to vector<256xi32>
    %swap3A = arith.constant 0 : index
    %swap3A_731 = arith.constant 0 : index
    %swap3A_732 = arith.constant 0 : index
    %swap3A_733 = vector.load %arg4[%swap3A, %swap3A_731, %swap3A_732] : memref<1x1x256xi32, #tpu.memory_space<vmem>>, vector<1x1x256xi32>
    %swap3A_734 = vector.shape_cast %swap3A_733 : vector<1x1x256xi32> to vector<256xi32>
    %swap3A_735 = vector.shape_cast %reduce_min3A_730 : vector<256xi32> to vector<1x1x256xi32>
    tpu.vector_store %arg4[%swap3A, %swap3A_731, %swap3A_732], %swap3A_735 {strides = array<i32>} : memref<1x1x256xi32, #tpu.memory_space<vmem>>, vector<1x1x256xi32>,
    return
  }
  func.func @transform_0(%arg0: i32) -> (i32, i32) {
    %add3A = arith.constant 0 : i32
    %add3A_0 = arith.addi %arg0, %add3A : i32
    %c0_i32 = arith.constant 0 : i32
    %c0_i32_1 = arith.constant 0 : i32
    return %add3A_0, %c0_i32 : i32, i32
  }
  func.func @transform_1(%arg0: i32) -> (i32, i32) {
    %c0_i32 = arith.constant 0 : i32
    %c0_i32_0 = arith.constant 0 : i32
    %c0_i32_1 = arith.constant 0 : i32
    return %c0_i32, %c0_i32_0 : i32, i32
  }
  func.func @transform_2(%arg0: i32) -> (i32, i32) {
    %c0_i32 = arith.constant 0 : i32
    %c0_i32_0 = arith.constant 0 : i32
    %c0_i32_1 = arith.constant 0 : i32
    return %c0_i32, %c0_i32_0 : i32, i32
  }
  func.func @transform_3(%arg0: i32) -> (i32, i32, i32) {
    %c0_i32 = arith.constant 0 : i32
    %c0_i32_0 = arith.constant 0 : i32
    %c0_i32_1 = arith.constant 0 : i32
    return %arg0, %c0_i32, %c0_i32_0 : i32, i32, i32
  }
}

module attributes {stable_mosaic.version = 14 : i64} {
  func.func @_argmin_body(%arg0: i32, %arg1: memref<256x256xf32, #tpu.memory_space<vmem>>, %arg2: memref<8192x256xbf16, #tpu.memory_space<vmem>>, %arg3: memref<1x8192xf32, #tpu.memory_space<vmem>>, %arg4: memref<1x1x256xi32, #tpu.memory_space<vmem>>) attributes {dimension_semantics = [#tpu.dimension_semantics<parallel>], iteration_bounds = array<i64: 18>, scalar_prefetch = 0 : i64, scratch_operands = 0 : i64, tpu.core_type = #tpu.core_type<tc>, window_params = [{transform_indices = @transform_0, window_bounds = array<i64: 256, 256>}, {pipeline_mode = #tpu.pipeline_mode<synchronous>, transform_indices = @transform_1, window_bounds = array<i64: 8192, 256>}, {pipeline_mode = #tpu.pipeline_mode<synchronous>, transform_indices = @transform_2, window_bounds = array<i64: 1, 8192>}, {transform_indices = @transform_3, window_bounds = array<i64: 1, 1, 256>}]} {
    %get3A = arith.constant 0 : index
    %get3A_0 = arith.constant 0 : index
    %get3A_1 = vector.load %arg1[%get3A, %get3A_0] : memref<256x256xf32, #tpu.memory_space<vmem>>, vector<256x256xf32>
    %convert_element_type3A = arith.truncf %get3A_1 : vector<256x256xf32> to vector<256x256xbf16>
    %mul3A = arith.mulf %get3A_1, %get3A_1 : vector<256x256xf32>
    %reduce_sum3A = arith.constant dense<0.000000e+00> : vector<256xf32>
    %reduce_sum3A_2 = vector.multi_reduction <add>, %mul3A, %reduce_sum3A [1] : vector<256x256xf32> to vector<256xf32>
    %broadcast_in_dim3A = vector.shape_cast %reduce_sum3A_2 : vector<256xf32> to vector<256x1xf32>
    %get3A_3 = arith.constant 0 : index
    %get3A_4 = arith.constant 0 : index
    %get3A_5 = vector.load %arg3[%get3A_3, %get3A_4] : memref<1x8192xf32, #tpu.memory_space<vmem>>, vector<1x8192xf32>
    %iota3A = tpu.iota {dimensions = array<i32: 1>} : vector<256x128xi32>
    %get3A_6 = arith.constant 0 : index
    %get3A_7 = arith.constant 0 : index
    %get3A_8 = vector.load %arg2[%get3A_6, %get3A_7] : memref<8192x256xbf16, #tpu.memory_space<vmem>>, vector<2048x256xbf16>
    %dot_general3A = arith.constant dense<0.000000e+00> : vector<256x2048xf32>
    %dot_general3A_9 = tpu.matmul %convert_element_type3A, %get3A_8, %dot_general3A {dimension_numbers = #tpu.dot_dimension_numbers<[1], [1], [0], [0], [0, 0, 1, 0], [], []>, transpose_lhs_hint = false} : vector<256x256xbf16>, vector<2048x256xbf16>, vector<256x2048xf32> -> vector<256x2048xf32>
    %slice3A = vector.extract_strided_slice %dot_general3A_9 {offsets = [0, 0], sizes = [256, 128], strides = [1, 1]} : vector<256x2048xf32> to vector<256x128xf32>
    %sub3A = vector.broadcast %broadcast_in_dim3A : vector<256x1xf32> to vector<256x128xf32>
    %sub3A_10 = arith.subf %sub3A, %slice3A : vector<256x128xf32>
    %slice3A_11 = vector.extract_strided_slice %get3A_5 {offsets = [0, 0], sizes = [1, 128], strides = [1, 1]} : vector<1x8192xf32> to vector<1x128xf32>
    %add3A = vector.broadcast %slice3A_11 : vector<1x128xf32> to vector<256x128xf32>
    %add3A_12 = arith.addf %sub3A_10, %add3A : vector<256x128xf32>
    %broadcast_in_dim3A_13 = arith.constant 0 : i32
    %broadcast_in_dim3A_14 = vector.broadcast %broadcast_in_dim3A_13 : i32 to vector<256x128xi32>
    %slice3A_15 = vector.extract_strided_slice %dot_general3A_9 {offsets = [0, 128], sizes = [256, 128], strides = [1, 1]} : vector<256x2048xf32> to vector<256x128xf32>
    %sub3A_16 = vector.broadcast %broadcast_in_dim3A : vector<256x1xf32> to vector<256x128xf32>
    %sub3A_17 = arith.subf %sub3A_16, %slice3A_15 : vector<256x128xf32>
    %slice3A_18 = vector.extract_strided_slice %get3A_5 {offsets = [0, 128], sizes = [1, 128], strides = [1, 1]} : vector<1x8192xf32> to vector<1x128xf32>
    %add3A_19 = vector.broadcast %slice3A_18 : vector<1x128xf32> to vector<256x128xf32>
    %add3A_20 = arith.addf %sub3A_17, %add3A_19 : vector<256x128xf32>
    %lt3A = arith.cmpf olt, %add3A_20, %add3A_12 : vector<256x128xf32>
    %min3A = arith.minimumf %add3A_12, %add3A_20 : vector<256x128xf32>
    %jit3A = arith.constant 1 : i32
    %broadcast_in_dim3A_21 = vector.broadcast %jit3A : i32 to vector<256x128xi32>
    %select_n3A = arith.select %lt3A, %broadcast_in_dim3A_21, %broadcast_in_dim3A_14 : vector<256x128xi1>, vector<256x128xi32>
    %slice3A_22 = vector.extract_strided_slice %dot_general3A_9 {offsets = [0, 256], sizes = [256, 128], strides = [1, 1]} : vector<256x2048xf32> to vector<256x128xf32>
    %sub3A_23 = vector.broadcast %broadcast_in_dim3A : vector<256x1xf32> to vector<256x128xf32>
    %sub3A_24 = arith.subf %sub3A_23, %slice3A_22 : vector<256x128xf32>
    %slice3A_25 = vector.extract_strided_slice %get3A_5 {offsets = [0, 256], sizes = [1, 128], strides = [1, 1]} : vector<1x8192xf32> to vector<1x128xf32>
    %add3A_26 = vector.broadcast %slice3A_25 : vector<1x128xf32> to vector<256x128xf32>
    %add3A_27 = arith.addf %sub3A_24, %add3A_26 : vector<256x128xf32>
    %lt3A_28 = arith.cmpf olt, %add3A_27, %min3A : vector<256x128xf32>
    %min3A_29 = arith.minimumf %min3A, %add3A_27 : vector<256x128xf32>
    %jit3A_30 = arith.constant 2 : i32
    %broadcast_in_dim3A_31 = vector.broadcast %jit3A_30 : i32 to vector<256x128xi32>
    %select_n3A_32 = arith.select %lt3A_28, %broadcast_in_dim3A_31, %select_n3A : vector<256x128xi1>, vector<256x128xi32>
    %slice3A_33 = vector.extract_strided_slice %dot_general3A_9 {offsets = [0, 384], sizes = [256, 128], strides = [1, 1]} : vector<256x2048xf32> to vector<256x128xf32>
    %sub3A_34 = vector.broadcast %broadcast_in_dim3A : vector<256x1xf32> to vector<256x128xf32>
    %sub3A_35 = arith.subf %sub3A_34, %slice3A_33 : vector<256x128xf32>
    %slice3A_36 = vector.extract_strided_slice %get3A_5 {offsets = [0, 384], sizes = [1, 128], strides = [1, 1]} : vector<1x8192xf32> to vector<1x128xf32>
    %add3A_37 = vector.broadcast %slice3A_36 : vector<1x128xf32> to vector<256x128xf32>
    %add3A_38 = arith.addf %sub3A_35, %add3A_37 : vector<256x128xf32>
    %lt3A_39 = arith.cmpf olt, %add3A_38, %min3A_29 : vector<256x128xf32>
    %min3A_40 = arith.minimumf %min3A_29, %add3A_38 : vector<256x128xf32>
    %jit3A_41 = arith.constant 3 : i32
    %broadcast_in_dim3A_42 = vector.broadcast %jit3A_41 : i32 to vector<256x128xi32>
    %select_n3A_43 = arith.select %lt3A_39, %broadcast_in_dim3A_42, %select_n3A_32 : vector<256x128xi1>, vector<256x128xi32>
    %slice3A_44 = vector.extract_strided_slice %dot_general3A_9 {offsets = [0, 512], sizes = [256, 128], strides = [1, 1]} : vector<256x2048xf32> to vector<256x128xf32>
    %sub3A_45 = vector.broadcast %broadcast_in_dim3A : vector<256x1xf32> to vector<256x128xf32>
    %sub3A_46 = arith.subf %sub3A_45, %slice3A_44 : vector<256x128xf32>
    %slice3A_47 = vector.extract_strided_slice %get3A_5 {offsets = [0, 512], sizes = [1, 128], strides = [1, 1]} : vector<1x8192xf32> to vector<1x128xf32>
    %add3A_48 = vector.broadcast %slice3A_47 : vector<1x128xf32> to vector<256x128xf32>
    %add3A_49 = arith.addf %sub3A_46, %add3A_48 : vector<256x128xf32>
    %lt3A_50 = arith.cmpf olt, %add3A_49, %min3A_40 : vector<256x128xf32>
    %min3A_51 = arith.minimumf %min3A_40, %add3A_49 : vector<256x128xf32>
    %jit3A_52 = arith.constant 4 : i32
    %broadcast_in_dim3A_53 = vector.broadcast %jit3A_52 : i32 to vector<256x128xi32>
    %select_n3A_54 = arith.select %lt3A_50, %broadcast_in_dim3A_53, %select_n3A_43 : vector<256x128xi1>, vector<256x128xi32>
    %slice3A_55 = vector.extract_strided_slice %dot_general3A_9 {offsets = [0, 640], sizes = [256, 128], strides = [1, 1]} : vector<256x2048xf32> to vector<256x128xf32>
    %sub3A_56 = vector.broadcast %broadcast_in_dim3A : vector<256x1xf32> to vector<256x128xf32>
    %sub3A_57 = arith.subf %sub3A_56, %slice3A_55 : vector<256x128xf32>
    %slice3A_58 = vector.extract_strided_slice %get3A_5 {offsets = [0, 640], sizes = [1, 128], strides = [1, 1]} : vector<1x8192xf32> to vector<1x128xf32>
    %add3A_59 = vector.broadcast %slice3A_58 : vector<1x128xf32> to vector<256x128xf32>
    %add3A_60 = arith.addf %sub3A_57, %add3A_59 : vector<256x128xf32>
    %lt3A_61 = arith.cmpf olt, %add3A_60, %min3A_51 : vector<256x128xf32>
    %min3A_62 = arith.minimumf %min3A_51, %add3A_60 : vector<256x128xf32>
    %jit3A_63 = arith.constant 5 : i32
    %broadcast_in_dim3A_64 = vector.broadcast %jit3A_63 : i32 to vector<256x128xi32>
    %select_n3A_65 = arith.select %lt3A_61, %broadcast_in_dim3A_64, %select_n3A_54 : vector<256x128xi1>, vector<256x128xi32>
    %slice3A_66 = vector.extract_strided_slice %dot_general3A_9 {offsets = [0, 768], sizes = [256, 128], strides = [1, 1]} : vector<256x2048xf32> to vector<256x128xf32>
    %sub3A_67 = vector.broadcast %broadcast_in_dim3A : vector<256x1xf32> to vector<256x128xf32>
    %sub3A_68 = arith.subf %sub3A_67, %slice3A_66 : vector<256x128xf32>
    %slice3A_69 = vector.extract_strided_slice %get3A_5 {offsets = [0, 768], sizes = [1, 128], strides = [1, 1]} : vector<1x8192xf32> to vector<1x128xf32>
    %add3A_70 = vector.broadcast %slice3A_69 : vector<1x128xf32> to vector<256x128xf32>
    %add3A_71 = arith.addf %sub3A_68, %add3A_70 : vector<256x128xf32>
    %lt3A_72 = arith.cmpf olt, %add3A_71, %min3A_62 : vector<256x128xf32>
    %min3A_73 = arith.minimumf %min3A_62, %add3A_71 : vector<256x128xf32>
    %jit3A_74 = arith.constant 6 : i32
    %broadcast_in_dim3A_75 = vector.broadcast %jit3A_74 : i32 to vector<256x128xi32>
    %select_n3A_76 = arith.select %lt3A_72, %broadcast_in_dim3A_75, %select_n3A_65 : vector<256x128xi1>, vector<256x128xi32>
    %slice3A_77 = vector.extract_strided_slice %dot_general3A_9 {offsets = [0, 896], sizes = [256, 128], strides = [1, 1]} : vector<256x2048xf32> to vector<256x128xf32>
    %sub3A_78 = vector.broadcast %broadcast_in_dim3A : vector<256x1xf32> to vector<256x128xf32>
    %sub3A_79 = arith.subf %sub3A_78, %slice3A_77 : vector<256x128xf32>
    %slice3A_80 = vector.extract_strided_slice %get3A_5 {offsets = [0, 896], sizes = [1, 128], strides = [1, 1]} : vector<1x8192xf32> to vector<1x128xf32>
    %add3A_81 = vector.broadcast %slice3A_80 : vector<1x128xf32> to vector<256x128xf32>
    %add3A_82 = arith.addf %sub3A_79, %add3A_81 : vector<256x128xf32>
    %lt3A_83 = arith.cmpf olt, %add3A_82, %min3A_73 : vector<256x128xf32>
    %min3A_84 = arith.minimumf %min3A_73, %add3A_82 : vector<256x128xf32>
    %jit3A_85 = arith.constant 7 : i32
    %broadcast_in_dim3A_86 = vector.broadcast %jit3A_85 : i32 to vector<256x128xi32>
    %select_n3A_87 = arith.select %lt3A_83, %broadcast_in_dim3A_86, %select_n3A_76 : vector<256x128xi1>, vector<256x128xi32>
    %slice3A_88 = vector.extract_strided_slice %dot_general3A_9 {offsets = [0, 1024], sizes = [256, 128], strides = [1, 1]} : vector<256x2048xf32> to vector<256x128xf32>
    %sub3A_89 = vector.broadcast %broadcast_in_dim3A : vector<256x1xf32> to vector<256x128xf32>
    %sub3A_90 = arith.subf %sub3A_89, %slice3A_88 : vector<256x128xf32>
    %slice3A_91 = vector.extract_strided_slice %get3A_5 {offsets = [0, 1024], sizes = [1, 128], strides = [1, 1]} : vector<1x8192xf32> to vector<1x128xf32>
    %add3A_92 = vector.broadcast %slice3A_91 : vector<1x128xf32> to vector<256x128xf32>
    %add3A_93 = arith.addf %sub3A_90, %add3A_92 : vector<256x128xf32>
    %lt3A_94 = arith.cmpf olt, %add3A_93, %min3A_84 : vector<256x128xf32>
    %min3A_95 = arith.minimumf %min3A_84, %add3A_93 : vector<256x128xf32>
    %jit3A_96 = arith.constant 8 : i32
    %broadcast_in_dim3A_97 = vector.broadcast %jit3A_96 : i32 to vector<256x128xi32>
    %select_n3A_98 = arith.select %lt3A_94, %broadcast_in_dim3A_97, %select_n3A_87 : vector<256x128xi1>, vector<256x128xi32>
    %slice3A_99 = vector.extract_strided_slice %dot_general3A_9 {offsets = [0, 1152], sizes = [256, 128], strides = [1, 1]} : vector<256x2048xf32> to vector<256x128xf32>
    %sub3A_100 = vector.broadcast %broadcast_in_dim3A : vector<256x1xf32> to vector<256x128xf32>
    %sub3A_101 = arith.subf %sub3A_100, %slice3A_99 : vector<256x128xf32>
    %slice3A_102 = vector.extract_strided_slice %get3A_5 {offsets = [0, 1152], sizes = [1, 128], strides = [1, 1]} : vector<1x8192xf32> to vector<1x128xf32>
    %add3A_103 = vector.broadcast %slice3A_102 : vector<1x128xf32> to vector<256x128xf32>
    %add3A_104 = arith.addf %sub3A_101, %add3A_103 : vector<256x128xf32>
    %lt3A_105 = arith.cmpf olt, %add3A_104, %min3A_95 : vector<256x128xf32>
    %min3A_106 = arith.minimumf %min3A_95, %add3A_104 : vector<256x128xf32>
    %jit3A_107 = arith.constant 9 : i32
    %broadcast_in_dim3A_108 = vector.broadcast %jit3A_107 : i32 to vector<256x128xi32>
    %select_n3A_109 = arith.select %lt3A_105, %broadcast_in_dim3A_108, %select_n3A_98 : vector<256x128xi1>, vector<256x128xi32>
    %slice3A_110 = vector.extract_strided_slice %dot_general3A_9 {offsets = [0, 1280], sizes = [256, 128], strides = [1, 1]} : vector<256x2048xf32> to vector<256x128xf32>
    %sub3A_111 = vector.broadcast %broadcast_in_dim3A : vector<256x1xf32> to vector<256x128xf32>
    %sub3A_112 = arith.subf %sub3A_111, %slice3A_110 : vector<256x128xf32>
    %slice3A_113 = vector.extract_strided_slice %get3A_5 {offsets = [0, 1280], sizes = [1, 128], strides = [1, 1]} : vector<1x8192xf32> to vector<1x128xf32>
    %add3A_114 = vector.broadcast %slice3A_113 : vector<1x128xf32> to vector<256x128xf32>
    %add3A_115 = arith.addf %sub3A_112, %add3A_114 : vector<256x128xf32>
    %lt3A_116 = arith.cmpf olt, %add3A_115, %min3A_106 : vector<256x128xf32>
    %min3A_117 = arith.minimumf %min3A_106, %add3A_115 : vector<256x128xf32>
    %jit3A_118 = arith.constant 10 : i32
    %broadcast_in_dim3A_119 = vector.broadcast %jit3A_118 : i32 to vector<256x128xi32>
    %select_n3A_120 = arith.select %lt3A_116, %broadcast_in_dim3A_119, %select_n3A_109 : vector<256x128xi1>, vector<256x128xi32>
    %slice3A_121 = vector.extract_strided_slice %dot_general3A_9 {offsets = [0, 1408], sizes = [256, 128], strides = [1, 1]} : vector<256x2048xf32> to vector<256x128xf32>
    %sub3A_122 = vector.broadcast %broadcast_in_dim3A : vector<256x1xf32> to vector<256x128xf32>
    %sub3A_123 = arith.subf %sub3A_122, %slice3A_121 : vector<256x128xf32>
    %slice3A_124 = vector.extract_strided_slice %get3A_5 {offsets = [0, 1408], sizes = [1, 128], strides = [1, 1]} : vector<1x8192xf32> to vector<1x128xf32>
    %add3A_125 = vector.broadcast %slice3A_124 : vector<1x128xf32> to vector<256x128xf32>
    %add3A_126 = arith.addf %sub3A_123, %add3A_125 : vector<256x128xf32>
    %lt3A_127 = arith.cmpf olt, %add3A_126, %min3A_117 : vector<256x128xf32>
    %min3A_128 = arith.minimumf %min3A_117, %add3A_126 : vector<256x128xf32>
    %jit3A_129 = arith.constant 11 : i32
    %broadcast_in_dim3A_130 = vector.broadcast %jit3A_129 : i32 to vector<256x128xi32>
    %select_n3A_131 = arith.select %lt3A_127, %broadcast_in_dim3A_130, %select_n3A_120 : vector<256x128xi1>, vector<256x128xi32>
    %slice3A_132 = vector.extract_strided_slice %dot_general3A_9 {offsets = [0, 1536], sizes = [256, 128], strides = [1, 1]} : vector<256x2048xf32> to vector<256x128xf32>
    %sub3A_133 = vector.broadcast %broadcast_in_dim3A : vector<256x1xf32> to vector<256x128xf32>
    %sub3A_134 = arith.subf %sub3A_133, %slice3A_132 : vector<256x128xf32>
    %slice3A_135 = vector.extract_strided_slice %get3A_5 {offsets = [0, 1536], sizes = [1, 128], strides = [1, 1]} : vector<1x8192xf32> to vector<1x128xf32>
    %add3A_136 = vector.broadcast %slice3A_135 : vector<1x128xf32> to vector<256x128xf32>
    %add3A_137 = arith.addf %sub3A_134, %add3A_136 : vector<256x128xf32>
    %lt3A_138 = arith.cmpf olt, %add3A_137, %min3A_128 : vector<256x128xf32>
    %min3A_139 = arith.minimumf %min3A_128, %add3A_137 : vector<256x128xf32>
    %jit3A_140 = arith.constant 12 : i32
    %broadcast_in_dim3A_141 = vector.broadcast %jit3A_140 : i32 to vector<256x128xi32>
    %select_n3A_142 = arith.select %lt3A_138, %broadcast_in_dim3A_141, %select_n3A_131 : vector<256x128xi1>, vector<256x128xi32>
    %slice3A_143 = vector.extract_strided_slice %dot_general3A_9 {offsets = [0, 1664], sizes = [256, 128], strides = [1, 1]} : vector<256x2048xf32> to vector<256x128xf32>
    %sub3A_144 = vector.broadcast %broadcast_in_dim3A : vector<256x1xf32> to vector<256x128xf32>
    %sub3A_145 = arith.subf %sub3A_144, %slice3A_143 : vector<256x128xf32>
    %slice3A_146 = vector.extract_strided_slice %get3A_5 {offsets = [0, 1664], sizes = [1, 128], strides = [1, 1]} : vector<1x8192xf32> to vector<1x128xf32>
    %add3A_147 = vector.broadcast %slice3A_146 : vector<1x128xf32> to vector<256x128xf32>
    %add3A_148 = arith.addf %sub3A_145, %add3A_147 : vector<256x128xf32>
    %lt3A_149 = arith.cmpf olt, %add3A_148, %min3A_139 : vector<256x128xf32>
    %min3A_150 = arith.minimumf %min3A_139, %add3A_148 : vector<256x128xf32>
    %jit3A_151 = arith.constant 13 : i32
    %broadcast_in_dim3A_152 = vector.broadcast %jit3A_151 : i32 to vector<256x128xi32>
    %select_n3A_153 = arith.select %lt3A_149, %broadcast_in_dim3A_152, %select_n3A_142 : vector<256x128xi1>, vector<256x128xi32>
    %slice3A_154 = vector.extract_strided_slice %dot_general3A_9 {offsets = [0, 1792], sizes = [256, 128], strides = [1, 1]} : vector<256x2048xf32> to vector<256x128xf32>
    %sub3A_155 = vector.broadcast %broadcast_in_dim3A : vector<256x1xf32> to vector<256x128xf32>
    %sub3A_156 = arith.subf %sub3A_155, %slice3A_154 : vector<256x128xf32>
    %slice3A_157 = vector.extract_strided_slice %get3A_5 {offsets = [0, 1792], sizes = [1, 128], strides = [1, 1]} : vector<1x8192xf32> to vector<1x128xf32>
    %add3A_158 = vector.broadcast %slice3A_157 : vector<1x128xf32> to vector<256x128xf32>
    %add3A_159 = arith.addf %sub3A_156, %add3A_158 : vector<256x128xf32>
    %lt3A_160 = arith.cmpf olt, %add3A_159, %min3A_150 : vector<256x128xf32>
    %min3A_161 = arith.minimumf %min3A_150, %add3A_159 : vector<256x128xf32>
    %jit3A_162 = arith.constant 14 : i32
    %broadcast_in_dim3A_163 = vector.broadcast %jit3A_162 : i32 to vector<256x128xi32>
    %select_n3A_164 = arith.select %lt3A_160, %broadcast_in_dim3A_163, %select_n3A_153 : vector<256x128xi1>, vector<256x128xi32>
    %slice3A_165 = vector.extract_strided_slice %dot_general3A_9 {offsets = [0, 1920], sizes = [256, 128], strides = [1, 1]} : vector<256x2048xf32> to vector<256x128xf32>
    %sub3A_166 = vector.broadcast %broadcast_in_dim3A : vector<256x1xf32> to vector<256x128xf32>
    %sub3A_167 = arith.subf %sub3A_166, %slice3A_165 : vector<256x128xf32>
    %slice3A_168 = vector.extract_strided_slice %get3A_5 {offsets = [0, 1920], sizes = [1, 128], strides = [1, 1]} : vector<1x8192xf32> to vector<1x128xf32>
    %add3A_169 = vector.broadcast %slice3A_168 : vector<1x128xf32> to vector<256x128xf32>
    %add3A_170 = arith.addf %sub3A_167, %add3A_169 : vector<256x128xf32>
    %lt3A_171 = arith.cmpf olt, %add3A_170, %min3A_161 : vector<256x128xf32>
    %min3A_172 = arith.minimumf %min3A_161, %add3A_170 : vector<256x128xf32>
    %jit3A_173 = arith.constant 15 : i32
    %broadcast_in_dim3A_174 = vector.broadcast %jit3A_173 : i32 to vector<256x128xi32>
    %select_n3A_175 = arith.select %lt3A_171, %broadcast_in_dim3A_174, %select_n3A_164 : vector<256x128xi1>, vector<256x128xi32>
    %get3A_176 = arith.constant 2048 : index
    %get3A_177 = arith.constant 0 : index
    %get3A_178 = vector.load %arg2[%get3A_176, %get3A_177] : memref<8192x256xbf16, #tpu.memory_space<vmem>>, vector<2048x256xbf16>
    %dot_general3A_179 = arith.constant dense<0.000000e+00> : vector<256x2048xf32>
    %dot_general3A_180 = tpu.matmul %convert_element_type3A, %get3A_178, %dot_general3A_179 {dimension_numbers = #tpu.dot_dimension_numbers<[1], [1], [0], [0], [0, 0, 1, 0], [], []>, transpose_lhs_hint = false} : vector<256x256xbf16>, vector<2048x256xbf16>, vector<256x2048xf32> -> vector<256x2048xf32>
    %slice3A_181 = vector.extract_strided_slice %dot_general3A_180 {offsets = [0, 0], sizes = [256, 128], strides = [1, 1]} : vector<256x2048xf32> to vector<256x128xf32>
    %sub3A_182 = vector.broadcast %broadcast_in_dim3A : vector<256x1xf32> to vector<256x128xf32>
    %sub3A_183 = arith.subf %sub3A_182, %slice3A_181 : vector<256x128xf32>
    %slice3A_184 = vector.extract_strided_slice %get3A_5 {offsets = [0, 2048], sizes = [1, 128], strides = [1, 1]} : vector<1x8192xf32> to vector<1x128xf32>
    %add3A_185 = vector.broadcast %slice3A_184 : vector<1x128xf32> to vector<256x128xf32>
    %add3A_186 = arith.addf %sub3A_183, %add3A_185 : vector<256x128xf32>
    %lt3A_187 = arith.cmpf olt, %add3A_186, %min3A_172 : vector<256x128xf32>
    %min3A_188 = arith.minimumf %min3A_172, %add3A_186 : vector<256x128xf32>
    %jit3A_189 = arith.constant 16 : i32
    %broadcast_in_dim3A_190 = vector.broadcast %jit3A_189 : i32 to vector<256x128xi32>
    %select_n3A_191 = arith.select %lt3A_187, %broadcast_in_dim3A_190, %select_n3A_175 : vector<256x128xi1>, vector<256x128xi32>
    %slice3A_192 = vector.extract_strided_slice %dot_general3A_180 {offsets = [0, 128], sizes = [256, 128], strides = [1, 1]} : vector<256x2048xf32> to vector<256x128xf32>
    %sub3A_193 = vector.broadcast %broadcast_in_dim3A : vector<256x1xf32> to vector<256x128xf32>
    %sub3A_194 = arith.subf %sub3A_193, %slice3A_192 : vector<256x128xf32>
    %slice3A_195 = vector.extract_strided_slice %get3A_5 {offsets = [0, 2176], sizes = [1, 128], strides = [1, 1]} : vector<1x8192xf32> to vector<1x128xf32>
    %add3A_196 = vector.broadcast %slice3A_195 : vector<1x128xf32> to vector<256x128xf32>
    %add3A_197 = arith.addf %sub3A_194, %add3A_196 : vector<256x128xf32>
    %lt3A_198 = arith.cmpf olt, %add3A_197, %min3A_188 : vector<256x128xf32>
    %min3A_199 = arith.minimumf %min3A_188, %add3A_197 : vector<256x128xf32>
    %jit3A_200 = arith.constant 17 : i32
    %broadcast_in_dim3A_201 = vector.broadcast %jit3A_200 : i32 to vector<256x128xi32>
    %select_n3A_202 = arith.select %lt3A_198, %broadcast_in_dim3A_201, %select_n3A_191 : vector<256x128xi1>, vector<256x128xi32>
    %slice3A_203 = vector.extract_strided_slice %dot_general3A_180 {offsets = [0, 256], sizes = [256, 128], strides = [1, 1]} : vector<256x2048xf32> to vector<256x128xf32>
    %sub3A_204 = vector.broadcast %broadcast_in_dim3A : vector<256x1xf32> to vector<256x128xf32>
    %sub3A_205 = arith.subf %sub3A_204, %slice3A_203 : vector<256x128xf32>
    %slice3A_206 = vector.extract_strided_slice %get3A_5 {offsets = [0, 2304], sizes = [1, 128], strides = [1, 1]} : vector<1x8192xf32> to vector<1x128xf32>
    %add3A_207 = vector.broadcast %slice3A_206 : vector<1x128xf32> to vector<256x128xf32>
    %add3A_208 = arith.addf %sub3A_205, %add3A_207 : vector<256x128xf32>
    %lt3A_209 = arith.cmpf olt, %add3A_208, %min3A_199 : vector<256x128xf32>
    %min3A_210 = arith.minimumf %min3A_199, %add3A_208 : vector<256x128xf32>
    %jit3A_211 = arith.constant 18 : i32
    %broadcast_in_dim3A_212 = vector.broadcast %jit3A_211 : i32 to vector<256x128xi32>
    %select_n3A_213 = arith.select %lt3A_209, %broadcast_in_dim3A_212, %select_n3A_202 : vector<256x128xi1>, vector<256x128xi32>
    %slice3A_214 = vector.extract_strided_slice %dot_general3A_180 {offsets = [0, 384], sizes = [256, 128], strides = [1, 1]} : vector<256x2048xf32> to vector<256x128xf32>
    %sub3A_215 = vector.broadcast %broadcast_in_dim3A : vector<256x1xf32> to vector<256x128xf32>
    %sub3A_216 = arith.subf %sub3A_215, %slice3A_214 : vector<256x128xf32>
    %slice3A_217 = vector.extract_strided_slice %get3A_5 {offsets = [0, 2432], sizes = [1, 128], strides = [1, 1]} : vector<1x8192xf32> to vector<1x128xf32>
    %add3A_218 = vector.broadcast %slice3A_217 : vector<1x128xf32> to vector<256x128xf32>
    %add3A_219 = arith.addf %sub3A_216, %add3A_218 : vector<256x128xf32>
    %lt3A_220 = arith.cmpf olt, %add3A_219, %min3A_210 : vector<256x128xf32>
    %min3A_221 = arith.minimumf %min3A_210, %add3A_219 : vector<256x128xf32>
    %jit3A_222 = arith.constant 19 : i32
    %broadcast_in_dim3A_223 = vector.broadcast %jit3A_222 : i32 to vector<256x128xi32>
    %select_n3A_224 = arith.select %lt3A_220, %broadcast_in_dim3A_223, %select_n3A_213 : vector<256x128xi1>, vector<256x128xi32>
    %slice3A_225 = vector.extract_strided_slice %dot_general3A_180 {offsets = [0, 512], sizes = [256, 128], strides = [1, 1]} : vector<256x2048xf32> to vector<256x128xf32>
    %sub3A_226 = vector.broadcast %broadcast_in_dim3A : vector<256x1xf32> to vector<256x128xf32>
    %sub3A_227 = arith.subf %sub3A_226, %slice3A_225 : vector<256x128xf32>
    %slice3A_228 = vector.extract_strided_slice %get3A_5 {offsets = [0, 2560], sizes = [1, 128], strides = [1, 1]} : vector<1x8192xf32> to vector<1x128xf32>
    %add3A_229 = vector.broadcast %slice3A_228 : vector<1x128xf32> to vector<256x128xf32>
    %add3A_230 = arith.addf %sub3A_227, %add3A_229 : vector<256x128xf32>
    %lt3A_231 = arith.cmpf olt, %add3A_230, %min3A_221 : vector<256x128xf32>
    %min3A_232 = arith.minimumf %min3A_221, %add3A_230 : vector<256x128xf32>
    %jit3A_233 = arith.constant 20 : i32
    %broadcast_in_dim3A_234 = vector.broadcast %jit3A_233 : i32 to vector<256x128xi32>
    %select_n3A_235 = arith.select %lt3A_231, %broadcast_in_dim3A_234, %select_n3A_224 : vector<256x128xi1>, vector<256x128xi32>
    %slice3A_236 = vector.extract_strided_slice %dot_general3A_180 {offsets = [0, 640], sizes = [256, 128], strides = [1, 1]} : vector<256x2048xf32> to vector<256x128xf32>
    %sub3A_237 = vector.broadcast %broadcast_in_dim3A : vector<256x1xf32> to vector<256x128xf32>
    %sub3A_238 = arith.subf %sub3A_237, %slice3A_236 : vector<256x128xf32>
    %slice3A_239 = vector.extract_strided_slice %get3A_5 {offsets = [0, 2688], sizes = [1, 128], strides = [1, 1]} : vector<1x8192xf32> to vector<1x128xf32>
    %add3A_240 = vector.broadcast %slice3A_239 : vector<1x128xf32> to vector<256x128xf32>
    %add3A_241 = arith.addf %sub3A_238, %add3A_240 : vector<256x128xf32>
    %lt3A_242 = arith.cmpf olt, %add3A_241, %min3A_232 : vector<256x128xf32>
    %min3A_243 = arith.minimumf %min3A_232, %add3A_241 : vector<256x128xf32>
    %jit3A_244 = arith.constant 21 : i32
    %broadcast_in_dim3A_245 = vector.broadcast %jit3A_244 : i32 to vector<256x128xi32>
    %select_n3A_246 = arith.select %lt3A_242, %broadcast_in_dim3A_245, %select_n3A_235 : vector<256x128xi1>, vector<256x128xi32>
    %slice3A_247 = vector.extract_strided_slice %dot_general3A_180 {offsets = [0, 768], sizes = [256, 128], strides = [1, 1]} : vector<256x2048xf32> to vector<256x128xf32>
    %sub3A_248 = vector.broadcast %broadcast_in_dim3A : vector<256x1xf32> to vector<256x128xf32>
    %sub3A_249 = arith.subf %sub3A_248, %slice3A_247 : vector<256x128xf32>
    %slice3A_250 = vector.extract_strided_slice %get3A_5 {offsets = [0, 2816], sizes = [1, 128], strides = [1, 1]} : vector<1x8192xf32> to vector<1x128xf32>
    %add3A_251 = vector.broadcast %slice3A_250 : vector<1x128xf32> to vector<256x128xf32>
    %add3A_252 = arith.addf %sub3A_249, %add3A_251 : vector<256x128xf32>
    %lt3A_253 = arith.cmpf olt, %add3A_252, %min3A_243 : vector<256x128xf32>
    %min3A_254 = arith.minimumf %min3A_243, %add3A_252 : vector<256x128xf32>
    %jit3A_255 = arith.constant 22 : i32
    %broadcast_in_dim3A_256 = vector.broadcast %jit3A_255 : i32 to vector<256x128xi32>
    %select_n3A_257 = arith.select %lt3A_253, %broadcast_in_dim3A_256, %select_n3A_246 : vector<256x128xi1>, vector<256x128xi32>
    %slice3A_258 = vector.extract_strided_slice %dot_general3A_180 {offsets = [0, 896], sizes = [256, 128], strides = [1, 1]} : vector<256x2048xf32> to vector<256x128xf32>
    %sub3A_259 = vector.broadcast %broadcast_in_dim3A : vector<256x1xf32> to vector<256x128xf32>
    %sub3A_260 = arith.subf %sub3A_259, %slice3A_258 : vector<256x128xf32>
    %slice3A_261 = vector.extract_strided_slice %get3A_5 {offsets = [0, 2944], sizes = [1, 128], strides = [1, 1]} : vector<1x8192xf32> to vector<1x128xf32>
    %add3A_262 = vector.broadcast %slice3A_261 : vector<1x128xf32> to vector<256x128xf32>
    %add3A_263 = arith.addf %sub3A_260, %add3A_262 : vector<256x128xf32>
    %lt3A_264 = arith.cmpf olt, %add3A_263, %min3A_254 : vector<256x128xf32>
    %min3A_265 = arith.minimumf %min3A_254, %add3A_263 : vector<256x128xf32>
    %jit3A_266 = arith.constant 23 : i32
    %broadcast_in_dim3A_267 = vector.broadcast %jit3A_266 : i32 to vector<256x128xi32>
    %select_n3A_268 = arith.select %lt3A_264, %broadcast_in_dim3A_267, %select_n3A_257 : vector<256x128xi1>, vector<256x128xi32>
    %slice3A_269 = vector.extract_strided_slice %dot_general3A_180 {offsets = [0, 1024], sizes = [256, 128], strides = [1, 1]} : vector<256x2048xf32> to vector<256x128xf32>
    %sub3A_270 = vector.broadcast %broadcast_in_dim3A : vector<256x1xf32> to vector<256x128xf32>
    %sub3A_271 = arith.subf %sub3A_270, %slice3A_269 : vector<256x128xf32>
    %slice3A_272 = vector.extract_strided_slice %get3A_5 {offsets = [0, 3072], sizes = [1, 128], strides = [1, 1]} : vector<1x8192xf32> to vector<1x128xf32>
    %add3A_273 = vector.broadcast %slice3A_272 : vector<1x128xf32> to vector<256x128xf32>
    %add3A_274 = arith.addf %sub3A_271, %add3A_273 : vector<256x128xf32>
    %lt3A_275 = arith.cmpf olt, %add3A_274, %min3A_265 : vector<256x128xf32>
    %min3A_276 = arith.minimumf %min3A_265, %add3A_274 : vector<256x128xf32>
    %jit3A_277 = arith.constant 24 : i32
    %broadcast_in_dim3A_278 = vector.broadcast %jit3A_277 : i32 to vector<256x128xi32>
    %select_n3A_279 = arith.select %lt3A_275, %broadcast_in_dim3A_278, %select_n3A_268 : vector<256x128xi1>, vector<256x128xi32>
    %slice3A_280 = vector.extract_strided_slice %dot_general3A_180 {offsets = [0, 1152], sizes = [256, 128], strides = [1, 1]} : vector<256x2048xf32> to vector<256x128xf32>
    %sub3A_281 = vector.broadcast %broadcast_in_dim3A : vector<256x1xf32> to vector<256x128xf32>
    %sub3A_282 = arith.subf %sub3A_281, %slice3A_280 : vector<256x128xf32>
    %slice3A_283 = vector.extract_strided_slice %get3A_5 {offsets = [0, 3200], sizes = [1, 128], strides = [1, 1]} : vector<1x8192xf32> to vector<1x128xf32>
    %add3A_284 = vector.broadcast %slice3A_283 : vector<1x128xf32> to vector<256x128xf32>
    %add3A_285 = arith.addf %sub3A_282, %add3A_284 : vector<256x128xf32>
    %lt3A_286 = arith.cmpf olt, %add3A_285, %min3A_276 : vector<256x128xf32>
    %min3A_287 = arith.minimumf %min3A_276, %add3A_285 : vector<256x128xf32>
    %jit3A_288 = arith.constant 25 : i32
    %broadcast_in_dim3A_289 = vector.broadcast %jit3A_288 : i32 to vector<256x128xi32>
    %select_n3A_290 = arith.select %lt3A_286, %broadcast_in_dim3A_289, %select_n3A_279 : vector<256x128xi1>, vector<256x128xi32>
    %slice3A_291 = vector.extract_strided_slice %dot_general3A_180 {offsets = [0, 1280], sizes = [256, 128], strides = [1, 1]} : vector<256x2048xf32> to vector<256x128xf32>
    %sub3A_292 = vector.broadcast %broadcast_in_dim3A : vector<256x1xf32> to vector<256x128xf32>
    %sub3A_293 = arith.subf %sub3A_292, %slice3A_291 : vector<256x128xf32>
    %slice3A_294 = vector.extract_strided_slice %get3A_5 {offsets = [0, 3328], sizes = [1, 128], strides = [1, 1]} : vector<1x8192xf32> to vector<1x128xf32>
    %add3A_295 = vector.broadcast %slice3A_294 : vector<1x128xf32> to vector<256x128xf32>
    %add3A_296 = arith.addf %sub3A_293, %add3A_295 : vector<256x128xf32>
    %lt3A_297 = arith.cmpf olt, %add3A_296, %min3A_287 : vector<256x128xf32>
    %min3A_298 = arith.minimumf %min3A_287, %add3A_296 : vector<256x128xf32>
    %jit3A_299 = arith.constant 26 : i32
    %broadcast_in_dim3A_300 = vector.broadcast %jit3A_299 : i32 to vector<256x128xi32>
    %select_n3A_301 = arith.select %lt3A_297, %broadcast_in_dim3A_300, %select_n3A_290 : vector<256x128xi1>, vector<256x128xi32>
    %slice3A_302 = vector.extract_strided_slice %dot_general3A_180 {offsets = [0, 1408], sizes = [256, 128], strides = [1, 1]} : vector<256x2048xf32> to vector<256x128xf32>
    %sub3A_303 = vector.broadcast %broadcast_in_dim3A : vector<256x1xf32> to vector<256x128xf32>
    %sub3A_304 = arith.subf %sub3A_303, %slice3A_302 : vector<256x128xf32>
    %slice3A_305 = vector.extract_strided_slice %get3A_5 {offsets = [0, 3456], sizes = [1, 128], strides = [1, 1]} : vector<1x8192xf32> to vector<1x128xf32>
    %add3A_306 = vector.broadcast %slice3A_305 : vector<1x128xf32> to vector<256x128xf32>
    %add3A_307 = arith.addf %sub3A_304, %add3A_306 : vector<256x128xf32>
    %lt3A_308 = arith.cmpf olt, %add3A_307, %min3A_298 : vector<256x128xf32>
    %min3A_309 = arith.minimumf %min3A_298, %add3A_307 : vector<256x128xf32>
    %jit3A_310 = arith.constant 27 : i32
    %broadcast_in_dim3A_311 = vector.broadcast %jit3A_310 : i32 to vector<256x128xi32>
    %select_n3A_312 = arith.select %lt3A_308, %broadcast_in_dim3A_311, %select_n3A_301 : vector<256x128xi1>, vector<256x128xi32>
    %slice3A_313 = vector.extract_strided_slice %dot_general3A_180 {offsets = [0, 1536], sizes = [256, 128], strides = [1, 1]} : vector<256x2048xf32> to vector<256x128xf32>
    %sub3A_314 = vector.broadcast %broadcast_in_dim3A : vector<256x1xf32> to vector<256x128xf32>
    %sub3A_315 = arith.subf %sub3A_314, %slice3A_313 : vector<256x128xf32>
    %slice3A_316 = vector.extract_strided_slice %get3A_5 {offsets = [0, 3584], sizes = [1, 128], strides = [1, 1]} : vector<1x8192xf32> to vector<1x128xf32>
    %add3A_317 = vector.broadcast %slice3A_316 : vector<1x128xf32> to vector<256x128xf32>
    %add3A_318 = arith.addf %sub3A_315, %add3A_317 : vector<256x128xf32>
    %lt3A_319 = arith.cmpf olt, %add3A_318, %min3A_309 : vector<256x128xf32>
    %min3A_320 = arith.minimumf %min3A_309, %add3A_318 : vector<256x128xf32>
    %jit3A_321 = arith.constant 28 : i32
    %broadcast_in_dim3A_322 = vector.broadcast %jit3A_321 : i32 to vector<256x128xi32>
    %select_n3A_323 = arith.select %lt3A_319, %broadcast_in_dim3A_322, %select_n3A_312 : vector<256x128xi1>, vector<256x128xi32>
    %slice3A_324 = vector.extract_strided_slice %dot_general3A_180 {offsets = [0, 1664], sizes = [256, 128], strides = [1, 1]} : vector<256x2048xf32> to vector<256x128xf32>
    %sub3A_325 = vector.broadcast %broadcast_in_dim3A : vector<256x1xf32> to vector<256x128xf32>
    %sub3A_326 = arith.subf %sub3A_325, %slice3A_324 : vector<256x128xf32>
    %slice3A_327 = vector.extract_strided_slice %get3A_5 {offsets = [0, 3712], sizes = [1, 128], strides = [1, 1]} : vector<1x8192xf32> to vector<1x128xf32>
    %add3A_328 = vector.broadcast %slice3A_327 : vector<1x128xf32> to vector<256x128xf32>
    %add3A_329 = arith.addf %sub3A_326, %add3A_328 : vector<256x128xf32>
    %lt3A_330 = arith.cmpf olt, %add3A_329, %min3A_320 : vector<256x128xf32>
    %min3A_331 = arith.minimumf %min3A_320, %add3A_329 : vector<256x128xf32>
    %jit3A_332 = arith.constant 29 : i32
    %broadcast_in_dim3A_333 = vector.broadcast %jit3A_332 : i32 to vector<256x128xi32>
    %select_n3A_334 = arith.select %lt3A_330, %broadcast_in_dim3A_333, %select_n3A_323 : vector<256x128xi1>, vector<256x128xi32>
    %slice3A_335 = vector.extract_strided_slice %dot_general3A_180 {offsets = [0, 1792], sizes = [256, 128], strides = [1, 1]} : vector<256x2048xf32> to vector<256x128xf32>
    %sub3A_336 = vector.broadcast %broadcast_in_dim3A : vector<256x1xf32> to vector<256x128xf32>
    %sub3A_337 = arith.subf %sub3A_336, %slice3A_335 : vector<256x128xf32>
    %slice3A_338 = vector.extract_strided_slice %get3A_5 {offsets = [0, 3840], sizes = [1, 128], strides = [1, 1]} : vector<1x8192xf32> to vector<1x128xf32>
    %add3A_339 = vector.broadcast %slice3A_338 : vector<1x128xf32> to vector<256x128xf32>
    %add3A_340 = arith.addf %sub3A_337, %add3A_339 : vector<256x128xf32>
    %lt3A_341 = arith.cmpf olt, %add3A_340, %min3A_331 : vector<256x128xf32>
    %min3A_342 = arith.minimumf %min3A_331, %add3A_340 : vector<256x128xf32>
    %jit3A_343 = arith.constant 30 : i32
    %broadcast_in_dim3A_344 = vector.broadcast %jit3A_343 : i32 to vector<256x128xi32>
    %select_n3A_345 = arith.select %lt3A_341, %broadcast_in_dim3A_344, %select_n3A_334 : vector<256x128xi1>, vector<256x128xi32>
    %slice3A_346 = vector.extract_strided_slice %dot_general3A_180 {offsets = [0, 1920], sizes = [256, 128], strides = [1, 1]} : vector<256x2048xf32> to vector<256x128xf32>
    %sub3A_347 = vector.broadcast %broadcast_in_dim3A : vector<256x1xf32> to vector<256x128xf32>
    %sub3A_348 = arith.subf %sub3A_347, %slice3A_346 : vector<256x128xf32>
    %slice3A_349 = vector.extract_strided_slice %get3A_5 {offsets = [0, 3968], sizes = [1, 128], strides = [1, 1]} : vector<1x8192xf32> to vector<1x128xf32>
    %add3A_350 = vector.broadcast %slice3A_349 : vector<1x128xf32> to vector<256x128xf32>
    %add3A_351 = arith.addf %sub3A_348, %add3A_350 : vector<256x128xf32>
    %lt3A_352 = arith.cmpf olt, %add3A_351, %min3A_342 : vector<256x128xf32>
    %min3A_353 = arith.minimumf %min3A_342, %add3A_351 : vector<256x128xf32>
    %jit3A_354 = arith.constant 31 : i32
    %broadcast_in_dim3A_355 = vector.broadcast %jit3A_354 : i32 to vector<256x128xi32>
    %select_n3A_356 = arith.select %lt3A_352, %broadcast_in_dim3A_355, %select_n3A_345 : vector<256x128xi1>, vector<256x128xi32>
    %get3A_357 = arith.constant 4096 : index
    %get3A_358 = arith.constant 0 : index
    %get3A_359 = vector.load %arg2[%get3A_357, %get3A_358] : memref<8192x256xbf16, #tpu.memory_space<vmem>>, vector<2048x256xbf16>
    %dot_general3A_360 = arith.constant dense<0.000000e+00> : vector<256x2048xf32>
    %dot_general3A_361 = tpu.matmul %convert_element_type3A, %get3A_359, %dot_general3A_360 {dimension_numbers = #tpu.dot_dimension_numbers<[1], [1], [0], [0], [0, 0, 1, 0], [], []>, transpose_lhs_hint = false} : vector<256x256xbf16>, vector<2048x256xbf16>, vector<256x2048xf32> -> vector<256x2048xf32>
    %slice3A_362 = vector.extract_strided_slice %dot_general3A_361 {offsets = [0, 0], sizes = [256, 128], strides = [1, 1]} : vector<256x2048xf32> to vector<256x128xf32>
    %sub3A_363 = vector.broadcast %broadcast_in_dim3A : vector<256x1xf32> to vector<256x128xf32>
    %sub3A_364 = arith.subf %sub3A_363, %slice3A_362 : vector<256x128xf32>
    %slice3A_365 = vector.extract_strided_slice %get3A_5 {offsets = [0, 4096], sizes = [1, 128], strides = [1, 1]} : vector<1x8192xf32> to vector<1x128xf32>
    %add3A_366 = vector.broadcast %slice3A_365 : vector<1x128xf32> to vector<256x128xf32>
    %add3A_367 = arith.addf %sub3A_364, %add3A_366 : vector<256x128xf32>
    %lt3A_368 = arith.cmpf olt, %add3A_367, %min3A_353 : vector<256x128xf32>
    %min3A_369 = arith.minimumf %min3A_353, %add3A_367 : vector<256x128xf32>
    %jit3A_370 = arith.constant 32 : i32
    %broadcast_in_dim3A_371 = vector.broadcast %jit3A_370 : i32 to vector<256x128xi32>
    %select_n3A_372 = arith.select %lt3A_368, %broadcast_in_dim3A_371, %select_n3A_356 : vector<256x128xi1>, vector<256x128xi32>
    %slice3A_373 = vector.extract_strided_slice %dot_general3A_361 {offsets = [0, 128], sizes = [256, 128], strides = [1, 1]} : vector<256x2048xf32> to vector<256x128xf32>
    %sub3A_374 = vector.broadcast %broadcast_in_dim3A : vector<256x1xf32> to vector<256x128xf32>
    %sub3A_375 = arith.subf %sub3A_374, %slice3A_373 : vector<256x128xf32>
    %slice3A_376 = vector.extract_strided_slice %get3A_5 {offsets = [0, 4224], sizes = [1, 128], strides = [1, 1]} : vector<1x8192xf32> to vector<1x128xf32>
    %add3A_377 = vector.broadcast %slice3A_376 : vector<1x128xf32> to vector<256x128xf32>
    %add3A_378 = arith.addf %sub3A_375, %add3A_377 : vector<256x128xf32>
    %lt3A_379 = arith.cmpf olt, %add3A_378, %min3A_369 : vector<256x128xf32>
    %min3A_380 = arith.minimumf %min3A_369, %add3A_378 : vector<256x128xf32>
    %jit3A_381 = arith.constant 33 : i32
    %broadcast_in_dim3A_382 = vector.broadcast %jit3A_381 : i32 to vector<256x128xi32>
    %select_n3A_383 = arith.select %lt3A_379, %broadcast_in_dim3A_382, %select_n3A_372 : vector<256x128xi1>, vector<256x128xi32>
    %slice3A_384 = vector.extract_strided_slice %dot_general3A_361 {offsets = [0, 256], sizes = [256, 128], strides = [1, 1]} : vector<256x2048xf32> to vector<256x128xf32>
    %sub3A_385 = vector.broadcast %broadcast_in_dim3A : vector<256x1xf32> to vector<256x128xf32>
    %sub3A_386 = arith.subf %sub3A_385, %slice3A_384 : vector<256x128xf32>
    %slice3A_387 = vector.extract_strided_slice %get3A_5 {offsets = [0, 4352], sizes = [1, 128], strides = [1, 1]} : vector<1x8192xf32> to vector<1x128xf32>
    %add3A_388 = vector.broadcast %slice3A_387 : vector<1x128xf32> to vector<256x128xf32>
    %add3A_389 = arith.addf %sub3A_386, %add3A_388 : vector<256x128xf32>
    %lt3A_390 = arith.cmpf olt, %add3A_389, %min3A_380 : vector<256x128xf32>
    %min3A_391 = arith.minimumf %min3A_380, %add3A_389 : vector<256x128xf32>
    %jit3A_392 = arith.constant 34 : i32
    %broadcast_in_dim3A_393 = vector.broadcast %jit3A_392 : i32 to vector<256x128xi32>
    %select_n3A_394 = arith.select %lt3A_390, %broadcast_in_dim3A_393, %select_n3A_383 : vector<256x128xi1>, vector<256x128xi32>
    %slice3A_395 = vector.extract_strided_slice %dot_general3A_361 {offsets = [0, 384], sizes = [256, 128], strides = [1, 1]} : vector<256x2048xf32> to vector<256x128xf32>
    %sub3A_396 = vector.broadcast %broadcast_in_dim3A : vector<256x1xf32> to vector<256x128xf32>
    %sub3A_397 = arith.subf %sub3A_396, %slice3A_395 : vector<256x128xf32>
    %slice3A_398 = vector.extract_strided_slice %get3A_5 {offsets = [0, 4480], sizes = [1, 128], strides = [1, 1]} : vector<1x8192xf32> to vector<1x128xf32>
    %add3A_399 = vector.broadcast %slice3A_398 : vector<1x128xf32> to vector<256x128xf32>
    %add3A_400 = arith.addf %sub3A_397, %add3A_399 : vector<256x128xf32>
    %lt3A_401 = arith.cmpf olt, %add3A_400, %min3A_391 : vector<256x128xf32>
    %min3A_402 = arith.minimumf %min3A_391, %add3A_400 : vector<256x128xf32>
    %jit3A_403 = arith.constant 35 : i32
    %broadcast_in_dim3A_404 = vector.broadcast %jit3A_403 : i32 to vector<256x128xi32>
    %select_n3A_405 = arith.select %lt3A_401, %broadcast_in_dim3A_404, %select_n3A_394 : vector<256x128xi1>, vector<256x128xi32>
    %slice3A_406 = vector.extract_strided_slice %dot_general3A_361 {offsets = [0, 512], sizes = [256, 128], strides = [1, 1]} : vector<256x2048xf32> to vector<256x128xf32>
    %sub3A_407 = vector.broadcast %broadcast_in_dim3A : vector<256x1xf32> to vector<256x128xf32>
    %sub3A_408 = arith.subf %sub3A_407, %slice3A_406 : vector<256x128xf32>
    %slice3A_409 = vector.extract_strided_slice %get3A_5 {offsets = [0, 4608], sizes = [1, 128], strides = [1, 1]} : vector<1x8192xf32> to vector<1x128xf32>
    %add3A_410 = vector.broadcast %slice3A_409 : vector<1x128xf32> to vector<256x128xf32>
    %add3A_411 = arith.addf %sub3A_408, %add3A_410 : vector<256x128xf32>
    %lt3A_412 = arith.cmpf olt, %add3A_411, %min3A_402 : vector<256x128xf32>
    %min3A_413 = arith.minimumf %min3A_402, %add3A_411 : vector<256x128xf32>
    %jit3A_414 = arith.constant 36 : i32
    %broadcast_in_dim3A_415 = vector.broadcast %jit3A_414 : i32 to vector<256x128xi32>
    %select_n3A_416 = arith.select %lt3A_412, %broadcast_in_dim3A_415, %select_n3A_405 : vector<256x128xi1>, vector<256x128xi32>
    %slice3A_417 = vector.extract_strided_slice %dot_general3A_361 {offsets = [0, 640], sizes = [256, 128], strides = [1, 1]} : vector<256x2048xf32> to vector<256x128xf32>
    %sub3A_418 = vector.broadcast %broadcast_in_dim3A : vector<256x1xf32> to vector<256x128xf32>
    %sub3A_419 = arith.subf %sub3A_418, %slice3A_417 : vector<256x128xf32>
    %slice3A_420 = vector.extract_strided_slice %get3A_5 {offsets = [0, 4736], sizes = [1, 128], strides = [1, 1]} : vector<1x8192xf32> to vector<1x128xf32>
    %add3A_421 = vector.broadcast %slice3A_420 : vector<1x128xf32> to vector<256x128xf32>
    %add3A_422 = arith.addf %sub3A_419, %add3A_421 : vector<256x128xf32>
    %lt3A_423 = arith.cmpf olt, %add3A_422, %min3A_413 : vector<256x128xf32>
    %min3A_424 = arith.minimumf %min3A_413, %add3A_422 : vector<256x128xf32>
    %jit3A_425 = arith.constant 37 : i32
    %broadcast_in_dim3A_426 = vector.broadcast %jit3A_425 : i32 to vector<256x128xi32>
    %select_n3A_427 = arith.select %lt3A_423, %broadcast_in_dim3A_426, %select_n3A_416 : vector<256x128xi1>, vector<256x128xi32>
    %slice3A_428 = vector.extract_strided_slice %dot_general3A_361 {offsets = [0, 768], sizes = [256, 128], strides = [1, 1]} : vector<256x2048xf32> to vector<256x128xf32>
    %sub3A_429 = vector.broadcast %broadcast_in_dim3A : vector<256x1xf32> to vector<256x128xf32>
    %sub3A_430 = arith.subf %sub3A_429, %slice3A_428 : vector<256x128xf32>
    %slice3A_431 = vector.extract_strided_slice %get3A_5 {offsets = [0, 4864], sizes = [1, 128], strides = [1, 1]} : vector<1x8192xf32> to vector<1x128xf32>
    %add3A_432 = vector.broadcast %slice3A_431 : vector<1x128xf32> to vector<256x128xf32>
    %add3A_433 = arith.addf %sub3A_430, %add3A_432 : vector<256x128xf32>
    %lt3A_434 = arith.cmpf olt, %add3A_433, %min3A_424 : vector<256x128xf32>
    %min3A_435 = arith.minimumf %min3A_424, %add3A_433 : vector<256x128xf32>
    %jit3A_436 = arith.constant 38 : i32
    %broadcast_in_dim3A_437 = vector.broadcast %jit3A_436 : i32 to vector<256x128xi32>
    %select_n3A_438 = arith.select %lt3A_434, %broadcast_in_dim3A_437, %select_n3A_427 : vector<256x128xi1>, vector<256x128xi32>
    %slice3A_439 = vector.extract_strided_slice %dot_general3A_361 {offsets = [0, 896], sizes = [256, 128], strides = [1, 1]} : vector<256x2048xf32> to vector<256x128xf32>
    %sub3A_440 = vector.broadcast %broadcast_in_dim3A : vector<256x1xf32> to vector<256x128xf32>
    %sub3A_441 = arith.subf %sub3A_440, %slice3A_439 : vector<256x128xf32>
    %slice3A_442 = vector.extract_strided_slice %get3A_5 {offsets = [0, 4992], sizes = [1, 128], strides = [1, 1]} : vector<1x8192xf32> to vector<1x128xf32>
    %add3A_443 = vector.broadcast %slice3A_442 : vector<1x128xf32> to vector<256x128xf32>
    %add3A_444 = arith.addf %sub3A_441, %add3A_443 : vector<256x128xf32>
    %lt3A_445 = arith.cmpf olt, %add3A_444, %min3A_435 : vector<256x128xf32>
    %min3A_446 = arith.minimumf %min3A_435, %add3A_444 : vector<256x128xf32>
    %jit3A_447 = arith.constant 39 : i32
    %broadcast_in_dim3A_448 = vector.broadcast %jit3A_447 : i32 to vector<256x128xi32>
    %select_n3A_449 = arith.select %lt3A_445, %broadcast_in_dim3A_448, %select_n3A_438 : vector<256x128xi1>, vector<256x128xi32>
    %slice3A_450 = vector.extract_strided_slice %dot_general3A_361 {offsets = [0, 1024], sizes = [256, 128], strides = [1, 1]} : vector<256x2048xf32> to vector<256x128xf32>
    %sub3A_451 = vector.broadcast %broadcast_in_dim3A : vector<256x1xf32> to vector<256x128xf32>
    %sub3A_452 = arith.subf %sub3A_451, %slice3A_450 : vector<256x128xf32>
    %slice3A_453 = vector.extract_strided_slice %get3A_5 {offsets = [0, 5120], sizes = [1, 128], strides = [1, 1]} : vector<1x8192xf32> to vector<1x128xf32>
    %add3A_454 = vector.broadcast %slice3A_453 : vector<1x128xf32> to vector<256x128xf32>
    %add3A_455 = arith.addf %sub3A_452, %add3A_454 : vector<256x128xf32>
    %lt3A_456 = arith.cmpf olt, %add3A_455, %min3A_446 : vector<256x128xf32>
    %min3A_457 = arith.minimumf %min3A_446, %add3A_455 : vector<256x128xf32>
    %jit3A_458 = arith.constant 40 : i32
    %broadcast_in_dim3A_459 = vector.broadcast %jit3A_458 : i32 to vector<256x128xi32>
    %select_n3A_460 = arith.select %lt3A_456, %broadcast_in_dim3A_459, %select_n3A_449 : vector<256x128xi1>, vector<256x128xi32>
    %slice3A_461 = vector.extract_strided_slice %dot_general3A_361 {offsets = [0, 1152], sizes = [256, 128], strides = [1, 1]} : vector<256x2048xf32> to vector<256x128xf32>
    %sub3A_462 = vector.broadcast %broadcast_in_dim3A : vector<256x1xf32> to vector<256x128xf32>
    %sub3A_463 = arith.subf %sub3A_462, %slice3A_461 : vector<256x128xf32>
    %slice3A_464 = vector.extract_strided_slice %get3A_5 {offsets = [0, 5248], sizes = [1, 128], strides = [1, 1]} : vector<1x8192xf32> to vector<1x128xf32>
    %add3A_465 = vector.broadcast %slice3A_464 : vector<1x128xf32> to vector<256x128xf32>
    %add3A_466 = arith.addf %sub3A_463, %add3A_465 : vector<256x128xf32>
    %lt3A_467 = arith.cmpf olt, %add3A_466, %min3A_457 : vector<256x128xf32>
    %min3A_468 = arith.minimumf %min3A_457, %add3A_466 : vector<256x128xf32>
    %jit3A_469 = arith.constant 41 : i32
    %broadcast_in_dim3A_470 = vector.broadcast %jit3A_469 : i32 to vector<256x128xi32>
    %select_n3A_471 = arith.select %lt3A_467, %broadcast_in_dim3A_470, %select_n3A_460 : vector<256x128xi1>, vector<256x128xi32>
    %slice3A_472 = vector.extract_strided_slice %dot_general3A_361 {offsets = [0, 1280], sizes = [256, 128], strides = [1, 1]} : vector<256x2048xf32> to vector<256x128xf32>
    %sub3A_473 = vector.broadcast %broadcast_in_dim3A : vector<256x1xf32> to vector<256x128xf32>
    %sub3A_474 = arith.subf %sub3A_473, %slice3A_472 : vector<256x128xf32>
    %slice3A_475 = vector.extract_strided_slice %get3A_5 {offsets = [0, 5376], sizes = [1, 128], strides = [1, 1]} : vector<1x8192xf32> to vector<1x128xf32>
    %add3A_476 = vector.broadcast %slice3A_475 : vector<1x128xf32> to vector<256x128xf32>
    %add3A_477 = arith.addf %sub3A_474, %add3A_476 : vector<256x128xf32>
    %lt3A_478 = arith.cmpf olt, %add3A_477, %min3A_468 : vector<256x128xf32>
    %min3A_479 = arith.minimumf %min3A_468, %add3A_477 : vector<256x128xf32>
    %jit3A_480 = arith.constant 42 : i32
    %broadcast_in_dim3A_481 = vector.broadcast %jit3A_480 : i32 to vector<256x128xi32>
    %select_n3A_482 = arith.select %lt3A_478, %broadcast_in_dim3A_481, %select_n3A_471 : vector<256x128xi1>, vector<256x128xi32>
    %slice3A_483 = vector.extract_strided_slice %dot_general3A_361 {offsets = [0, 1408], sizes = [256, 128], strides = [1, 1]} : vector<256x2048xf32> to vector<256x128xf32>
    %sub3A_484 = vector.broadcast %broadcast_in_dim3A : vector<256x1xf32> to vector<256x128xf32>
    %sub3A_485 = arith.subf %sub3A_484, %slice3A_483 : vector<256x128xf32>
    %slice3A_486 = vector.extract_strided_slice %get3A_5 {offsets = [0, 5504], sizes = [1, 128], strides = [1, 1]} : vector<1x8192xf32> to vector<1x128xf32>
    %add3A_487 = vector.broadcast %slice3A_486 : vector<1x128xf32> to vector<256x128xf32>
    %add3A_488 = arith.addf %sub3A_485, %add3A_487 : vector<256x128xf32>
    %lt3A_489 = arith.cmpf olt, %add3A_488, %min3A_479 : vector<256x128xf32>
    %min3A_490 = arith.minimumf %min3A_479, %add3A_488 : vector<256x128xf32>
    %jit3A_491 = arith.constant 43 : i32
    %broadcast_in_dim3A_492 = vector.broadcast %jit3A_491 : i32 to vector<256x128xi32>
    %select_n3A_493 = arith.select %lt3A_489, %broadcast_in_dim3A_492, %select_n3A_482 : vector<256x128xi1>, vector<256x128xi32>
    %slice3A_494 = vector.extract_strided_slice %dot_general3A_361 {offsets = [0, 1536], sizes = [256, 128], strides = [1, 1]} : vector<256x2048xf32> to vector<256x128xf32>
    %sub3A_495 = vector.broadcast %broadcast_in_dim3A : vector<256x1xf32> to vector<256x128xf32>
    %sub3A_496 = arith.subf %sub3A_495, %slice3A_494 : vector<256x128xf32>
    %slice3A_497 = vector.extract_strided_slice %get3A_5 {offsets = [0, 5632], sizes = [1, 128], strides = [1, 1]} : vector<1x8192xf32> to vector<1x128xf32>
    %add3A_498 = vector.broadcast %slice3A_497 : vector<1x128xf32> to vector<256x128xf32>
    %add3A_499 = arith.addf %sub3A_496, %add3A_498 : vector<256x128xf32>
    %lt3A_500 = arith.cmpf olt, %add3A_499, %min3A_490 : vector<256x128xf32>
    %min3A_501 = arith.minimumf %min3A_490, %add3A_499 : vector<256x128xf32>
    %jit3A_502 = arith.constant 44 : i32
    %broadcast_in_dim3A_503 = vector.broadcast %jit3A_502 : i32 to vector<256x128xi32>
    %select_n3A_504 = arith.select %lt3A_500, %broadcast_in_dim3A_503, %select_n3A_493 : vector<256x128xi1>, vector<256x128xi32>
    %slice3A_505 = vector.extract_strided_slice %dot_general3A_361 {offsets = [0, 1664], sizes = [256, 128], strides = [1, 1]} : vector<256x2048xf32> to vector<256x128xf32>
    %sub3A_506 = vector.broadcast %broadcast_in_dim3A : vector<256x1xf32> to vector<256x128xf32>
    %sub3A_507 = arith.subf %sub3A_506, %slice3A_505 : vector<256x128xf32>
    %slice3A_508 = vector.extract_strided_slice %get3A_5 {offsets = [0, 5760], sizes = [1, 128], strides = [1, 1]} : vector<1x8192xf32> to vector<1x128xf32>
    %add3A_509 = vector.broadcast %slice3A_508 : vector<1x128xf32> to vector<256x128xf32>
    %add3A_510 = arith.addf %sub3A_507, %add3A_509 : vector<256x128xf32>
    %lt3A_511 = arith.cmpf olt, %add3A_510, %min3A_501 : vector<256x128xf32>
    %min3A_512 = arith.minimumf %min3A_501, %add3A_510 : vector<256x128xf32>
    %jit3A_513 = arith.constant 45 : i32
    %broadcast_in_dim3A_514 = vector.broadcast %jit3A_513 : i32 to vector<256x128xi32>
    %select_n3A_515 = arith.select %lt3A_511, %broadcast_in_dim3A_514, %select_n3A_504 : vector<256x128xi1>, vector<256x128xi32>
    %slice3A_516 = vector.extract_strided_slice %dot_general3A_361 {offsets = [0, 1792], sizes = [256, 128], strides = [1, 1]} : vector<256x2048xf32> to vector<256x128xf32>
    %sub3A_517 = vector.broadcast %broadcast_in_dim3A : vector<256x1xf32> to vector<256x128xf32>
    %sub3A_518 = arith.subf %sub3A_517, %slice3A_516 : vector<256x128xf32>
    %slice3A_519 = vector.extract_strided_slice %get3A_5 {offsets = [0, 5888], sizes = [1, 128], strides = [1, 1]} : vector<1x8192xf32> to vector<1x128xf32>
    %add3A_520 = vector.broadcast %slice3A_519 : vector<1x128xf32> to vector<256x128xf32>
    %add3A_521 = arith.addf %sub3A_518, %add3A_520 : vector<256x128xf32>
    %lt3A_522 = arith.cmpf olt, %add3A_521, %min3A_512 : vector<256x128xf32>
    %min3A_523 = arith.minimumf %min3A_512, %add3A_521 : vector<256x128xf32>
    %jit3A_524 = arith.constant 46 : i32
    %broadcast_in_dim3A_525 = vector.broadcast %jit3A_524 : i32 to vector<256x128xi32>
    %select_n3A_526 = arith.select %lt3A_522, %broadcast_in_dim3A_525, %select_n3A_515 : vector<256x128xi1>, vector<256x128xi32>
    %slice3A_527 = vector.extract_strided_slice %dot_general3A_361 {offsets = [0, 1920], sizes = [256, 128], strides = [1, 1]} : vector<256x2048xf32> to vector<256x128xf32>
    %sub3A_528 = vector.broadcast %broadcast_in_dim3A : vector<256x1xf32> to vector<256x128xf32>
    %sub3A_529 = arith.subf %sub3A_528, %slice3A_527 : vector<256x128xf32>
    %slice3A_530 = vector.extract_strided_slice %get3A_5 {offsets = [0, 6016], sizes = [1, 128], strides = [1, 1]} : vector<1x8192xf32> to vector<1x128xf32>
    %add3A_531 = vector.broadcast %slice3A_530 : vector<1x128xf32> to vector<256x128xf32>
    %add3A_532 = arith.addf %sub3A_529, %add3A_531 : vector<256x128xf32>
    %lt3A_533 = arith.cmpf olt, %add3A_532, %min3A_523 : vector<256x128xf32>
    %min3A_534 = arith.minimumf %min3A_523, %add3A_532 : vector<256x128xf32>
    %jit3A_535 = arith.constant 47 : i32
    %broadcast_in_dim3A_536 = vector.broadcast %jit3A_535 : i32 to vector<256x128xi32>
    %select_n3A_537 = arith.select %lt3A_533, %broadcast_in_dim3A_536, %select_n3A_526 : vector<256x128xi1>, vector<256x128xi32>
    %get3A_538 = arith.constant 6144 : index
    %get3A_539 = arith.constant 0 : index
    %get3A_540 = vector.load %arg2[%get3A_538, %get3A_539] : memref<8192x256xbf16, #tpu.memory_space<vmem>>, vector<2048x256xbf16>
    %dot_general3A_541 = arith.constant dense<0.000000e+00> : vector<256x2048xf32>
    %dot_general3A_542 = tpu.matmul %convert_element_type3A, %get3A_540, %dot_general3A_541 {dimension_numbers = #tpu.dot_dimension_numbers<[1], [1], [0], [0], [0, 0, 1, 0], [], []>, transpose_lhs_hint = false} : vector<256x256xbf16>, vector<2048x256xbf16>, vector<256x2048xf32> -> vector<256x2048xf32>
    %slice3A_543 = vector.extract_strided_slice %dot_general3A_542 {offsets = [0, 0], sizes = [256, 128], strides = [1, 1]} : vector<256x2048xf32> to vector<256x128xf32>
    %sub3A_544 = vector.broadcast %broadcast_in_dim3A : vector<256x1xf32> to vector<256x128xf32>
    %sub3A_545 = arith.subf %sub3A_544, %slice3A_543 : vector<256x128xf32>
    %slice3A_546 = vector.extract_strided_slice %get3A_5 {offsets = [0, 6144], sizes = [1, 128], strides = [1, 1]} : vector<1x8192xf32> to vector<1x128xf32>
    %add3A_547 = vector.broadcast %slice3A_546 : vector<1x128xf32> to vector<256x128xf32>
    %add3A_548 = arith.addf %sub3A_545, %add3A_547 : vector<256x128xf32>
    %lt3A_549 = arith.cmpf olt, %add3A_548, %min3A_534 : vector<256x128xf32>
    %min3A_550 = arith.minimumf %min3A_534, %add3A_548 : vector<256x128xf32>
    %jit3A_551 = arith.constant 48 : i32
    %broadcast_in_dim3A_552 = vector.broadcast %jit3A_551 : i32 to vector<256x128xi32>
    %select_n3A_553 = arith.select %lt3A_549, %broadcast_in_dim3A_552, %select_n3A_537 : vector<256x128xi1>, vector<256x128xi32>
    %slice3A_554 = vector.extract_strided_slice %dot_general3A_542 {offsets = [0, 128], sizes = [256, 128], strides = [1, 1]} : vector<256x2048xf32> to vector<256x128xf32>
    %sub3A_555 = vector.broadcast %broadcast_in_dim3A : vector<256x1xf32> to vector<256x128xf32>
    %sub3A_556 = arith.subf %sub3A_555, %slice3A_554 : vector<256x128xf32>
    %slice3A_557 = vector.extract_strided_slice %get3A_5 {offsets = [0, 6272], sizes = [1, 128], strides = [1, 1]} : vector<1x8192xf32> to vector<1x128xf32>
    %add3A_558 = vector.broadcast %slice3A_557 : vector<1x128xf32> to vector<256x128xf32>
    %add3A_559 = arith.addf %sub3A_556, %add3A_558 : vector<256x128xf32>
    %lt3A_560 = arith.cmpf olt, %add3A_559, %min3A_550 : vector<256x128xf32>
    %min3A_561 = arith.minimumf %min3A_550, %add3A_559 : vector<256x128xf32>
    %jit3A_562 = arith.constant 49 : i32
    %broadcast_in_dim3A_563 = vector.broadcast %jit3A_562 : i32 to vector<256x128xi32>
    %select_n3A_564 = arith.select %lt3A_560, %broadcast_in_dim3A_563, %select_n3A_553 : vector<256x128xi1>, vector<256x128xi32>
    %slice3A_565 = vector.extract_strided_slice %dot_general3A_542 {offsets = [0, 256], sizes = [256, 128], strides = [1, 1]} : vector<256x2048xf32> to vector<256x128xf32>
    %sub3A_566 = vector.broadcast %broadcast_in_dim3A : vector<256x1xf32> to vector<256x128xf32>
    %sub3A_567 = arith.subf %sub3A_566, %slice3A_565 : vector<256x128xf32>
    %slice3A_568 = vector.extract_strided_slice %get3A_5 {offsets = [0, 6400], sizes = [1, 128], strides = [1, 1]} : vector<1x8192xf32> to vector<1x128xf32>
    %add3A_569 = vector.broadcast %slice3A_568 : vector<1x128xf32> to vector<256x128xf32>
    %add3A_570 = arith.addf %sub3A_567, %add3A_569 : vector<256x128xf32>
    %lt3A_571 = arith.cmpf olt, %add3A_570, %min3A_561 : vector<256x128xf32>
    %min3A_572 = arith.minimumf %min3A_561, %add3A_570 : vector<256x128xf32>
    %jit3A_573 = arith.constant 50 : i32
    %broadcast_in_dim3A_574 = vector.broadcast %jit3A_573 : i32 to vector<256x128xi32>
    %select_n3A_575 = arith.select %lt3A_571, %broadcast_in_dim3A_574, %select_n3A_564 : vector<256x128xi1>, vector<256x128xi32>
    %slice3A_576 = vector.extract_strided_slice %dot_general3A_542 {offsets = [0, 384], sizes = [256, 128], strides = [1, 1]} : vector<256x2048xf32> to vector<256x128xf32>
    %sub3A_577 = vector.broadcast %broadcast_in_dim3A : vector<256x1xf32> to vector<256x128xf32>
    %sub3A_578 = arith.subf %sub3A_577, %slice3A_576 : vector<256x128xf32>
    %slice3A_579 = vector.extract_strided_slice %get3A_5 {offsets = [0, 6528], sizes = [1, 128], strides = [1, 1]} : vector<1x8192xf32> to vector<1x128xf32>
    %add3A_580 = vector.broadcast %slice3A_579 : vector<1x128xf32> to vector<256x128xf32>
    %add3A_581 = arith.addf %sub3A_578, %add3A_580 : vector<256x128xf32>
    %lt3A_582 = arith.cmpf olt, %add3A_581, %min3A_572 : vector<256x128xf32>
    %min3A_583 = arith.minimumf %min3A_572, %add3A_581 : vector<256x128xf32>
    %jit3A_584 = arith.constant 51 : i32
    %broadcast_in_dim3A_585 = vector.broadcast %jit3A_584 : i32 to vector<256x128xi32>
    %select_n3A_586 = arith.select %lt3A_582, %broadcast_in_dim3A_585, %select_n3A_575 : vector<256x128xi1>, vector<256x128xi32>
    %slice3A_587 = vector.extract_strided_slice %dot_general3A_542 {offsets = [0, 512], sizes = [256, 128], strides = [1, 1]} : vector<256x2048xf32> to vector<256x128xf32>
    %sub3A_588 = vector.broadcast %broadcast_in_dim3A : vector<256x1xf32> to vector<256x128xf32>
    %sub3A_589 = arith.subf %sub3A_588, %slice3A_587 : vector<256x128xf32>
    %slice3A_590 = vector.extract_strided_slice %get3A_5 {offsets = [0, 6656], sizes = [1, 128], strides = [1, 1]} : vector<1x8192xf32> to vector<1x128xf32>
    %add3A_591 = vector.broadcast %slice3A_590 : vector<1x128xf32> to vector<256x128xf32>
    %add3A_592 = arith.addf %sub3A_589, %add3A_591 : vector<256x128xf32>
    %lt3A_593 = arith.cmpf olt, %add3A_592, %min3A_583 : vector<256x128xf32>
    %min3A_594 = arith.minimumf %min3A_583, %add3A_592 : vector<256x128xf32>
    %jit3A_595 = arith.constant 52 : i32
    %broadcast_in_dim3A_596 = vector.broadcast %jit3A_595 : i32 to vector<256x128xi32>
    %select_n3A_597 = arith.select %lt3A_593, %broadcast_in_dim3A_596, %select_n3A_586 : vector<256x128xi1>, vector<256x128xi32>
    %slice3A_598 = vector.extract_strided_slice %dot_general3A_542 {offsets = [0, 640], sizes = [256, 128], strides = [1, 1]} : vector<256x2048xf32> to vector<256x128xf32>
    %sub3A_599 = vector.broadcast %broadcast_in_dim3A : vector<256x1xf32> to vector<256x128xf32>
    %sub3A_600 = arith.subf %sub3A_599, %slice3A_598 : vector<256x128xf32>
    %slice3A_601 = vector.extract_strided_slice %get3A_5 {offsets = [0, 6784], sizes = [1, 128], strides = [1, 1]} : vector<1x8192xf32> to vector<1x128xf32>
    %add3A_602 = vector.broadcast %slice3A_601 : vector<1x128xf32> to vector<256x128xf32>
    %add3A_603 = arith.addf %sub3A_600, %add3A_602 : vector<256x128xf32>
    %lt3A_604 = arith.cmpf olt, %add3A_603, %min3A_594 : vector<256x128xf32>
    %min3A_605 = arith.minimumf %min3A_594, %add3A_603 : vector<256x128xf32>
    %jit3A_606 = arith.constant 53 : i32
    %broadcast_in_dim3A_607 = vector.broadcast %jit3A_606 : i32 to vector<256x128xi32>
    %select_n3A_608 = arith.select %lt3A_604, %broadcast_in_dim3A_607, %select_n3A_597 : vector<256x128xi1>, vector<256x128xi32>
    %slice3A_609 = vector.extract_strided_slice %dot_general3A_542 {offsets = [0, 768], sizes = [256, 128], strides = [1, 1]} : vector<256x2048xf32> to vector<256x128xf32>
    %sub3A_610 = vector.broadcast %broadcast_in_dim3A : vector<256x1xf32> to vector<256x128xf32>
    %sub3A_611 = arith.subf %sub3A_610, %slice3A_609 : vector<256x128xf32>
    %slice3A_612 = vector.extract_strided_slice %get3A_5 {offsets = [0, 6912], sizes = [1, 128], strides = [1, 1]} : vector<1x8192xf32> to vector<1x128xf32>
    %add3A_613 = vector.broadcast %slice3A_612 : vector<1x128xf32> to vector<256x128xf32>
    %add3A_614 = arith.addf %sub3A_611, %add3A_613 : vector<256x128xf32>
    %lt3A_615 = arith.cmpf olt, %add3A_614, %min3A_605 : vector<256x128xf32>
    %min3A_616 = arith.minimumf %min3A_605, %add3A_614 : vector<256x128xf32>
    %jit3A_617 = arith.constant 54 : i32
    %broadcast_in_dim3A_618 = vector.broadcast %jit3A_617 : i32 to vector<256x128xi32>
    %select_n3A_619 = arith.select %lt3A_615, %broadcast_in_dim3A_618, %select_n3A_608 : vector<256x128xi1>, vector<256x128xi32>
    %slice3A_620 = vector.extract_strided_slice %dot_general3A_542 {offsets = [0, 896], sizes = [256, 128], strides = [1, 1]} : vector<256x2048xf32> to vector<256x128xf32>
    %sub3A_621 = vector.broadcast %broadcast_in_dim3A : vector<256x1xf32> to vector<256x128xf32>
    %sub3A_622 = arith.subf %sub3A_621, %slice3A_620 : vector<256x128xf32>
    %slice3A_623 = vector.extract_strided_slice %get3A_5 {offsets = [0, 7040], sizes = [1, 128], strides = [1, 1]} : vector<1x8192xf32> to vector<1x128xf32>
    %add3A_624 = vector.broadcast %slice3A_623 : vector<1x128xf32> to vector<256x128xf32>
    %add3A_625 = arith.addf %sub3A_622, %add3A_624 : vector<256x128xf32>
    %lt3A_626 = arith.cmpf olt, %add3A_625, %min3A_616 : vector<256x128xf32>
    %min3A_627 = arith.minimumf %min3A_616, %add3A_625 : vector<256x128xf32>
    %jit3A_628 = arith.constant 55 : i32
    %broadcast_in_dim3A_629 = vector.broadcast %jit3A_628 : i32 to vector<256x128xi32>
    %select_n3A_630 = arith.select %lt3A_626, %broadcast_in_dim3A_629, %select_n3A_619 : vector<256x128xi1>, vector<256x128xi32>
    %slice3A_631 = vector.extract_strided_slice %dot_general3A_542 {offsets = [0, 1024], sizes = [256, 128], strides = [1, 1]} : vector<256x2048xf32> to vector<256x128xf32>
    %sub3A_632 = vector.broadcast %broadcast_in_dim3A : vector<256x1xf32> to vector<256x128xf32>
    %sub3A_633 = arith.subf %sub3A_632, %slice3A_631 : vector<256x128xf32>
    %slice3A_634 = vector.extract_strided_slice %get3A_5 {offsets = [0, 7168], sizes = [1, 128], strides = [1, 1]} : vector<1x8192xf32> to vector<1x128xf32>
    %add3A_635 = vector.broadcast %slice3A_634 : vector<1x128xf32> to vector<256x128xf32>
    %add3A_636 = arith.addf %sub3A_633, %add3A_635 : vector<256x128xf32>
    %lt3A_637 = arith.cmpf olt, %add3A_636, %min3A_627 : vector<256x128xf32>
    %min3A_638 = arith.minimumf %min3A_627, %add3A_636 : vector<256x128xf32>
    %jit3A_639 = arith.constant 56 : i32
    %broadcast_in_dim3A_640 = vector.broadcast %jit3A_639 : i32 to vector<256x128xi32>
    %select_n3A_641 = arith.select %lt3A_637, %broadcast_in_dim3A_640, %select_n3A_630 : vector<256x128xi1>, vector<256x128xi32>
    %slice3A_642 = vector.extract_strided_slice %dot_general3A_542 {offsets = [0, 1152], sizes = [256, 128], strides = [1, 1]} : vector<256x2048xf32> to vector<256x128xf32>
    %sub3A_643 = vector.broadcast %broadcast_in_dim3A : vector<256x1xf32> to vector<256x128xf32>
    %sub3A_644 = arith.subf %sub3A_643, %slice3A_642 : vector<256x128xf32>
    %slice3A_645 = vector.extract_strided_slice %get3A_5 {offsets = [0, 7296], sizes = [1, 128], strides = [1, 1]} : vector<1x8192xf32> to vector<1x128xf32>
    %add3A_646 = vector.broadcast %slice3A_645 : vector<1x128xf32> to vector<256x128xf32>
    %add3A_647 = arith.addf %sub3A_644, %add3A_646 : vector<256x128xf32>
    %lt3A_648 = arith.cmpf olt, %add3A_647, %min3A_638 : vector<256x128xf32>
    %min3A_649 = arith.minimumf %min3A_638, %add3A_647 : vector<256x128xf32>
    %jit3A_650 = arith.constant 57 : i32
    %broadcast_in_dim3A_651 = vector.broadcast %jit3A_650 : i32 to vector<256x128xi32>
    %select_n3A_652 = arith.select %lt3A_648, %broadcast_in_dim3A_651, %select_n3A_641 : vector<256x128xi1>, vector<256x128xi32>
    %slice3A_653 = vector.extract_strided_slice %dot_general3A_542 {offsets = [0, 1280], sizes = [256, 128], strides = [1, 1]} : vector<256x2048xf32> to vector<256x128xf32>
    %sub3A_654 = vector.broadcast %broadcast_in_dim3A : vector<256x1xf32> to vector<256x128xf32>
    %sub3A_655 = arith.subf %sub3A_654, %slice3A_653 : vector<256x128xf32>
    %slice3A_656 = vector.extract_strided_slice %get3A_5 {offsets = [0, 7424], sizes = [1, 128], strides = [1, 1]} : vector<1x8192xf32> to vector<1x128xf32>
    %add3A_657 = vector.broadcast %slice3A_656 : vector<1x128xf32> to vector<256x128xf32>
    %add3A_658 = arith.addf %sub3A_655, %add3A_657 : vector<256x128xf32>
    %lt3A_659 = arith.cmpf olt, %add3A_658, %min3A_649 : vector<256x128xf32>
    %min3A_660 = arith.minimumf %min3A_649, %add3A_658 : vector<256x128xf32>
    %jit3A_661 = arith.constant 58 : i32
    %broadcast_in_dim3A_662 = vector.broadcast %jit3A_661 : i32 to vector<256x128xi32>
    %select_n3A_663 = arith.select %lt3A_659, %broadcast_in_dim3A_662, %select_n3A_652 : vector<256x128xi1>, vector<256x128xi32>
    %slice3A_664 = vector.extract_strided_slice %dot_general3A_542 {offsets = [0, 1408], sizes = [256, 128], strides = [1, 1]} : vector<256x2048xf32> to vector<256x128xf32>
    %sub3A_665 = vector.broadcast %broadcast_in_dim3A : vector<256x1xf32> to vector<256x128xf32>
    %sub3A_666 = arith.subf %sub3A_665, %slice3A_664 : vector<256x128xf32>
    %slice3A_667 = vector.extract_strided_slice %get3A_5 {offsets = [0, 7552], sizes = [1, 128], strides = [1, 1]} : vector<1x8192xf32> to vector<1x128xf32>
    %add3A_668 = vector.broadcast %slice3A_667 : vector<1x128xf32> to vector<256x128xf32>
    %add3A_669 = arith.addf %sub3A_666, %add3A_668 : vector<256x128xf32>
    %lt3A_670 = arith.cmpf olt, %add3A_669, %min3A_660 : vector<256x128xf32>
    %min3A_671 = arith.minimumf %min3A_660, %add3A_669 : vector<256x128xf32>
    %jit3A_672 = arith.constant 59 : i32
    %broadcast_in_dim3A_673 = vector.broadcast %jit3A_672 : i32 to vector<256x128xi32>
    %select_n3A_674 = arith.select %lt3A_670, %broadcast_in_dim3A_673, %select_n3A_663 : vector<256x128xi1>, vector<256x128xi32>
    %slice3A_675 = vector.extract_strided_slice %dot_general3A_542 {offsets = [0, 1536], sizes = [256, 128], strides = [1, 1]} : vector<256x2048xf32> to vector<256x128xf32>
    %sub3A_676 = vector.broadcast %broadcast_in_dim3A : vector<256x1xf32> to vector<256x128xf32>
    %sub3A_677 = arith.subf %sub3A_676, %slice3A_675 : vector<256x128xf32>
    %slice3A_678 = vector.extract_strided_slice %get3A_5 {offsets = [0, 7680], sizes = [1, 128], strides = [1, 1]} : vector<1x8192xf32> to vector<1x128xf32>
    %add3A_679 = vector.broadcast %slice3A_678 : vector<1x128xf32> to vector<256x128xf32>
    %add3A_680 = arith.addf %sub3A_677, %add3A_679 : vector<256x128xf32>
    %lt3A_681 = arith.cmpf olt, %add3A_680, %min3A_671 : vector<256x128xf32>
    %min3A_682 = arith.minimumf %min3A_671, %add3A_680 : vector<256x128xf32>
    %jit3A_683 = arith.constant 60 : i32
    %broadcast_in_dim3A_684 = vector.broadcast %jit3A_683 : i32 to vector<256x128xi32>
    %select_n3A_685 = arith.select %lt3A_681, %broadcast_in_dim3A_684, %select_n3A_674 : vector<256x128xi1>, vector<256x128xi32>
    %slice3A_686 = vector.extract_strided_slice %dot_general3A_542 {offsets = [0, 1664], sizes = [256, 128], strides = [1, 1]} : vector<256x2048xf32> to vector<256x128xf32>
    %sub3A_687 = vector.broadcast %broadcast_in_dim3A : vector<256x1xf32> to vector<256x128xf32>
    %sub3A_688 = arith.subf %sub3A_687, %slice3A_686 : vector<256x128xf32>
    %slice3A_689 = vector.extract_strided_slice %get3A_5 {offsets = [0, 7808], sizes = [1, 128], strides = [1, 1]} : vector<1x8192xf32> to vector<1x128xf32>
    %add3A_690 = vector.broadcast %slice3A_689 : vector<1x128xf32> to vector<256x128xf32>
    %add3A_691 = arith.addf %sub3A_688, %add3A_690 : vector<256x128xf32>
    %lt3A_692 = arith.cmpf olt, %add3A_691, %min3A_682 : vector<256x128xf32>
    %min3A_693 = arith.minimumf %min3A_682, %add3A_691 : vector<256x128xf32>
    %jit3A_694 = arith.constant 61 : i32
    %broadcast_in_dim3A_695 = vector.broadcast %jit3A_694 : i32 to vector<256x128xi32>
    %select_n3A_696 = arith.select %lt3A_692, %broadcast_in_dim3A_695, %select_n3A_685 : vector<256x128xi1>, vector<256x128xi32>
    %slice3A_697 = vector.extract_strided_slice %dot_general3A_542 {offsets = [0, 1792], sizes = [256, 128], strides = [1, 1]} : vector<256x2048xf32> to vector<256x128xf32>
    %sub3A_698 = vector.broadcast %broadcast_in_dim3A : vector<256x1xf32> to vector<256x128xf32>
    %sub3A_699 = arith.subf %sub3A_698, %slice3A_697 : vector<256x128xf32>
    %slice3A_700 = vector.extract_strided_slice %get3A_5 {offsets = [0, 7936], sizes = [1, 128], strides = [1, 1]} : vector<1x8192xf32> to vector<1x128xf32>
    %add3A_701 = vector.broadcast %slice3A_700 : vector<1x128xf32> to vector<256x128xf32>
    %add3A_702 = arith.addf %sub3A_699, %add3A_701 : vector<256x128xf32>
    %lt3A_703 = arith.cmpf olt, %add3A_702, %min3A_693 : vector<256x128xf32>
    %min3A_704 = arith.minimumf %min3A_693, %add3A_702 : vector<256x128xf32>
    %jit3A_705 = arith.constant 62 : i32
    %broadcast_in_dim3A_706 = vector.broadcast %jit3A_705 : i32 to vector<256x128xi32>
    %select_n3A_707 = arith.select %lt3A_703, %broadcast_in_dim3A_706, %select_n3A_696 : vector<256x128xi1>, vector<256x128xi32>
    %slice3A_708 = vector.extract_strided_slice %dot_general3A_542 {offsets = [0, 1920], sizes = [256, 128], strides = [1, 1]} : vector<256x2048xf32> to vector<256x128xf32>
    %sub3A_709 = vector.broadcast %broadcast_in_dim3A : vector<256x1xf32> to vector<256x128xf32>
    %sub3A_710 = arith.subf %sub3A_709, %slice3A_708 : vector<256x128xf32>
    %slice3A_711 = vector.extract_strided_slice %get3A_5 {offsets = [0, 8064], sizes = [1, 128], strides = [1, 1]} : vector<1x8192xf32> to vector<1x128xf32>
    %add3A_712 = vector.broadcast %slice3A_711 : vector<1x128xf32> to vector<256x128xf32>
    %add3A_713 = arith.addf %sub3A_710, %add3A_712 : vector<256x128xf32>
    %lt3A_714 = arith.cmpf olt, %add3A_713, %min3A_704 : vector<256x128xf32>
    %min3A_715 = arith.minimumf %min3A_704, %add3A_713 : vector<256x128xf32>
    %jit3A_716 = arith.constant 63 : i32
    %broadcast_in_dim3A_717 = vector.broadcast %jit3A_716 : i32 to vector<256x128xi32>
    %select_n3A_718 = arith.select %lt3A_714, %broadcast_in_dim3A_717, %select_n3A_707 : vector<256x128xi1>, vector<256x128xi32>
    %reduce_min3A = arith.constant dense<0x7F800000> : vector<256xf32>
    %reduce_min3A_719 = vector.multi_reduction <minimumf>, %min3A_715, %reduce_min3A [1] : vector<256x128xf32> to vector<256xf32>
    %broadcast_in_dim3A_720 = vector.shape_cast %reduce_min3A_719 : vector<256xf32> to vector<256x1xf32>
    %mul3A_721 = arith.constant 128 : i32
    %mul3A_722 = vector.broadcast %mul3A_721 : i32 to vector<256x128xi32>
    %mul3A_723 = arith.muli %select_n3A_718, %mul3A_722 : vector<256x128xi32>
    %add3A_724 = arith.addi %mul3A_723, %iota3A : vector<256x128xi32>
    %eq3A = vector.broadcast %broadcast_in_dim3A_720 : vector<256x1xf32> to vector<256x128xf32>
    %eq3A_725 = arith.cmpf oeq, %min3A_715, %eq3A : vector<256x128xf32>
    %jit3A_726 = arith.constant 8192 : i32
    %broadcast_in_dim3A_727 = vector.broadcast %jit3A_726 : i32 to vector<256x128xi32>
    %select_n3A_728 = arith.select %eq3A_725, %add3A_724, %broadcast_in_dim3A_727 : vector<256x128xi1>, vector<256x128xi32>
    %reduce_min3A_729 = arith.constant dense<2147483647> : vector<256xi32>
    %reduce_min3A_730 = vector.multi_reduction <minsi>, %select_n3A_728, %reduce_min3A_729 [1] : vector<256x128xi32> to vector<256xi32>
    %swap3A = arith.constant 0 : index
    %swap3A_731 = arith.constant 0 : index
    %swap3A_732 = arith.constant 0 : index
    %swap3A_733 = vector.load %arg4[%swap3A, %swap3A_731, %swap3A_732] : memref<1x1x256xi32, #tpu.memory_space<vmem>>, vector<1x1x256xi32>
    %swap3A_734 = vector.shape_cast %swap3A_733 : vector<1x1x256xi32> to vector<256xi32>
    %swap3A_735 = vector.shape_cast %reduce_min3A_730 : vector<256xi32> to vector<1x1x256xi32>
    tpu.vector_store %arg4[%swap3A, %swap3A_731, %swap3A_732], %swap3A_735 {strides = array<i32>} : memref<1x1x256xi32, #tpu.memory_space<vmem>>, vector<1x1x256xi32>,
    return
  }
  func.func @transform_0(%arg0: i32) -> (i32, i32) {
    %add3A = arith.constant 18 : i32
    %add3A_0 = arith.addi %arg0, %add3A : i32
    %c0_i32 = arith.constant 0 : i32
    %c0_i32_1 = arith.constant 0 : i32
    return %add3A_0, %c0_i32 : i32, i32
  }
  func.func @transform_1(%arg0: i32) -> (i32, i32) {
    %c0_i32 = arith.constant 0 : i32
    %c0_i32_0 = arith.constant 0 : i32
    %c0_i32_1 = arith.constant 0 : i32
    return %c0_i32, %c0_i32_0 : i32, i32
  }
  func.func @transform_2(%arg0: i32) -> (i32, i32) {
    %c0_i32 = arith.constant 0 : i32
    %c0_i32_0 = arith.constant 0 : i32
    %c0_i32_1 = arith.constant 0 : i32
    return %c0_i32, %c0_i32_0 : i32, i32
  }
  func.func @transform_3(%arg0: i32) -> (i32, i32, i32) {
    %c0_i32 = arith.constant 0 : i32
    %c0_i32_0 = arith.constant 0 : i32
    %c0_i32_1 = arith.constant 0 : i32
    return %arg0, %c0_i32, %c0_i32_0 : i32, i32, i32
  }
}

</mosaic_0001>

<sc_bundles>
// kernel: kernel.10.cloned.1.call-start
scs
__scs_entry_jumppad:
0x0: {  	(pc) =	sbr.rel $0x88, $3  }
0x1: {  	(tag) =	ssettag $0x0;
	lr =	simm.s32 $0x1  }
0x2: {  	[smem:$0x3F9E] =	sst lr;
	_ =	strace $0xD0000000  }
0x3: {  	_ = 	snop  }
0x4: {  	_ = 	snop  }
0x5: {  	_ = 	snop  }
0x6: {  	_ = 	snop  }
0x7: {  	_ = 	snop  }
__scs_overlays_trampoline_lowered:
0x8: {  	[smem:$0x3FAD] =	sst s0  }
0x9: {  	[smem:$0x3FAE] =	sst s1  }
0xa: {  	[smem:$0x3FAF] =	sst s2  }
0xb: {  	[smem:$0x3FB0] =	sst s3  }
0xc: {  	[smem:$0x3FB1] =	sst s4  }
0xd: {  	[smem:$0x3FB2] =	sst s5  }
0xe: {  	[smem:$0x3FB3] =	sst s6  }
0xf: {  	[smem:$0x3FB4] =	sst s7  }
0x10: {  	[smem:$0x3FB5] =	sst s8  }
0x11: {  	[smem:$0x3FB6] =	sst s9;
	s0 =	simm.s32 @!p0 $0x0  }
0x12: {  	s1 =	sld [smem:$0x3F9C];
	s0 =	simm.s32 @p0 $0x1  }
0x13: {  	[smem:$0x3FB7] =	sst s0;
	s0 =	simm.s32 @!p1 $0x0  }
0x14: {  	s2 =	sld [smem:$0x3F9B];
	s0 =	simm.s32 @p1 $0x1  }
0x15: {  	[smem:$0x3FB8] =	sst s0;
	s0 =	simm.s32 @!p2 $0x0  }
0x16: {  	s3 =	sld [smem:$0x3FDB];
	s0 =	simm.s32 @p2 $0x1  }
0x17: {  	s4 =	simm.s32 $0x1BF5;
	[smem:$0x3FBA] =	sst s0  }
0x18: {  	s0 =	sld [smem:$0x3F9D];
	_ =	swait.ge [sflag:s4], $0x0  }
0x19: {  	s7 =	sld [smem:$0x3F9E]  }
0x1a: {  	s8 =	sadd.s32 $0xFFFFE003, lr  }
0x1b: {  	s9 =	sadd.s32 $0xFFFFFEF7, lr;
	s5 =	simm.s32 $0xFFFFFFFF;
	p2 =	slt.u32 s8, $0xFFFFF086  }
0x1c: {  	p1 =	slt.u32 s9, $0xF7A;
	s5 =	simm.s32 @!p2 $0x0  }
0x1d: {  	s5 =	simm.s32 @p1 $0x1;
	p0 =	seq.s32 s7, s2  }
0x1e: {  	s7 =	smul.u32 @!p0 $0xF7A, s2;
	p2 =	seq.s32 @!p0 s5, $0x0  }
0x1f: {  	s9 =	smul.u32 $0xF7A, s1;
	s8 =	simm.s32 @!p0 $0x1BF5;
	p2 =	por !p2, p0  }
0x20: {  	[sflag:s8] =	ssyncset.s32 @!p0 $0xFFFFF086;
	s6 =	sadd.s32 @!p0 s3, s7;
	s7 =	simm.s32 @!p0 $0x108  }
0x21: {  	s3 =	sadd.s32 s3, s9;
	s6 =	sadd.s32 @!p0 $0x88, s6;
	s7 =	simm.s32 @p2 $0x1082  }
0x22: {  	[simem:s7], [sflag:s8] =	dma.local @!p0 [hbm:s6], $0xF7A  }
0x23: {  	s9 =	sor.u32 $0xD0000000, s2;
	s6 =	simm.s32 $0x108;
	_ =	swait.ge @!p0 [sflag:s8], $0x0  }
0x24: {  	s3 =	sadd.s32 $0x88, s3;
	s6 =	simm.s32 @!p1 $0x1082;
	[sflag:s4] =	ssyncset.s32 $0xFFFFF086  }
0x25: {  	[simem:s6], [sflag:s4] =	dma.local [hbm:s3], $0xF7A  }
0x26: {  	[smem:$0x3F9E] =	sst s1;
	(tag) =	ssettag s2;
	_ =	strace s9  }
0x27: {  	s1 =	sld [smem:$0x3FAE]  }
0x28: {  	s2 =	sld [smem:$0x3FAF]  }
0x29: {  	s4 =	sld [smem:$0x3FB1]  }
0x2a: {  	p0 =	seq.s32 s5, $0x0;
	s5 =	sld [smem:$0x3FB2]  }
0x2b: {  	s6 =	sld [smem:$0x3FB3]  }
0x2c: {  	s7 =	sld [smem:$0x3FB4]  }
0x2d: {  	s3 =	simm.s32 $0x108;
	s8 =	sld [smem:$0x3FB5]  }
0x2e: {  	s3 =	simm.s32 @!p0 $0x1082;
	s9 =	sld [smem:$0x3FB6]  }
0x2f: {  	lr =	sadd.s32 s0, s3;
	s0 =	sld [smem:$0x3FAD]  }
0x30: {  	s3 =	sld [smem:$0x3FB0]  }
0x31: {  	[smem:$0x3FB9] =	sst s10  }
0x32: {  	s10 =	sld [smem:$0x3FB7];
	_ =	sdelay $0x3  }
0x33: {  	p0 =	seq.s32 s10, $0x1;
	s10 =	sld [smem:$0x3FB9];
	_ =	sdelay $0x3  }
0x34: {  	[smem:$0x3FB9] =	sst s10  }
0x35: {  	s10 =	sld [smem:$0x3FB8];
	_ =	sdelay $0x3  }
0x36: {  	p1 =	seq.s32 s10, $0x1;
	s10 =	sld [smem:$0x3FB9];
	_ =	sdelay $0x3  }
0x37: {  	[smem:$0x3FB9] =	sst s10  }
0x38: {  	s10 =	sld [smem:$0x3FBA]  }
0x39: {  	_ = 	snop;
	(pc) =	sbr.ind lr, $3  }
0x3a: {  	_ = 	snop  }
0x3b: {  	_ = 	snop  }
0x3c: {  	p2 =	seq.s32 s10, $0x1;
	s10 =	sld [smem:$0x3FB9]  }
0x3d: {  	_ =	shalt  }
0x3e: {  	_ =	shalt  }
0x3f: {  	_ =	shalt  }
0x40: {  	_ =	shalt  }
0x41: {  	_ =	shalt  }
0x42: {  	_ =	shalt  }
0x43: {  	_ =	shalt  }
0x44: {  	_ =	shalt  }
0x45: {  	_ =	shalt  }
0x46: {  	_ =	shalt  }
0x47: {  	_ =	shalt  }
0x48: {  	_ =	shalt  }
0x49: {  	_ =	shalt  }
0x4a: {  	_ =	shalt  }
0x4b: {  	_ =	shalt  }
0x4c: {  	_ =	shalt  }
0x4d: {  	_ =	shalt  }
0x4e: {  	_ =	shalt  }
0x4f: {  	_ =	shalt  }
0x50: {  	_ =	shalt  }
0x51: {  	_ =	shalt  }
0x52: {  	_ =	shalt  }
0x53: {  	_ =	shalt  }
0x54: {  	_ =	shalt  }
0x55: {  	_ =	shalt  }
0x56: {  	_ =	shalt  }
0x57: {  	_ =	shalt  }
0x58: {  	_ =	shalt  }
0x59: {  	_ =	shalt  }
0x5a: {  	_ =	shalt  }
0x5b: {  	_ =	shalt  }
0x5c: {  	_ =	shalt  }
0x5d: {  	_ =	shalt  }
0x5e: {  	_ =	shalt  }
0x5f: {  	_ =	shalt  }
0x60: {  	_ =	shalt  }
0x61: {  	_ =	shalt  }
0x62: {  	_ =	shalt  }
0x63: {  	_ =	shalt  }
0x64: {  	_ =	shalt  }
0x65: {  	_ =	shalt  }
0x66: {  	_ =	shalt  }
0x67: {  	_ =	shalt  }
0x68: {  	_ =	shalt  }
0x69: {  	_ =	shalt  }
0x6a: {  	_ =	shalt  }
0x6b: {  	_ =	shalt  }
0x6c: {  	_ =	shalt  }
0x6d: {  	_ =	shalt  }
0x6e: {  	_ =	shalt  }
0x6f: {  	_ =	shalt  }
0x70: {  	_ =	shalt  }
0x71: {  	_ =	shalt  }
0x72: {  	_ =	shalt  }
0x73: {  	_ =	shalt  }
0x74: {  	_ =	shalt  }
0x75: {  	_ =	shalt  }
0x76: {  	_ =	shalt  }
0x77: {  	_ =	shalt  }
0x78: {  	_ =	shalt  }
0x79: {  	_ =	shalt  }
0x7a: {  	_ =	shalt  }
0x7b: {  	_ =	shalt  }
0x7c: {  	_ =	shalt  }
0x7d: {  	_ =	shalt  }
0x7e: {  	_ =	shalt  }
0x7f: {  	_ =	shalt  }
0x80: {  	_ =	shalt  }
0x81: {  	_ =	shalt  }
0x82: {  	_ =	shalt  }
0x83: {  	_ =	shalt  }
0x84: {  	_ =	shalt  }
0x85: {  	_ =	shalt  }
0x86: {  	_ =	shalt  }
0x87: {  	_ =	shalt  }
.Lfunc_end0:
.L_simem_size_0:
called_computation.1_lowered:
.L_overlay_start_0:
0x88: {  	s2 =	sld [smem:$0x3FD9]  }
0x89: {  	s3 =	sld [smem:$0x3FFE];
	_ =	sdelay $0x1  }
0x8a: {  	s1 =	srdreg.scid  }
0x8b: {  	s0 =	sand.u32 $0x1, s1  }
0x8c: {  	s15 =	sshll.u32 s0, $0xA;
	s2 =	sadd.s32 s3, s2  }
0x8d: {  	s2 =	sadd.s32 s2, s15  }
0x8e: {  	[smem:$0x3FC5] =	sst s2  }
0x8f: {  	_ = 	snop  }
0x90: {  	s2 =	sld [smem:$0x3FD0];
	_ =	sdelay $0x2  }
0x91: {  	s4 =	simm.s32 $0xB;
	s5 =	simm.s32 $0x10;
	s16 =	sld [smem:$0x3FC7]  }
0x92: {  	[smem:s5], [sflag:s4] =	dma.local [hbm:s2], $0x1  }
0x93: {  	_ =	swait.eq [sflag:s4], $0x1  }
0x94: {  	[sflag:s4] =	ssyncset.done $0x0  }
0x95: {  	s17 =	sld [smem:$0x10];
	[sflag:s4] =	ssyncadd.s32 $0xFFFFFFFF  }
0x96: {  	s18 =	sld [smem:$0x11];
	(tm) =	ssettm $0x1  }
0x97: {  	s19 =	sld [smem:$0x3FFB];
	_ =	sdelay $0x3  }
0x98: {  	_ =	strace s19  }
0x99: {  	s5 =	sld [smem:$0x3FFC];
	_ =	sdelay $0x3  }
0x9a: {  	_ =	strace s5  }
0x9b: {  	s5 =	sld [smem:$0x3FFD];
	_ =	sdelay $0x3  }
0x9c: {  	_ =	strace s5  }
0x9d: {  	_ =	strace $0x8FFFFFFF  }
0x9e: {  	s20 =	sld [smem:$0x3FDB];
	_ =	sdelay $0x1  }
0x9f: {  	s6 =	simm.s32 $_scs_section_size  }
0xa0: {  	s7 =	simm.s32 $_size__tile_overlayer_lowered;
	s8 =	simm.s32 $_tile_overlayer_lowered  }
0xa1: {  	s23 =	simm.s32 $0x1BFF;
	s22 =	sshll.u32 s8, $0x1;
	s5 =	sadd.s32 s6, s20  }
0xa2: {  	s9 =	simm.s32 $0x0;
	s21 =	sshll.u32 s7, $0x1;
	s7 =	sadd.s32 s22, s5  }
0xa3: {  	[timem:s9], [sflag:s23] =	dma.local [hbm:s7], s21  }
0xa4: {  	_ =	swait.ge [sflag:s23], s21  }
0xa5: {  	s6 =	ssub.s32 $0x0, s21;
	[sflag:s23] =	ssyncset.done $0x0  }
0xa6: {  	[sflag:s23] =	ssyncadd.s32 s6;
	_ =	sdelay $0x1  }
0xa7: {  	s24 =	simm.s32 $0x1B8B  }
0xa8: {  	_ =	swait.ge [sflag:s24], $0x1  }
0xa9: {  	[sflag:s24] =	ssyncset.done $0x0  }
0xaa: {  	s25 =	simm.s32 $0x1B8E;
	[sflag:s24] =	ssyncadd.s32 $0xFFFFFFFF  }
0xab: {  	s26 =	simm.s32 $execute0_lowered;
	[smem:$0x3FD2] =	sst s25  }
0xac: {  	s6 =	sshll.u32 s26, $0x1;
	_ =	strace $0x80000046;
	[dreg:$0x1] =	wrdreg $0xFFFFFFFF  }
0xad: {  	s28 =	simm.s32 $_size_execute0_lowered;
	s5 =	sadd.s32 s5, s6;
	[dreg:$0x0] =	wrdreg $0x0  }
0xae: {  	s6 =	sshll.u32 s28, $0x1;
	[dreg:$0x2] =	wrdreg s5  }
0xaf: {  	[dreg:$0x3] =	wrdreg s6  }
0xb0: {  	[dreg:$0x4] =	wrdreg $0xC0  }
0xb1: {  	_ =	task [dreg:s9], $0x5FFFF  }
0xb2: {  	[dreg:$0x1] =	wrdreg $0xFFFFFFFF  }
0xb3: {  	[dreg:$0x0] =	wrdreg $0x60  }
0xb4: {  	[dreg:$0x2] =	wrdreg s16  }
0xb5: {  	[dreg:$0x3] =	wrdreg s17  }
0xb6: {  	[dreg:$0x4] =	wrdreg s18  }
0xb7: {  	[dreg:$0x5] =	wrdreg $0xA  }
0xb8: {  	_ =	task.clear_ibuf [dreg:s9], $0x6FFFF;
	_ =	strace $0x90000046  }
0xb9: {  	s29 =	simm.s32 $0xA;
	_ =	strace $0x8000004F  }
0xba: {  	_ =	swait.ge [sflag:s29], $0x1  }
0xbb: {  	[sflag:s29] =	ssyncadd.s32 $0xFFFFFFFF  }
0xbc: {  	_ =	strace $0x9000004F  }
0xbd: {  	_ =	sfence  }
0xbe: {  	s30 =	sld [smem:$0x0];
	_ =	sdelay $0x2  }
0xbf: {  	s31 =	sshll.u32 s1, $0xD;
	s1 =	sshrl.u32 s1, $0x2  }
0xc0: {  	s3 =	sand.u32 $0x4000, s31;
	s1 =	sadd.s32 s1, s30  }
0xc1: {  	s0 =	sor.u32 s3, s0;
	s1 =	sshll.u32 s1, $0x11  }
0xc2: {  	s0 =	sor.u32 s1, s0  }
0xc3: {  	s0 =	sadd.s32 $0x8F2B, s0  }
0xc4: {  	[sflag:s0] =	ssyncadd.remote.s32 $0x1  }
0xc5: {  	_ =	sfence.sel $0xFFFF  }
0xc6: {  	[dreg:$0x0] =	wrdreg $0xFFFFFFFF;
	(pc) =	sbr.abs _section_cstart, $3  }
0xc7: {  	[dreg:$0x1] =	wrdreg $0xFFFFFFFF  }
0xc8: {  	_ =	task.clear_ibuf [dreg:s9], $0x2FFFF;
	_ =	strace $0x9FFFFFFF  }
0xc9: {  	(tm) =	ssettm $0x7FFFFFFF  }
tec
execute0_lowered:
.L_overlay_start_1:
0x0: {  	(tag) =	ssettag $0x1  }
0x1: {  	s1 =	rddreg [dreg:$0x0]  }
0x2: {  	s2 =	rddreg [dreg:$0x1]  }
0x3: {  	s3 =	rddreg [dreg:$0x2]  }
0x4: {  	s4 =	srdreg.scid;
	s0 =	rddreg [dreg:$0x3];
	s5 =	simm.s32 $0x0  }
0x5: {  	s12 =	simm.s32 $0x0;
	s7 =	sand.u32 $0x1, s4;
	[smem:$0x7FF] =	sst s5  }
0x6: {  	s4 =	stileid.u32;
	s6 =	sshll.u32 s7, $0x4;
	_ =	strace $0x80000047  }
0x7: {  	s9 =	ssub.s32 $0x2, s7;
	s7 =	simm.s32 $0x2;
	s6 =	sor.u32 s4, s6  }
0x8: {  	p0 =	slt.u32 s6, $0x4;
	s8 =	sshll.u32 s6, $0x1;
	s6 =	sadd.s32 $0x4, s6  }
0x9: {  	v2 =	vlaneseq.u32;
	s31 =	sshrl.u32 s9, $0x1;
	s6 =	smov.u32 @p0 s8;
	s7 =	simm.s32 @!p0 $0x1  }
0xa: {  	vm0 =	vmmov $0xffff;
	v1 =	vshrl.u32 v2, $0x3;
	s11 =	ssub.s32 s9, s31;
	s10 =	sshll.u32 s6, $0x4;
	s9 =	sadd.s32 $0xFFFFFFFF, s7  }
0xb: {  	v0 =	vand.u32 $0x7, v2;
	v2 =	vor.u32 $0x8, v2;
	v1 =	vmul.u32 $0x8, v1;
	s8 =	sadd.s32 s2, s10;
	s10 =	smax.u32 s11, $0x1;
	s11 =	simm.s32 $0x5  }
.LBB2_1:
0xc: {  	_ =	strace $0x80000048;
	s19 =	simm.s32 $0x0  }
0xd: {  	s13 =	simm.s32 $0x0;
	s14 =	simm.s32 $0x0;
	s15 =	simm.s32 $0x0  }
0xe: {  	[tilespmem:s5], [sflag:$0x1] =	stream.linear.gather [hbm4b:s8+s5], $0x80, $0x200038;
	[tilespmem:$0x10100] =	vst v63  }
0xf: {  	s16 =	simm.s32 $0x1;
	s17 =	simm.s32 $0x0;
	_ =	strace $0x90000048  }
.LBB2_2:
0x10: {  	s18 =	sadd.s32 $0x1, s19  }
0x11: {  	p0 =	seq.s32 s18, s7  }
0x12: {  	s18 =	simm.s32 @p0 $0x0  }
0x13: {  	p3 =	slt.s32 s17, s9;
	p1 =	sne.s32 s19, s18  }
0x14: {  	p0 =	por !p3, !p1  }
0x15: {  	p0 =	por !p0, !p0  }
0x16: {  	s20 =	sadd.s32 @p0 s6, s18  }
0x17: {  	s21 =	sand.u32 @p0 $0x1, s16;
	s20 =	sshll.u32 @p0 s20, $0x4  }
0x18: {  	_ =	strace @p0 $0x80000049;
	s23 =	simm.s32 @p0 $0x0;
	s20 =	sand.u32 @p0 $0x1FFFFFF0, s20  }
0x19: {  	s22 =	sshll.u32 @p0 s21, $0x7;
	s21 =	sadd.s32 @p0 $0x1, s21;
	s20 =	sadd.s32 @p0 s2, s20  }
0x1a: {  	[tilespmem:s22], [sflag:s21] =	stream.linear.gather @p0 [hbm4b:s20+s23], $0x80, $0x200038;
	[tilespmem:$0x10100] =	vst v63  }
0x1b: {  	p2 =	seq.s32 s17, $0x0;
	s20 =	sor.u32 s9, s19  }
0x1c: {  	p3 =	seq.s32 @!p2 s20, $0x0  }
0x1d: {  	p2 =	por p2, !p3  }
0x1e: {  	_ =	strace @p0 $0x90000049;
	s21 =	sand.u32 @p2 $0x1, s15  }
0x1f: {  	_ =	strace @p2 $0x8000004A;
	s21 =	sadd.s32 @p2 $0x1, s21  }
0x20: {  	_ =	swait.ge @p2 [sflag:s21], $0x80  }
0x21: {  	[sflag:s21] =	ssyncset.done @p2 $0x0  }
0x22: {  	[sflag:s21] =	ssyncadd.s32 @p2 $0xFFFFFF80  }
0x23: {  	s28 =	sshll.u32 s15, $0x7;
	_ =	strace @p2 $0x9000004A  }
0x24: {  	s24 =	sand.u32 $0x80, s28;
	_ =	strace $0x8000004B  }
0x25: {  	v3 =	vld [tilespmem:s24+$0x0];
	_ =	sdelay $0x4  }
0x26: {  	v4 =	vshll.u32 v3, $0x1  }
0x27: {  	v3 =	vand.u32 $0x7, v3;
	v4 =	vand.u32 $0xFFFFFFF0, v4  }
0x28: {  	v3 =	vor.u32 v3, v4  }
0x29: {  	v4 =	vperm.xlane v3, v0;
	_ =	sdelay $0x1  }
0x2a: {  	v3 =	vperm.xlane v3, v2;
	v4 =	vadd.s32 v1, v4;
	_ =	sdelay $0x1  }
0x2b: {  	s21 =	sand.u32 $0x1, s14;
	v3 =	vadd.s32 v1, v3  }
0x2c: {  	s23 =	sshll.u32 s21, $0xF  }
0x2d: {  	s22 =	sor.u32 $0x100, s23  }
0x2e: {  	[tilespmem:s22], [sflag:$0x5] =	stream.indirect_vreg.gather [hbm4b:s1+s5], $0x80, v4, vm0, $0x2000b8;
	[tilespmem:$0x10100] =	vst v63  }
0x2f: {  	s25 =	sor.u32 $0x900, s23  }
0x30: {  	[tilespmem:s25], [sflag:$0x5] =	stream.indirect_vreg.gather [hbm4b:s1+s5], $0x80, v3, vm0, $0x2000b8;
	[tilespmem:$0x10100] =	vst v63  }
0x31: {  	v3 =	vld [tilespmem:s24+$0x10];
	_ =	sdelay $0x4  }
0x32: {  	v57 =	vshll.u32 v3, $0x1  }
0x33: {  	v3 =	vand.u32 $0x7, v3;
	v4 =	vand.u32 $0xFFFFFFF0, v57  }
0x34: {  	v3 =	vor.u32 v3, v4  }
0x35: {  	v4 =	vperm.xlane v3, v0;
	_ =	sdelay $0x1  }
0x36: {  	v3 =	vperm.xlane v3, v2;
	v4 =	vadd.s32 v1, v4;
	_ =	sdelay $0x1  }
0x37: {  	v3 =	vadd.s32 v1, v3;
	_ =	sdelay $0x1  }
0x38: {  	s29 =	sor.u32 $0x1100, s23  }
0x39: {  	[tilespmem:s29], [sflag:$0x5] =	stream.indirect_vreg.gather [hbm4b:s1+s5], $0x80, v4, vm0, $0x2000b8;
	[tilespmem:$0x10100] =	vst v63  }
0x3a: {  	s30 =	sor.u32 $0x1900, s23  }
0x3b: {  	[tilespmem:s30], [sflag:$0x5] =	stream.indirect_vreg.gather [hbm4b:s1+s5], $0x80, v3, vm0, $0x2000b8;
	[tilespmem:$0x10100] =	vst v63  }
0x3c: {  	v3 =	vld [tilespmem:s24+$0x20];
	_ =	sdelay $0x4  }
0x3d: {  	v58 =	vshll.u32 v3, $0x1  }
0x3e: {  	v3 =	vand.u32 $0x7, v3;
	v4 =	vand.u32 $0xFFFFFFF0, v58  }
0x3f: {  	v3 =	vor.u32 v3, v4  }
0x40: {  	v4 =	vperm.xlane v3, v0;
	_ =	sdelay $0x1  }
0x41: {  	v3 =	vperm.xlane v3, v2;
	v4 =	vadd.s32 v1, v4;
	_ =	sdelay $0x1  }
0x42: {  	v3 =	vadd.s32 v1, v3;
	_ =	sdelay $0x1  }
0x43: {  	s31 =	sor.u32 $0x2100, s23  }
0x44: {  	[tilespmem:s31], [sflag:$0x5] =	stream.indirect_vreg.gather [hbm4b:s1+s5], $0x80, v4, vm0, $0x2000b8;
	[tilespmem:$0x10100] =	vst v63  }
0x45: {  	s26 =	sor.u32 $0x2900, s23  }
0x46: {  	[tilespmem:s26], [sflag:$0x5] =	stream.indirect_vreg.gather [hbm4b:s1+s5], $0x80, v3, vm0, $0x2000b8;
	[tilespmem:$0x10100] =	vst v63  }
0x47: {  	v3 =	vld [tilespmem:s24+$0x30];
	_ =	sdelay $0x4  }
0x48: {  	v59 =	vshll.u32 v3, $0x1  }
0x49: {  	v3 =	vand.u32 $0x7, v3;
	v4 =	vand.u32 $0xFFFFFFF0, v59  }
0x4a: {  	v3 =	vor.u32 v3, v4  }
0x4b: {  	v4 =	vperm.xlane v3, v0;
	_ =	sdelay $0x1  }
0x4c: {  	v3 =	vperm.xlane v3, v2;
	v4 =	vadd.s32 v1, v4;
	_ =	sdelay $0x1  }
0x4d: {  	v3 =	vadd.s32 v1, v3;
	_ =	sdelay $0x1  }
0x4e: {  	s28 =	sor.u32 $0x3100, s23  }
0x4f: {  	[tilespmem:s28], [sflag:$0x5] =	stream.indirect_vreg.gather [hbm4b:s1+s5], $0x80, v4, vm0, $0x2000b8;
	[tilespmem:$0x10100] =	vst v63  }
0x50: {  	s29 =	sor.u32 $0x3900, s23  }
0x51: {  	[tilespmem:s29], [sflag:$0x5] =	stream.indirect_vreg.gather [hbm4b:s1+s5], $0x80, v3, vm0, $0x2000b8;
	[tilespmem:$0x10100] =	vst v63  }
0x52: {  	v3 =	vld [tilespmem:s24+$0x40];
	_ =	sdelay $0x4  }
0x53: {  	v60 =	vshll.u32 v3, $0x1  }
0x54: {  	v3 =	vand.u32 $0x7, v3;
	v4 =	vand.u32 $0xFFFFFFF0, v60  }
0x55: {  	v3 =	vor.u32 v3, v4  }
0x56: {  	v4 =	vperm.xlane v3, v0;
	_ =	sdelay $0x1  }
0x57: {  	v3 =	vperm.xlane v3, v2;
	v4 =	vadd.s32 v1, v4;
	_ =	sdelay $0x1  }
0x58: {  	v3 =	vadd.s32 v1, v3;
	_ =	sdelay $0x1  }
0x59: {  	s30 =	sor.u32 $0x4100, s23  }
0x5a: {  	[tilespmem:s30], [sflag:$0x5] =	stream.indirect_vreg.gather [hbm4b:s1+s5], $0x80, v4, vm0, $0x2000b8;
	[tilespmem:$0x10100] =	vst v63  }
0x5b: {  	s31 =	sor.u32 $0x4900, s23  }
0x5c: {  	[tilespmem:s31], [sflag:$0x5] =	stream.indirect_vreg.gather [hbm4b:s1+s5], $0x80, v3, vm0, $0x2000b8;
	[tilespmem:$0x10100] =	vst v63  }
0x5d: {  	v3 =	vld [tilespmem:s24+$0x50];
	_ =	sdelay $0x4  }
0x5e: {  	v61 =	vshll.u32 v3, $0x1  }
0x5f: {  	v3 =	vand.u32 $0x7, v3;
	v4 =	vand.u32 $0xFFFFFFF0, v61  }
0x60: {  	v3 =	vor.u32 v3, v4  }
0x61: {  	v4 =	vperm.xlane v3, v0;
	_ =	sdelay $0x1  }
0x62: {  	v3 =	vperm.xlane v3, v2;
	v4 =	vadd.s32 v1, v4;
	_ =	sdelay $0x1  }
0x63: {  	v3 =	vadd.s32 v1, v3;
	_ =	sdelay $0x1  }
0x64: {  	s26 =	sor.u32 $0x5100, s23  }
0x65: {  	[tilespmem:s26], [sflag:$0x5] =	stream.indirect_vreg.gather [hbm4b:s1+s5], $0x80, v4, vm0, $0x2000b8;
	[tilespmem:$0x10100] =	vst v63  }
0x66: {  	s28 =	sor.u32 $0x5900, s23  }
0x67: {  	[tilespmem:s28], [sflag:$0x5] =	stream.indirect_vreg.gather [hbm4b:s1+s5], $0x80, v3, vm0, $0x2000b8;
	[tilespmem:$0x10100] =	vst v63  }
0x68: {  	v3 =	vld [tilespmem:s24+$0x60];
	_ =	sdelay $0x4  }
0x69: {  	v62 =	vshll.u32 v3, $0x1  }
0x6a: {  	v3 =	vand.u32 $0x7, v3;
	v4 =	vand.u32 $0xFFFFFFF0, v62  }
0x6b: {  	v3 =	vor.u32 v3, v4  }
0x6c: {  	v4 =	vperm.xlane v3, v0;
	_ =	sdelay $0x1  }
0x6d: {  	v3 =	vperm.xlane v3, v2;
	v4 =	vadd.s32 v1, v4;
	_ =	sdelay $0x1  }
0x6e: {  	v3 =	vadd.s32 v1, v3;
	_ =	sdelay $0x1  }
0x6f: {  	s29 =	sor.u32 $0x6100, s23  }
0x70: {  	[tilespmem:s29], [sflag:$0x5] =	stream.indirect_vreg.gather [hbm4b:s1+s5], $0x80, v4, vm0, $0x2000b8;
	[tilespmem:$0x10100] =	vst v63  }
0x71: {  	s30 =	sor.u32 $0x6900, s23  }
0x72: {  	[tilespmem:s30], [sflag:$0x5] =	stream.indirect_vreg.gather [hbm4b:s1+s5], $0x80, v3, vm0, $0x2000b8;
	[tilespmem:$0x10100] =	vst v63  }
0x73: {  	v3 =	vld [tilespmem:s24+$0x70];
	_ =	sdelay $0x4  }
0x74: {  	v63 =	vshll.u32 v3, $0x1  }
0x75: {  	v3 =	vand.u32 $0x7, v3;
	v4 =	vand.u32 $0xFFFFFFF0, v63  }
0x76: {  	v3 =	vor.u32 v3, v4  }
0x77: {  	v4 =	vperm.xlane v3, v0;
	_ =	sdelay $0x1  }
0x78: {  	v3 =	vperm.xlane v3, v2;
	v4 =	vadd.s32 v1, v4;
	_ =	sdelay $0x1  }
0x79: {  	v3 =	vadd.s32 v1, v3;
	_ =	sdelay $0x1  }
0x7a: {  	p4 =	seq.s32 s9, s17;
	p6 =	sne.s32 s17, $0x0;
	s31 =	sor.u32 $0x7100, s23  }
0x7b: {  	[tilespmem:s31], [sflag:$0x5] =	stream.indirect_vreg.gather [hbm4b:s1+s5], $0x80, v4, vm0, $0x2000b8;
	[tilespmem:$0x10100] =	vst v63  }
0x7c: {  	p1 =	por p4, p1;
	s19 =	sadd.s32 s6, s19;
	s23 =	sor.u32 $0x7900, s23  }
0x7d: {  	[tilespmem:s23], [sflag:$0x5] =	stream.indirect_vreg.gather [hbm4b:s1+s5], $0x80, v3, vm0, $0x2000b8;
	[tilespmem:$0x10100] =	vst v63  }
0x7e: {  	p5 =	sne.s32 s20, $0x0;
	s19 =	sshll.u32 @p1 s19, $0xC;
	_ =	swait.ge [sflag:s11], $0x8000  }
0x7f: {  	s20 =	simm.s32 $0x1;
	s19 =	sand.u32 @p1 $0x1FFFF000, s19;
	[sflag:s11] =	ssyncset.done $0x0  }
0x80: {  	s20 =	simm.s32 @!p0 $0x0;
	s19 =	sadd.s32 @p1 s3, s19;
	[sflag:s11] =	ssyncadd.s32 $0xFFFF8000  }
0x81: {  	p2 =	por !p6, !p5;
	s21 =	sadd.s32 @p1 $0x3, s21;
	_ =	strace $0x9000004B  }
0x82: {  	p0 =	por !p2, !p2;
	s23 =	simm.s32 @p1 $0x0;
	_ =	strace @p1 $0x8000004C  }
0x83: {  	[hbm4b:s19+s23] =	stream.linear.scatter @p1 [tilespmem:s22], [sflag:s21], $0x8000, $0x200038;
	[tilespmem:$0x10100] =	vst v63  }
0x84: {  	s17 =	sadd.s32 $0x1, s17;
	s19 =	simm.s32 $0x1;
	s21 =	sand.u32 @p0 $0x1, s13  }
0x85: {  	_ =	strace @p1 $0x9000004C;
	s19 =	simm.s32 @!p1 $0x0;
	p1 =	sne.s32 s7, s17  }
.Ltmp0:
0x86: {  	s21 =	sadd.s32 @p0 $0x3, s21;
	_ =	strace @p0 $0x8000004D;
	(pc) =	sbr.rel @p1 .LBB2_2-.Ltmp0, $4  }
0x87: {  	s16 =	sadd.s32 s20, s16;
	s20 =	simm.s32 $0x1;
	_ =	swait.ge @p0 [sflag:s21], $0x8000  }
0x88: {  	s20 =	simm.s32 @!p0 $0x0;
	[sflag:s21] =	ssyncset.done @p0 $0x0  }
0x89: {  	s13 =	sadd.s32 s20, s13;
	s14 =	sadd.s32 s19, s14;
	[sflag:s21] =	ssyncadd.s32 @p0 $0xFFFF8000  }
0x8a: {  	s15 =	sadd.s32 s19, s15;
	s19 =	smov.u32 s18;
	_ =	strace @p0 $0x9000004D  }
0x8b: {  	s12 =	sadd.s32 $0x1, s12  }
0x8c: {  	s13 =	sand.u32 $0x1, s13;
	p0 =	sne.s32 s12, s10  }
.Ltmp1:
0x8d: {  	_ =	strace $0x8000004E;
	s13 =	sadd.s32 $0x3, s13;
	(pc) =	sbr.rel @p0 .LBB2_1-.Ltmp1, $4  }
0x8e: {  	_ =	swait.ge [sflag:s13], $0x8000  }
0x8f: {  	[sflag:s13] =	ssyncset.done $0x0  }
0x90: {  	[sflag:s13] =	ssyncadd.s32 $0xFFFF8000  }
0x91: {  	_ =	strace $0x9000004E  }
0x92: {  	_ =	sfence.sel $0x180000  }
0x93: {  	[bflag:$0x0] =	sbarrier.arrive $0xFFFF  }
0x94: {  	p0 =	sne.s32 s4, $0x0;
	_ =	strace $0x90000047  }
0x95: {  	s0 =	sadd.s32 @!p0 $0x100000, s0;
	[bflag:$0x2] =	sbarrier.arrive $0xFFFF  }
0x96: {  	[sflag:s0] =	ssyncadd.tile.s32 @!p0 $0x1;
	_ =	shalt  }
.Lfunc_end2:
_tile_overlayer_lowered:
.L_overlay_start_2:
0x97: {  	(tag) =	ssettag $0x2  }
0x98: {  	s0 =	rddreg [dreg:$0x0];
	s2 =	stileid.u32  }
0x99: {  	s1 =	rddreg [dreg:$0x1];
	p0 =	sne.s32 s2, $0x0  }
0x9a: {  	s3 =	rddreg [dreg:$0x2];
	[bflag:$0x3] =	sbarrier.arrive $0xFFFF;
	s2 =	simm.s32 @!p0 $0x1C01  }
0x9b: {  	[timem:s3], [sflag:s2] =	dma.local @!p0 [hbm:s0], s1  }
0x9c: {  	s0 =	simm.s32 @!p0 $0x1  }
0x9d: {  	_ =	swait.ge @!p0 [sflag:s0], s1  }
0x9e: {  	s1 =	ssub.s32 @!p0 $0x0, s1;
	[sflag:s0] =	ssyncset.done @!p0 $0x0  }
0x9f: {  	[sflag:s0] =	ssyncadd.s32 @!p0 s1  }
0xa0: {  	[bflag:$0x3] =	sbarrier.arrive $0xFFFF  }
0xa1: {  	_ =	shalt  }

// kernel: kernel.7.cloned.1.call-start
scs
__scs_entry_jumppad:
0x0: {  	(pc) =	sbr.rel $0x88, $3  }
0x1: {  	(tag) =	ssettag $0x0;
	lr =	simm.s32 $0x1  }
0x2: {  	[smem:$0x3F9E] =	sst lr;
	_ =	strace $0xD0000000  }
0x3: {  	_ = 	snop  }
0x4: {  	_ = 	snop  }
0x5: {  	_ = 	snop  }
0x6: {  	_ = 	snop  }
0x7: {  	_ = 	snop  }
__scs_overlays_trampoline_lowered:
0x8: {  	[smem:$0x3FAD] =	sst s0  }
0x9: {  	[smem:$0x3FAE] =	sst s1  }
0xa: {  	[smem:$0x3FAF] =	sst s2  }
0xb: {  	[smem:$0x3FB0] =	sst s3  }
0xc: {  	[smem:$0x3FB1] =	sst s4  }
0xd: {  	[smem:$0x3FB2] =	sst s5  }
0xe: {  	[smem:$0x3FB3] =	sst s6  }
0xf: {  	[smem:$0x3FB4] =	sst s7  }
0x10: {  	[smem:$0x3FB5] =	sst s8  }
0x11: {  	[smem:$0x3FB6] =	sst s9;
	s0 =	simm.s32 @!p0 $0x0  }
0x12: {  	s1 =	sld [smem:$0x3F9C];
	s0 =	simm.s32 @p0 $0x1  }
0x13: {  	[smem:$0x3FB7] =	sst s0;
	s0 =	simm.s32 @!p1 $0x0  }
0x14: {  	s2 =	sld [smem:$0x3F9B];
	s0 =	simm.s32 @p1 $0x1  }
0x15: {  	[smem:$0x3FB8] =	sst s0;
	s0 =	simm.s32 @!p2 $0x0  }
0x16: {  	s3 =	sld [smem:$0x3FDB];
	s0 =	simm.s32 @p2 $0x1  }
0x17: {  	s4 =	simm.s32 $0x1BF5;
	[smem:$0x3FBA] =	sst s0  }
0x18: {  	s0 =	sld [smem:$0x3F9D];
	_ =	swait.ge [sflag:s4], $0x0  }
0x19: {  	s7 =	sld [smem:$0x3F9E]  }
0x1a: {  	s8 =	sadd.s32 $0xFFFFE003, lr  }
0x1b: {  	s9 =	sadd.s32 $0xFFFFFEF7, lr;
	s5 =	simm.s32 $0xFFFFFFFF;
	p2 =	slt.u32 s8, $0xFFFFF086  }
0x1c: {  	p1 =	slt.u32 s9, $0xF7A;
	s5 =	simm.s32 @!p2 $0x0  }
0x1d: {  	s5 =	simm.s32 @p1 $0x1;
	p0 =	seq.s32 s7, s2  }
0x1e: {  	s7 =	smul.u32 @!p0 $0xF7A, s2;
	p2 =	seq.s32 @!p0 s5, $0x0  }
0x1f: {  	s9 =	smul.u32 $0xF7A, s1;
	s8 =	simm.s32 @!p0 $0x1BF5;
	p2 =	por !p2, p0  }
0x20: {  	[sflag:s8] =	ssyncset.s32 @!p0 $0xFFFFF086;
	s6 =	sadd.s32 @!p0 s3, s7;
	s7 =	simm.s32 @!p0 $0x108  }
0x21: {  	s3 =	sadd.s32 s3, s9;
	s6 =	sadd.s32 @!p0 $0x88, s6;
	s7 =	simm.s32 @p2 $0x1082  }
0x22: {  	[simem:s7], [sflag:s8] =	dma.local @!p0 [hbm:s6], $0xF7A  }
0x23: {  	s9 =	sor.u32 $0xD0000000, s2;
	s6 =	simm.s32 $0x108;
	_ =	swait.ge @!p0 [sflag:s8], $0x0  }
0x24: {  	s3 =	sadd.s32 $0x88, s3;
	s6 =	simm.s32 @!p1 $0x1082;
	[sflag:s4] =	ssyncset.s32 $0xFFFFF086  }
0x25: {  	[simem:s6], [sflag:s4] =	dma.local [hbm:s3], $0xF7A  }
0x26: {  	[smem:$0x3F9E] =	sst s1;
	(tag) =	ssettag s2;
	_ =	strace s9  }
0x27: {  	s1 =	sld [smem:$0x3FAE]  }
0x28: {  	s2 =	sld [smem:$0x3FAF]  }
0x29: {  	s4 =	sld [smem:$0x3FB1]  }
0x2a: {  	p0 =	seq.s32 s5, $0x0;
	s5 =	sld [smem:$0x3FB2]  }
0x2b: {  	s6 =	sld [smem:$0x3FB3]  }
0x2c: {  	s7 =	sld [smem:$0x3FB4]  }
0x2d: {  	s3 =	simm.s32 $0x108;
	s8 =	sld [smem:$0x3FB5]  }
0x2e: {  	s3 =	simm.s32 @!p0 $0x1082;
	s9 =	sld [smem:$0x3FB6]  }
0x2f: {  	lr =	sadd.s32 s0, s3;
	s0 =	sld [smem:$0x3FAD]  }
0x30: {  	s3 =	sld [smem:$0x3FB0]  }
0x31: {  	[smem:$0x3FB9] =	sst s10  }
0x32: {  	s10 =	sld [smem:$0x3FB7];
	_ =	sdelay $0x3  }
0x33: {  	p0 =	seq.s32 s10, $0x1;
	s10 =	sld [smem:$0x3FB9];
	_ =	sdelay $0x3  }
0x34: {  	[smem:$0x3FB9] =	sst s10  }
0x35: {  	s10 =	sld [smem:$0x3FB8];
	_ =	sdelay $0x3  }
0x36: {  	p1 =	seq.s32 s10, $0x1;
	s10 =	sld [smem:$0x3FB9];
	_ =	sdelay $0x3  }
0x37: {  	[smem:$0x3FB9] =	sst s10  }
0x38: {  	s10 =	sld [smem:$0x3FBA]  }
0x39: {  	_ = 	snop;
	(pc) =	sbr.ind lr, $3  }
0x3a: {  	_ = 	snop  }
0x3b: {  	_ = 	snop  }
0x3c: {  	p2 =	seq.s32 s10, $0x1;
	s10 =	sld [smem:$0x3FB9]  }
0x3d: {  	_ =	shalt  }
0x3e: {  	_ =	shalt  }
0x3f: {  	_ =	shalt  }
0x40: {  	_ =	shalt  }
0x41: {  	_ =	shalt  }
0x42: {  	_ =	shalt  }
0x43: {  	_ =	shalt  }
0x44: {  	_ =	shalt  }
0x45: {  	_ =	shalt  }
0x46: {  	_ =	shalt  }
0x47: {  	_ =	shalt  }
0x48: {  	_ =	shalt  }
0x49: {  	_ =	shalt  }
0x4a: {  	_ =	shalt  }
0x4b: {  	_ =	shalt  }
0x4c: {  	_ =	shalt  }
0x4d: {  	_ =	shalt  }
0x4e: {  	_ =	shalt  }
0x4f: {  	_ =	shalt  }
0x50: {  	_ =	shalt  }
0x51: {  	_ =	shalt  }
0x52: {  	_ =	shalt  }
0x53: {  	_ =	shalt  }
0x54: {  	_ =	shalt  }
0x55: {  	_ =	shalt  }
0x56: {  	_ =	shalt  }
0x57: {  	_ =	shalt  }
0x58: {  	_ =	shalt  }
0x59: {  	_ =	shalt  }
0x5a: {  	_ =	shalt  }
0x5b: {  	_ =	shalt  }
0x5c: {  	_ =	shalt  }
0x5d: {  	_ =	shalt  }
0x5e: {  	_ =	shalt  }
0x5f: {  	_ =	shalt  }
0x60: {  	_ =	shalt  }
0x61: {  	_ =	shalt  }
0x62: {  	_ =	shalt  }
0x63: {  	_ =	shalt  }
0x64: {  	_ =	shalt  }
0x65: {  	_ =	shalt  }
0x66: {  	_ =	shalt  }
0x67: {  	_ =	shalt  }
0x68: {  	_ =	shalt  }
0x69: {  	_ =	shalt  }
0x6a: {  	_ =	shalt  }
0x6b: {  	_ =	shalt  }
0x6c: {  	_ =	shalt  }
0x6d: {  	_ =	shalt  }
0x6e: {  	_ =	shalt  }
0x6f: {  	_ =	shalt  }
0x70: {  	_ =	shalt  }
0x71: {  	_ =	shalt  }
0x72: {  	_ =	shalt  }
0x73: {  	_ =	shalt  }
0x74: {  	_ =	shalt  }
0x75: {  	_ =	shalt  }
0x76: {  	_ =	shalt  }
0x77: {  	_ =	shalt  }
0x78: {  	_ =	shalt  }
0x79: {  	_ =	shalt  }
0x7a: {  	_ =	shalt  }
0x7b: {  	_ =	shalt  }
0x7c: {  	_ =	shalt  }
0x7d: {  	_ =	shalt  }
0x7e: {  	_ =	shalt  }
0x7f: {  	_ =	shalt  }
0x80: {  	_ =	shalt  }
0x81: {  	_ =	shalt  }
0x82: {  	_ =	shalt  }
0x83: {  	_ =	shalt  }
0x84: {  	_ =	shalt  }
0x85: {  	_ =	shalt  }
0x86: {  	_ =	shalt  }
0x87: {  	_ =	shalt  }
.Lfunc_end0:
.L_simem_size_0:
called_computation_lowered:
.L_overlay_start_0:
0x88: {  	s2 =	sld [smem:$0x3FD9]  }
0x89: {  	s3 =	sld [smem:$0x3FFE];
	_ =	sdelay $0x1  }
0x8a: {  	s1 =	srdreg.scid  }
0x8b: {  	s0 =	sand.u32 $0x1, s1  }
0x8c: {  	s15 =	sshll.u32 s0, $0xA;
	s2 =	sadd.s32 s3, s2  }
0x8d: {  	s2 =	sadd.s32 s2, s15  }
0x8e: {  	[smem:$0x3FC5] =	sst s2  }
0x8f: {  	_ = 	snop  }
0x90: {  	s16 =	sld [smem:$0x3FD0];
	_ =	sdelay $0x2  }
0x91: {  	s4 =	simm.s32 $0xB;
	s5 =	simm.s32 $0x10;
	s2 =	sld [smem:$0x3FC7]  }
0x92: {  	[smem:s5], [sflag:s4] =	dma.local [hbm:s16], $0x1  }
0x93: {  	_ =	swait.eq [sflag:s4], $0x1  }
0x94: {  	[sflag:s4] =	ssyncset.done $0x0  }
0x95: {  	[sflag:s4] =	ssyncadd.s32 $0xFFFFFFFF  }
0x96: {  	s17 =	sld [smem:$0x13];
	(tm) =	ssettm $0x1  }
0x97: {  	s18 =	sld [smem:$0x3FFB];
	_ =	sdelay $0x3  }
0x98: {  	_ =	strace s18  }
0x99: {  	s3 =	sld [smem:$0x3FFC];
	_ =	sdelay $0x3  }
0x9a: {  	_ =	strace s3  }
0x9b: {  	s3 =	sld [smem:$0x3FFD];
	_ =	sdelay $0x3  }
0x9c: {  	_ =	strace s3  }
0x9d: {  	_ =	strace $0x8FFFFFFF  }
0x9e: {  	s19 =	sld [smem:$0x3FDB];
	_ =	sdelay $0x1  }
0x9f: {  	s20 =	simm.s32 $_scs_section_size  }
0xa0: {  	s6 =	simm.s32 $_size__tile_overlayer_lowered;
	s7 =	simm.s32 $_tile_overlayer_lowered  }
0xa1: {  	s8 =	simm.s32 $0x1BFF;
	s21 =	sshll.u32 s7, $0x1;
	s5 =	sadd.s32 s20, s19  }
0xa2: {  	s22 =	simm.s32 $0x0;
	s6 =	sshll.u32 s6, $0x1;
	s7 =	sadd.s32 s21, s5  }
0xa3: {  	[timem:s22], [sflag:s8] =	dma.local [hbm:s7], s6  }
0xa4: {  	_ =	swait.ge [sflag:s8], s6  }
0xa5: {  	s6 =	ssub.s32 $0x0, s6;
	[sflag:s8] =	ssyncset.done $0x0  }
0xa6: {  	[sflag:s8] =	ssyncadd.s32 s6;
	_ =	sdelay $0x1  }
0xa7: {  	s23 =	simm.s32 $0x1B8B  }
0xa8: {  	_ =	swait.ge [sflag:s23], $0x1  }
0xa9: {  	[sflag:s23] =	ssyncset.done $0x0  }
0xaa: {  	[sflag:s23] =	ssyncadd.s32 $0xFFFFFFFF  }
0xab: {  	s6 =	sld [smem:$0x0]  }
0xac: {  	s7 =	sand.u32 $0xFFFFFFFE, s1  }
0xad: {  	p0 =	sne.s32 s1, s7  }
0xae: {  	s7 =	sshll.u32 @p0 s7, $0xE  }
0xaf: {  	s7 =	sadd.s32 @p0 $0x11B8D, s7;
	s8 =	sshll.u32 @p0 s6, $0x11  }
0xb0: {  	s7 =	sor.u32 @p0 s8, s7  }
0xb1: {  	[sflag:s7] =	ssyncadd.remote.s32 @p0 $0x1;
	_ =	sdelay $0x1  }
0xb2: {  	s7 =	simm.s32 @p0 $0x1B8D  }
0xb3: {  	_ =	swait.eq @p0 [sflag:s7], $0x1  }
0xb4: {  	[sflag:s7] =	ssyncadd.s32 @p0 $0xFFFFFFFF  }
0xb5: {  	s8 =	sshll.u32 @!p0 s1, $0xE  }
0xb6: {  	s8 =	sor.u32 @!p0 $0x4000, s8;
	s7 =	simm.s32 @!p0 $0x1B8D  }
0xb7: {  	s6 =	sshll.u32 @!p0 s6, $0x11;
	s8 =	sadd.s32 @!p0 $0x11B8D, s8;
	_ =	swait.eq @!p0 [sflag:s7], $0x1  }
0xb8: {  	s6 =	sor.u32 @!p0 s6, s8;
	[sflag:s7] =	ssyncadd.s32 @!p0 $0xFFFFFFFF  }
0xb9: {  	s25 =	simm.s32 $0x1B8E;
	s24 =	sld [smem:$0x3FFE];
	[sflag:s6] =	ssyncadd.remote.s32 @!p0 $0x1  }
0xba: {  	s26 =	simm.s32 $execute0_lowered;
	[smem:$0x3FD2] =	sst s25  }
0xbb: {  	s7 =	sshll.u32 s26, $0x1;
	_ =	strace $0x80000050;
	[dreg:$0x1] =	wrdreg $0xFFFFFFFF  }
0xbc: {  	s28 =	simm.s32 $_size_execute0_lowered;
	s5 =	sadd.s32 s5, s7;
	[dreg:$0x0] =	wrdreg $0x0  }
0xbd: {  	s7 =	sshll.u32 s28, $0x1;
	[dreg:$0x2] =	wrdreg s5  }
0xbe: {  	[dreg:$0x3] =	wrdreg s7  }
0xbf: {  	[dreg:$0x4] =	wrdreg $0xC0  }
0xc0: {  	_ =	task [dreg:s22], $0x5FFFF  }
0xc1: {  	[dreg:$0x1] =	wrdreg $0xFFFFFFFF  }
0xc2: {  	[dreg:$0x0] =	wrdreg $0x60  }
0xc3: {  	[dreg:$0x2] =	wrdreg s2  }
0xc4: {  	[dreg:$0x3] =	wrdreg s24  }
0xc5: {  	[dreg:$0x4] =	wrdreg s17  }
0xc6: {  	[dreg:$0x5] =	wrdreg $0x9  }
0xc7: {  	_ =	task.clear_ibuf [dreg:s22], $0x6FFFF;
	_ =	strace $0x90000050  }
0xc8: {  	s29 =	simm.s32 $0x9;
	_ =	strace $0x80000059  }
0xc9: {  	_ =	swait.ge [sflag:s29], $0x1  }
0xca: {  	[sflag:s29] =	ssyncadd.s32 $0xFFFFFFFF  }
0xcb: {  	_ =	strace $0x90000059  }
0xcc: {  	_ =	sfence  }
0xcd: {  	s30 =	sld [smem:$0x0];
	_ =	sdelay $0x2  }
0xce: {  	s31 =	sshll.u32 s1, $0xD;
	s1 =	sshrl.u32 s1, $0x2  }
0xcf: {  	s4 =	sand.u32 $0x4000, s31;
	s1 =	sadd.s32 s1, s30  }
0xd0: {  	s0 =	sor.u32 s4, s0;
	s1 =	sshll.u32 s1, $0x11  }
0xd1: {  	s0 =	sor.u32 s1, s0  }
0xd2: {  	s0 =	sadd.s32 $0x8F2B, s0  }
0xd3: {  	[sflag:s0] =	ssyncadd.remote.s32 $0x1  }
0xd4: {  	_ =	sfence.sel $0xFFFF  }
0xd5: {  	[dreg:$0x0] =	wrdreg $0xFFFFFFFF;
	(pc) =	sbr.abs _section_cstart, $3  }
0xd6: {  	[dreg:$0x1] =	wrdreg $0xFFFFFFFF  }
0xd7: {  	_ =	task.clear_ibuf [dreg:s22], $0x2FFFF;
	_ =	strace $0x9FFFFFFF  }
0xd8: {  	(tm) =	ssettm $0x7FFFFFFF  }
0xd9: {  	_ =	shalt  }
tec
execute0_lowered:
.L_overlay_start_1:
0x0: {  	(tag) =	ssettag $0x1  }
0x1: {  	s1 =	rddreg [dreg:$0x0]  }
0x2: {  	s5 =	rddreg [dreg:$0x1]  }
0x3: {  	s2 =	rddreg [dreg:$0x2];
	s3 =	srdreg.scid  }
0x4: {  	s0 =	rddreg [dreg:$0x3];
	s4 =	simm.s32 $0x0;
	s12 =	simm.s32 $0x0  }
0x5: {  	s7 =	sand.u32 $0x1, s3;
	[smem:$0x7FF] =	sst s4;
	s3 =	stileid.u32  }
0x6: {  	s5 =	sadd.s32 $0x1C00, s5;
	s6 =	sshll.u32 s7, $0x4;
	_ =	strace $0x80000051  }
0x7: {  	s9 =	ssub.s32 $0x2, s7;
	s7 =	simm.s32 $0x2;
	s6 =	sor.u32 s3, s6  }
0x8: {  	p0 =	slt.u32 s6, $0x4;
	s8 =	sshll.u32 s6, $0x1;
	s6 =	sadd.s32 $0x4, s6  }
0x9: {  	v2 =	vlaneseq.u32;
	s31 =	sshrl.u32 s9, $0x1;
	s6 =	smov.u32 @p0 s8;
	s7 =	simm.s32 @!p0 $0x1  }
0xa: {  	vm0 =	vmmov $0xffff;
	v1 =	vshrl.u32 v2, $0x3;
	s11 =	ssub.s32 s9, s31;
	s10 =	sshll.u32 s6, $0x4;
	s9 =	sadd.s32 $0xFFFFFFFF, s7  }
0xb: {  	v0 =	vand.u32 $0x7, v2;
	v2 =	vor.u32 $0x8, v2;
	v1 =	vmul.u32 $0x8, v1;
	s8 =	sadd.s32 s5, s10;
	s10 =	smax.u32 s11, $0x1;
	s11 =	simm.s32 $0x5  }
.LBB2_1:
0xc: {  	_ =	strace $0x80000052;
	s19 =	simm.s32 $0x0  }
0xd: {  	s13 =	simm.s32 $0x0;
	s14 =	simm.s32 $0x0;
	s15 =	simm.s32 $0x0  }
0xe: {  	[tilespmem:s4], [sflag:$0x1] =	stream.linear.gather [hbm4b:s8+s4], $0x80, $0x200038;
	[tilespmem:$0x10100] =	vst v63  }
0xf: {  	s16 =	simm.s32 $0x1;
	s17 =	simm.s32 $0x0;
	_ =	strace $0x90000052  }
.LBB2_2:
0x10: {  	s18 =	sadd.s32 $0x1, s19  }
0x11: {  	p0 =	seq.s32 s18, s7  }
0x12: {  	s18 =	simm.s32 @p0 $0x0  }
0x13: {  	p3 =	slt.s32 s17, s9;
	p1 =	sne.s32 s19, s18  }
0x14: {  	p0 =	por !p3, !p1  }
0x15: {  	p0 =	por !p0, !p0  }
0x16: {  	s20 =	sadd.s32 @p0 s6, s18  }
0x17: {  	s21 =	sand.u32 @p0 $0x1, s16;
	s20 =	sshll.u32 @p0 s20, $0x4  }
0x18: {  	_ =	strace @p0 $0x80000053;
	s23 =	simm.s32 @p0 $0x0;
	s20 =	sand.u32 @p0 $0x1FFFFFF0, s20  }
0x19: {  	s22 =	sshll.u32 @p0 s21, $0x7;
	s21 =	sadd.s32 @p0 $0x1, s21;
	s20 =	sadd.s32 @p0 s5, s20  }
0x1a: {  	[tilespmem:s22], [sflag:s21] =	stream.linear.gather @p0 [hbm4b:s20+s23], $0x80, $0x200038;
	[tilespmem:$0x10100] =	vst v63  }
0x1b: {  	p2 =	seq.s32 s17, $0x0;
	s20 =	sor.u32 s9, s19  }
0x1c: {  	p3 =	seq.s32 @!p2 s20, $0x0  }
0x1d: {  	p2 =	por p2, !p3  }
0x1e: {  	_ =	strace @p0 $0x90000053;
	s21 =	sand.u32 @p2 $0x1, s15  }
0x1f: {  	_ =	strace @p2 $0x80000054;
	s21 =	sadd.s32 @p2 $0x1, s21  }
0x20: {  	_ =	swait.ge @p2 [sflag:s21], $0x80  }
0x21: {  	[sflag:s21] =	ssyncset.done @p2 $0x0  }
0x22: {  	[sflag:s21] =	ssyncadd.s32 @p2 $0xFFFFFF80  }
0x23: {  	s28 =	sshll.u32 s15, $0x7;
	_ =	strace @p2 $0x90000054  }
0x24: {  	s24 =	sand.u32 $0x80, s28;
	_ =	strace $0x80000055  }
0x25: {  	v3 =	vld [tilespmem:s24+$0x0];
	_ =	sdelay $0x4  }
0x26: {  	v4 =	vshll.u32 v3, $0x1  }
0x27: {  	v3 =	vand.u32 $0x7, v3;
	v4 =	vand.u32 $0xFFFFFFF0, v4  }
0x28: {  	v3 =	vor.u32 v3, v4  }
0x29: {  	v4 =	vperm.xlane v3, v0;
	_ =	sdelay $0x1  }
0x2a: {  	v3 =	vperm.xlane v3, v2;
	v4 =	vadd.s32 v1, v4;
	_ =	sdelay $0x1  }
0x2b: {  	s21 =	sand.u32 $0x1, s14;
	v3 =	vadd.s32 v1, v3  }
0x2c: {  	s23 =	sshll.u32 s21, $0xF  }
0x2d: {  	s22 =	sor.u32 $0x100, s23  }
0x2e: {  	[tilespmem:s22], [sflag:$0x5] =	stream.indirect_vreg.gather [hbm4b:s1+s4], $0x80, v4, vm0, $0x2000b8;
	[tilespmem:$0x10100] =	vst v63  }
0x2f: {  	s25 =	sor.u32 $0x900, s23  }
0x30: {  	[tilespmem:s25], [sflag:$0x5] =	stream.indirect_vreg.gather [hbm4b:s1+s4], $0x80, v3, vm0, $0x2000b8;
	[tilespmem:$0x10100] =	vst v63  }
0x31: {  	v3 =	vld [tilespmem:s24+$0x10];
	_ =	sdelay $0x4  }
0x32: {  	v57 =	vshll.u32 v3, $0x1  }
0x33: {  	v3 =	vand.u32 $0x7, v3;
	v4 =	vand.u32 $0xFFFFFFF0, v57  }
0x34: {  	v3 =	vor.u32 v3, v4  }
0x35: {  	v4 =	vperm.xlane v3, v0;
	_ =	sdelay $0x1  }
0x36: {  	v3 =	vperm.xlane v3, v2;
	v4 =	vadd.s32 v1, v4;
	_ =	sdelay $0x1  }
0x37: {  	v3 =	vadd.s32 v1, v3;
	_ =	sdelay $0x1  }
0x38: {  	s29 =	sor.u32 $0x1100, s23  }
0x39: {  	[tilespmem:s29], [sflag:$0x5] =	stream.indirect_vreg.gather [hbm4b:s1+s4], $0x80, v4, vm0, $0x2000b8;
	[tilespmem:$0x10100] =	vst v63  }
0x3a: {  	s30 =	sor.u32 $0x1900, s23  }
0x3b: {  	[tilespmem:s30], [sflag:$0x5] =	stream.indirect_vreg.gather [hbm4b:s1+s4], $0x80, v3, vm0, $0x2000b8;
	[tilespmem:$0x10100] =	vst v63  }
0x3c: {  	v3 =	vld [tilespmem:s24+$0x20];
	_ =	sdelay $0x4  }
0x3d: {  	v58 =	vshll.u32 v3, $0x1  }
0x3e: {  	v3 =	vand.u32 $0x7, v3;
	v4 =	vand.u32 $0xFFFFFFF0, v58  }
0x3f: {  	v3 =	vor.u32 v3, v4  }
0x40: {  	v4 =	vperm.xlane v3, v0;
	_ =	sdelay $0x1  }
0x41: {  	v3 =	vperm.xlane v3, v2;
	v4 =	vadd.s32 v1, v4;
	_ =	sdelay $0x1  }
0x42: {  	v3 =	vadd.s32 v1, v3;
	_ =	sdelay $0x1  }
0x43: {  	s31 =	sor.u32 $0x2100, s23  }
0x44: {  	[tilespmem:s31], [sflag:$0x5] =	stream.indirect_vreg.gather [hbm4b:s1+s4], $0x80, v4, vm0, $0x2000b8;
	[tilespmem:$0x10100] =	vst v63  }
0x45: {  	s26 =	sor.u32 $0x2900, s23  }
0x46: {  	[tilespmem:s26], [sflag:$0x5] =	stream.indirect_vreg.gather [hbm4b:s1+s4], $0x80, v3, vm0, $0x2000b8;
	[tilespmem:$0x10100] =	vst v63  }
0x47: {  	v3 =	vld [tilespmem:s24+$0x30];
	_ =	sdelay $0x4  }
0x48: {  	v59 =	vshll.u32 v3, $0x1  }
0x49: {  	v3 =	vand.u32 $0x7, v3;
	v4 =	vand.u32 $0xFFFFFFF0, v59  }
0x4a: {  	v3 =	vor.u32 v3, v4  }
0x4b: {  	v4 =	vperm.xlane v3, v0;
	_ =	sdelay $0x1  }
0x4c: {  	v3 =	vperm.xlane v3, v2;
	v4 =	vadd.s32 v1, v4;
	_ =	sdelay $0x1  }
0x4d: {  	v3 =	vadd.s32 v1, v3;
	_ =	sdelay $0x1  }
0x4e: {  	s28 =	sor.u32 $0x3100, s23  }
0x4f: {  	[tilespmem:s28], [sflag:$0x5] =	stream.indirect_vreg.gather [hbm4b:s1+s4], $0x80, v4, vm0, $0x2000b8;
	[tilespmem:$0x10100] =	vst v63  }
0x50: {  	s29 =	sor.u32 $0x3900, s23  }
0x51: {  	[tilespmem:s29], [sflag:$0x5] =	stream.indirect_vreg.gather [hbm4b:s1+s4], $0x80, v3, vm0, $0x2000b8;
	[tilespmem:$0x10100] =	vst v63  }
0x52: {  	v3 =	vld [tilespmem:s24+$0x40];
	_ =	sdelay $0x4  }
0x53: {  	v60 =	vshll.u32 v3, $0x1  }
0x54: {  	v3 =	vand.u32 $0x7, v3;
	v4 =	vand.u32 $0xFFFFFFF0, v60  }
0x55: {  	v3 =	vor.u32 v3, v4  }
0x56: {  	v4 =	vperm.xlane v3, v0;
	_ =	sdelay $0x1  }
0x57: {  	v3 =	vperm.xlane v3, v2;
	v4 =	vadd.s32 v1, v4;
	_ =	sdelay $0x1  }
0x58: {  	v3 =	vadd.s32 v1, v3;
	_ =	sdelay $0x1  }
0x59: {  	s30 =	sor.u32 $0x4100, s23  }
0x5a: {  	[tilespmem:s30], [sflag:$0x5] =	stream.indirect_vreg.gather [hbm4b:s1+s4], $0x80, v4, vm0, $0x2000b8;
	[tilespmem:$0x10100] =	vst v63  }
0x5b: {  	s31 =	sor.u32 $0x4900, s23  }
0x5c: {  	[tilespmem:s31], [sflag:$0x5] =	stream.indirect_vreg.gather [hbm4b:s1+s4], $0x80, v3, vm0, $0x2000b8;
	[tilespmem:$0x10100] =	vst v63  }
0x5d: {  	v3 =	vld [tilespmem:s24+$0x50];
	_ =	sdelay $0x4  }
0x5e: {  	v61 =	vshll.u32 v3, $0x1  }
0x5f: {  	v3 =	vand.u32 $0x7, v3;
	v4 =	vand.u32 $0xFFFFFFF0, v61  }
0x60: {  	v3 =	vor.u32 v3, v4  }
0x61: {  	v4 =	vperm.xlane v3, v0;
	_ =	sdelay $0x1  }
0x62: {  	v3 =	vperm.xlane v3, v2;
	v4 =	vadd.s32 v1, v4;
	_ =	sdelay $0x1  }
0x63: {  	v3 =	vadd.s32 v1, v3;
	_ =	sdelay $0x1  }
0x64: {  	s26 =	sor.u32 $0x5100, s23  }
0x65: {  	[tilespmem:s26], [sflag:$0x5] =	stream.indirect_vreg.gather [hbm4b:s1+s4], $0x80, v4, vm0, $0x2000b8;
	[tilespmem:$0x10100] =	vst v63  }
0x66: {  	s28 =	sor.u32 $0x5900, s23  }
0x67: {  	[tilespmem:s28], [sflag:$0x5] =	stream.indirect_vreg.gather [hbm4b:s1+s4], $0x80, v3, vm0, $0x2000b8;
	[tilespmem:$0x10100] =	vst v63  }
0x68: {  	v3 =	vld [tilespmem:s24+$0x60];
	_ =	sdelay $0x4  }
0x69: {  	v62 =	vshll.u32 v3, $0x1  }
0x6a: {  	v3 =	vand.u32 $0x7, v3;
	v4 =	vand.u32 $0xFFFFFFF0, v62  }
0x6b: {  	v3 =	vor.u32 v3, v4  }
0x6c: {  	v4 =	vperm.xlane v3, v0;
	_ =	sdelay $0x1  }
0x6d: {  	v3 =	vperm.xlane v3, v2;
	v4 =	vadd.s32 v1, v4;
	_ =	sdelay $0x1  }
0x6e: {  	v3 =	vadd.s32 v1, v3;
	_ =	sdelay $0x1  }
0x6f: {  	s29 =	sor.u32 $0x6100, s23  }
0x70: {  	[tilespmem:s29], [sflag:$0x5] =	stream.indirect_vreg.gather [hbm4b:s1+s4], $0x80, v4, vm0, $0x2000b8;
	[tilespmem:$0x10100] =	vst v63  }
0x71: {  	s30 =	sor.u32 $0x6900, s23  }
0x72: {  	[tilespmem:s30], [sflag:$0x5] =	stream.indirect_vreg.gather [hbm4b:s1+s4], $0x80, v3, vm0, $0x2000b8;
	[tilespmem:$0x10100] =	vst v63  }
0x73: {  	v3 =	vld [tilespmem:s24+$0x70];
	_ =	sdelay $0x4  }
0x74: {  	v63 =	vshll.u32 v3, $0x1  }
0x75: {  	v3 =	vand.u32 $0x7, v3;
	v4 =	vand.u32 $0xFFFFFFF0, v63  }
0x76: {  	v3 =	vor.u32 v3, v4  }
0x77: {  	v4 =	vperm.xlane v3, v0;
	_ =	sdelay $0x1  }
0x78: {  	v3 =	vperm.xlane v3, v2;
	v4 =	vadd.s32 v1, v4;
	_ =	sdelay $0x1  }
0x79: {  	v3 =	vadd.s32 v1, v3;
	_ =	sdelay $0x1  }
0x7a: {  	p4 =	seq.s32 s9, s17;
	p6 =	sne.s32 s17, $0x0;
	s31 =	sor.u32 $0x7100, s23  }
0x7b: {  	[tilespmem:s31], [sflag:$0x5] =	stream.indirect_vreg.gather [hbm4b:s1+s4], $0x80, v4, vm0, $0x2000b8;
	[tilespmem:$0x10100] =	vst v63  }
0x7c: {  	p1 =	por p4, p1;
	s19 =	sadd.s32 s6, s19;
	s23 =	sor.u32 $0x7900, s23  }
0x7d: {  	[tilespmem:s23], [sflag:$0x5] =	stream.indirect_vreg.gather [hbm4b:s1+s4], $0x80, v3, vm0, $0x2000b8;
	[tilespmem:$0x10100] =	vst v63  }
0x7e: {  	p5 =	sne.s32 s20, $0x0;
	s19 =	sshll.u32 @p1 s19, $0xC;
	_ =	swait.ge [sflag:s11], $0x8000  }
0x7f: {  	s20 =	simm.s32 $0x1;
	s19 =	sand.u32 @p1 $0x1FFFF000, s19;
	[sflag:s11] =	ssyncset.done $0x0  }
0x80: {  	s20 =	simm.s32 @!p0 $0x0;
	s19 =	sadd.s32 @p1 s2, s19;
	[sflag:s11] =	ssyncadd.s32 $0xFFFF8000  }
0x81: {  	p2 =	por !p6, !p5;
	s21 =	sadd.s32 @p1 $0x3, s21;
	_ =	strace $0x90000055  }
0x82: {  	p0 =	por !p2, !p2;
	s23 =	simm.s32 @p1 $0x0;
	_ =	strace @p1 $0x80000056  }
0x83: {  	[hbm4b:s19+s23] =	stream.linear.scatter @p1 [tilespmem:s22], [sflag:s21], $0x8000, $0x200038;
	[tilespmem:$0x10100] =	vst v63  }
0x84: {  	s17 =	sadd.s32 $0x1, s17;
	s19 =	simm.s32 $0x1;
	s21 =	sand.u32 @p0 $0x1, s13  }
0x85: {  	_ =	strace @p1 $0x90000056;
	s19 =	simm.s32 @!p1 $0x0;
	p1 =	sne.s32 s7, s17  }
.Ltmp0:
0x86: {  	s21 =	sadd.s32 @p0 $0x3, s21;
	_ =	strace @p0 $0x80000057;
	(pc) =	sbr.rel @p1 .LBB2_2-.Ltmp0, $4  }
0x87: {  	s16 =	sadd.s32 s20, s16;
	s20 =	simm.s32 $0x1;
	_ =	swait.ge @p0 [sflag:s21], $0x8000  }
0x88: {  	s20 =	simm.s32 @!p0 $0x0;
	[sflag:s21] =	ssyncset.done @p0 $0x0  }
0x89: {  	s13 =	sadd.s32 s20, s13;
	s14 =	sadd.s32 s19, s14;
	[sflag:s21] =	ssyncadd.s32 @p0 $0xFFFF8000  }
0x8a: {  	s15 =	sadd.s32 s19, s15;
	s19 =	smov.u32 s18;
	_ =	strace @p0 $0x90000057  }
0x8b: {  	s12 =	sadd.s32 $0x1, s12  }
0x8c: {  	s13 =	sand.u32 $0x1, s13;
	p0 =	sne.s32 s12, s10  }
.Ltmp1:
0x8d: {  	_ =	strace $0x80000058;
	s13 =	sadd.s32 $0x3, s13;
	(pc) =	sbr.rel @p0 .LBB2_1-.Ltmp1, $4  }
0x8e: {  	_ =	swait.ge [sflag:s13], $0x8000  }
0x8f: {  	[sflag:s13] =	ssyncset.done $0x0  }
0x90: {  	[sflag:s13] =	ssyncadd.s32 $0xFFFF8000  }
0x91: {  	_ =	strace $0x90000058  }
0x92: {  	_ =	sfence.sel $0x180000  }
0x93: {  	[bflag:$0x0] =	sbarrier.arrive $0xFFFF  }
0x94: {  	p0 =	sne.s32 s3, $0x0;
	_ =	strace $0x90000051  }
0x95: {  	s0 =	sadd.s32 @!p0 $0x100000, s0;
	[bflag:$0x2] =	sbarrier.arrive $0xFFFF  }
0x96: {  	[sflag:s0] =	ssyncadd.tile.s32 @!p0 $0x1;
	_ =	shalt  }
.Lfunc_end2:
_tile_overlayer_lowered:
.L_overlay_start_2:
0x97: {  	(tag) =	ssettag $0x2  }
0x98: {  	s0 =	rddreg [dreg:$0x0];
	s2 =	stileid.u32  }
0x99: {  	s1 =	rddreg [dreg:$0x1];
	p0 =	sne.s32 s2, $0x0  }
0x9a: {  	s3 =	rddreg [dreg:$0x2];
	[bflag:$0x3] =	sbarrier.arrive $0xFFFF;
	s2 =	simm.s32 @!p0 $0x1C01  }
0x9b: {  	[timem:s3], [sflag:s2] =	dma.local @!p0 [hbm:s0], s1  }
0x9c: {  	s0 =	simm.s32 @!p0 $0x1  }
0x9d: {  	_ =	swait.ge @!p0 [sflag:s0], s1  }
0x9e: {  	s1 =	ssub.s32 @!p0 $0x0, s1;
	[sflag:s0] =	ssyncset.done @!p0 $0x0  }
0x9f: {  	[sflag:s0] =	ssyncadd.s32 @!p0 s1  }
0xa0: {  	[bflag:$0x3] =	sbarrier.arrive $0xFFFF  }
0xa1: {  	_ =	shalt  }

</sc_bundles>
